<compile_context>
chip_gen: v7x
topology: tpu7x:2x2x1
jax: 0.10.2.dev20260603
libtpu: 0.0.44.dev20260713+nightly
codegen_flags: <defaults>
</compile_context>

<pallas_src>
import functools

import jax
import jax.numpy as jnp
from jax import lax
from jax.experimental import pallas as pl
from jax.experimental.pallas import tpu as pltpu
from jax.experimental.pallas import tpu_sc as plsc

_N = 10000
_E = 320000
_D = 128
_NR = 10240
_WG = 128
_WA = 80
_K = 128
_EC = 64
_NC = 2
_NS = 16
_NW = _NC * _NS
_EPRIME = _E + _N
_CH = -(-_EPRIME // (_NW * _EC))
_EPT = _CH * _EC
_EP = _NW * _EPT
_ROWS_PT = _NR // _NS
_BR = 512



def _dense1_body(x_ref, w_ref, g_ref):
    g_ref[...] = jnp.dot(x_ref[...], w_ref[...],
                         preferred_element_type=jnp.float32)


_dense1 = pl.pallas_call(
    _dense1_body,
    grid=(_NR // _BR,),
    in_specs=[pl.BlockSpec((_BR, _D), lambda i: (i, 0)),
              pl.BlockSpec((_D, _WG), lambda i: (0, 0))],
    out_specs=pl.BlockSpec((_BR, _WG), lambda i: (i, 0)),
    out_shape=jax.ShapeDtypeStruct((_NR, _WG), jnp.float32),
)


def _mid_body(a0_ref, a1_ref, r8_ref, b1_ref, w2_ref, g_ref):
    u = a0_ref[...] + a1_ref[...]
    num = u[:, :64]
    den = u[:, 64:72] + 1e-16
    dbc = jnp.dot(den, r8_ref[...], preferred_element_type=jnp.float32)
    h1 = num / dbc + b1_ref[0:1, :]
    z = jnp.where(h1 > 0.0, h1, jnp.exp(h1) - 1.0)
    g_ref[...] = jnp.dot(z, w2_ref[...], preferred_element_type=jnp.float32)


_mid = pl.pallas_call(
    _mid_body,
    grid=(_NR // _BR,),
    in_specs=[pl.BlockSpec((_BR, _WA), lambda i: (i, 0)),
              pl.BlockSpec((_BR, _WA), lambda i: (i, 0)),
              pl.BlockSpec((8, 64), lambda i: (0, 0)),
              pl.BlockSpec((8, 64), lambda i: (0, 0)),
              pl.BlockSpec((64, _WG), lambda i: (0, 0))],
    out_specs=pl.BlockSpec((_BR, _WG), lambda i: (i, 0)),
    out_shape=jax.ShapeDtypeStruct((_NR, _WG), jnp.float32),
)


def _fin_body(a0_ref, a1_ref, b2_ref, o_ref):
    u = a0_ref[...] + a1_ref[...]
    num = u[:, :64]
    den = u[:, 64:65] + 1e-16
    y = num / den + b2_ref[0:1, :]
    m = jnp.max(y, axis=1, keepdims=True)
    lse = m + jnp.log(jnp.sum(jnp.exp(y - m), axis=1, keepdims=True))
    o_ref[...] = y - lse


_fin = pl.pallas_call(
    _fin_body,
    grid=(_NR // _BR,),
    in_specs=[pl.BlockSpec((_BR, _WA), lambda i: (i, 0)),
              pl.BlockSpec((_BR, _WA), lambda i: (i, 0)),
              pl.BlockSpec((8, 64), lambda i: (0, 0))],
    out_specs=pl.BlockSpec((_BR, 64), lambda i: (i, 0)),
    out_shape=jax.ShapeDtypeStruct((_NR, 64), jnp.float32),
)



@functools.lru_cache(maxsize=1)
def _build_edge_pass():
    sc_mesh = plsc.VectorSubcoreMesh(
        core_axis_name="c", subcore_axis_name="s",
        num_cores=_NC, num_subcores=_NS)

    @functools.partial(
        pl.kernel,
        mesh=sc_mesh,
        out_type=jax.ShapeDtypeStruct((_NC, _NR, _WA), jnp.float32),
        scratch_types=[
            pltpu.VMEM((_K,), jnp.int32),
            pltpu.VMEM((_K,), jnp.int32),
            pltpu.VMEM((_EC,), jnp.int32),
            pltpu.VMEM((_K, _WG), jnp.float32),
            pltpu.VMEM((_K, _WG), jnp.float32),
            pltpu.VMEM((_EC, _WA), jnp.float32),
            pltpu.VMEM_SHARED((_NR, _WA), jnp.float32),
            pltpu.SemaphoreType.DMA,
            pltpu.SemaphoreType.DMA,
        ],
    )
    def edge_pass(g_hbm, ci_hbm, dst_hbm, zero_hbm, out_hbm,
                  ci0, ci1, dst_v, gd0, gd1, o_v, acc, sem0, sem1):
        c = lax.axis_index("c")
        s = lax.axis_index("s")
        wid = s * _NC + c

        def blk(j, carry):
            r = pl.ds(s * _ROWS_PT + j * _EC, _EC)
            pltpu.sync_copy(zero_hbm.at[r], o_v)
            pltpu.sync_copy(o_v, acc.at[r])
            return carry

        lax.fori_loop(0, _ROWS_PT // _EC, blk, 0)
        plsc.subcore_barrier()

        cbase = wid * (_CH + 1)

        def consume(i, gd):
            pltpu.sync_copy(dst_hbm.at[pl.ds(wid * _EPT + i * _EC, _EC)],
                            dst_v)

            def edge(e, c2):
                a = gd[e, pl.ds(64, 16)] + gd[_EC + e, pl.ds(80, 16)]
                a = jnp.exp(jnp.maximum(a, 0.2 * a))
                o_v[e, pl.ds(64, 16)] = a
                o_v[e, pl.ds(0, 16)] = gd[e, pl.ds(0, 16)] * a
                o_v[e, pl.ds(16, 16)] = gd[e, pl.ds(16, 16)] * a
                o_v[e, pl.ds(32, 16)] = gd[e, pl.ds(32, 16)] * a
                o_v[e, pl.ds(48, 16)] = gd[e, pl.ds(48, 16)] * a
                return c2

            lax.fori_loop(0, _EC, edge, 0, unroll=2)
            pltpu.sync_copy(o_v, acc.at[dst_v], add=True)

        pltpu.sync_copy(ci_hbm.at[pl.ds(cbase * _K, _K)], ci0)
        pltpu.async_copy(g_hbm.at[ci0], gd0, sem0)

        def pair(ii, carry):
            i0 = 2 * ii
            pltpu.sync_copy(ci_hbm.at[pl.ds((cbase + i0 + 1) * _K, _K)], ci1)
            pltpu.async_copy(g_hbm.at[ci1], gd1, sem1)
            pltpu.make_async_copy(g_hbm.at[ci0], gd0, sem0).wait()
            consume(i0, gd0)
            pltpu.sync_copy(ci_hbm.at[pl.ds((cbase + i0 + 2) * _K, _K)], ci0)
            pltpu.async_copy(g_hbm.at[ci0], gd0, sem0)
            pltpu.make_async_copy(g_hbm.at[ci1], gd1, sem1).wait()
            consume(i0 + 1, gd1)
            return carry

        lax.fori_loop(0, _CH // 2, pair, 0)
        pltpu.make_async_copy(g_hbm.at[ci0], gd0, sem0).wait()
        plsc.subcore_barrier()

        def out_blk(j, carry):
            r = pl.ds(s * _ROWS_PT + j * _EC, _EC)
            pltpu.sync_copy(acc.at[r], o_v)
            pltpu.sync_copy(o_v, out_hbm.at[c, r])
            return carry

        lax.fori_loop(0, _ROWS_PT // _EC, out_blk, 0)

    return edge_pass



def _prep1(W1, att_src1, att_dst1):
    ip = jnp.arange(64)
    perm = (ip % 8) * 8 + ip // 8
    w1cm = W1[:, perm]
    a_src = (W1.reshape(_D, 8, 8) * att_src1[None, :, :]).sum(-1)
    a_dst = (W1.reshape(_D, 8, 8) * att_dst1[None, :, :]).sum(-1)
    dup = jnp.arange(16) % 8
    pad = jnp.zeros((_D, _WG - 96), jnp.float32)
    return jnp.concatenate([w1cm, a_src[:, dup], a_dst[:, dup], pad], axis=1)


def _prep2(W2, att_src2, att_dst2):
    ip = jnp.arange(64)
    perm = (ip % 8) * 8 + ip // 8
    w2cm = W2[perm, :]
    v_src = w2cm @ att_src2[0]
    v_dst = w2cm @ att_dst2[0]
    pad = jnp.zeros((64, _WG - 96), jnp.float32)
    return jnp.concatenate(
        [w2cm, jnp.tile(v_src[:, None], (1, 16)),
         jnp.tile(v_dst[:, None], (1, 16)), pad], axis=1)



def kernel(x, edge_index, W1, att_src1, att_dst1, b1, W2, att_src2, att_dst2, b2):
    ip = jnp.arange(64)
    perm = (ip % 8) * 8 + ip // 8

    xp = jnp.pad(x, ((0, _NR - _N), (0, 0)))
    g1 = _dense1(xp, _prep1(W1, att_src1, att_dst1))

    loop = jnp.arange(_N, dtype=jnp.int32)
    padi = jnp.full((_EP - _EPRIME,), _N, dtype=jnp.int32)
    src = jnp.concatenate([edge_index[0], loop, padi])
    dst = jnp.concatenate([edge_index[1], loop, padi])
    ci3 = jnp.concatenate([src.reshape(_NW, _CH, _EC),
                           dst.reshape(_NW, _CH, _EC)], axis=2)
    cpad = jnp.full((_NW, 1, _K), _N, dtype=jnp.int32)
    ci = jnp.concatenate([ci3, cpad], axis=1).reshape(-1)
    zeros = jnp.zeros((_NR, _WA), jnp.float32)

    edge_pass = _build_edge_pass()
    acc1 = edge_pass(g1, ci, dst, zeros)

    r8 = (jnp.arange(8)[:, None] == (ip[None, :] % 8)).astype(jnp.float32)
    b1r = jnp.broadcast_to(b1[perm][None, :], (8, 64))
    g2 = _mid(acc1[0], acc1[1], r8, b1r, _prep2(W2, att_src2, att_dst2))

    acc2 = edge_pass(g2, ci, dst, zeros)

    b2r = jnp.broadcast_to(b2[None, :], (8, 64))
    out = _fin(acc2[0], acc2[1], b2r)
    return out[:_N]

# --- scband reference (transcript-rebuilt; emitter-appended) ---
"""Pipeline reference for scband-gat-7739531067833 (READ-ONLY COPY).

The authoritative reference and input builder live on the scoring server;
editing this copy changes nothing except your own understanding.
"""

import jax, jax.numpy as jnp
import numpy as np

N = 10000
E = 320000
D = 128
H = 8
C1 = 8
OUT = 64


def setup_inputs(seed: int = 0):
    key = jax.random.key(seed)
    ks = jax.random.split(key, 12)
    x = jax.random.normal(ks[0], (N, D), dtype=jnp.float32)
    edge_index = jax.random.randint(ks[1], (2, E), 0, N, dtype=jnp.int32)
    # GATConv layer 1: in=D, out=C1, heads=H, concat=True
    W1 = jax.random.normal(ks[2], (D, H * C1), dtype=jnp.float32) * 0.1
    att_src1 = jax.random.normal(ks[3], (H, C1), dtype=jnp.float32) * 0.1
    att_dst1 = jax.random.normal(ks[4], (H, C1), dtype=jnp.float32) * 0.1
    b1 = jnp.zeros((H * C1,), dtype=jnp.float32)
    # GATConv layer 2: in=H*C1, out=OUT, heads=1, concat=False
    W2 = jax.random.normal(ks[5], (H * C1, OUT), dtype=jnp.float32) * 0.1
    att_src2 = jax.random.normal(ks[6], (1, OUT), dtype=jnp.float32) * 0.1
    att_dst2 = jax.random.normal(ks[7], (1, OUT), dtype=jnp.float32) * 0.1
    b2 = jnp.zeros((OUT,), dtype=jnp.float32)
    return {"x": x, "edge_index": edge_index, "W1": W1, "att_src1": att_src1,
            "att_dst1": att_dst1, "b1": b1, "W2": W2, "att_src2": att_src2,
            "att_dst2": att_dst2, "b2": b2}


def _gat_conv(x, edge_index, W, att_src, att_dst, bias, heads, out_c, concat):
    n = x.shape[0]
    # add self loops (PyG GATConv default add_self_loops=True)
    loop = jnp.arange(n, dtype=edge_index.dtype)
    src = jnp.concatenate([edge_index[0], loop])
    dst = jnp.concatenate([edge_index[1], loop])
    h = (x @ W).reshape(n, heads, out_c)
    a_src = (h * att_src[None, :, :]).sum(-1)  # [N, H]
    a_dst = (h * att_dst[None, :, :]).sum(-1)  # [N, H]
    alpha = a_src[src] + a_dst[dst]            # [E', H]
    alpha = jax.nn.leaky_relu(alpha, negative_slope=0.2)
    # softmax over incoming edges per destination node
    amax = jax.ops.segment_max(alpha, dst, num_segments=n)
    amax = jnp.where(jnp.isfinite(amax), amax, 0.0)
    ex = jnp.exp(alpha - amax[dst])
    denom = jax.ops.segment_sum(ex, dst, num_segments=n)
    alpha = ex / (denom[dst] + 1e-16)
    # dropout on alpha is identity in eval mode
    msg = h[src] * alpha[..., None]            # [E', H, C]
    out = jax.ops.segment_sum(msg, dst, num_segments=n)  # [N, H, C]
    if concat:
        out = out.reshape(n, heads * out_c)
    else:
        out = out.mean(axis=1)
    return out + bias


def reference(x, edge_index, W1, att_src1, att_dst1, b1, W2, att_src2, att_dst2, b2):
    # F.dropout with training=False is identity (eval mode)
    h = _gat_conv(x, edge_index, W1, att_src1, att_dst1, b1, H, C1, True)
    h = jax.nn.elu(h)
    h = _gat_conv(h, edge_index, W2, att_src2, att_dst2, b2, 1, OUT, False)
    return jax.nn.log_softmax(h, axis=1)

if __name__ == "__main__":
    import jax
    _d = setup_inputs()
    print(jax.jit(kernel)(*tuple(_d.values())))

</pallas_src>

<mosaic_0001>
#map = affine_map<(d0, d1) -> (0, 0)>
#map1 = affine_map<(d0, d1) -> (0)>
#map2 = affine_map<(d0, d1) -> (0, 0, 0)>
module attributes {stable_mosaic.version = 14 : i64} {
  func.func @edge_pass(%arg0: i32, %arg1: i32, %arg2: memref<10240x128xf32, #tpu.memory_space<hbm>>, %arg3: memref<667648xi32, #tpu.memory_space<hbm>>, %arg4: memref<331776xi32, #tpu.memory_space<hbm>>, %arg5: memref<10240x80xf32, #tpu.memory_space<hbm>>, %arg6: memref<2x10240x80xf32, #tpu.memory_space<hbm>>, %arg7: memref<128xi32, #tpu.memory_space<vmem>>, %arg8: memref<128xi32, #tpu.memory_space<vmem>>, %arg9: memref<64xi32, #tpu.memory_space<vmem>>, %arg10: memref<128x128xf32, #tpu.memory_space<vmem>>, %arg11: memref<128x128xf32, #tpu.memory_space<vmem>>, %arg12: memref<64x80xf32, #tpu.memory_space<vmem>>, %arg13: memref<10240x80xf32, #tpu.memory_space<vmem_shared>>, %arg14: memref<!tpu.dma_semaphore, #tpu.memory_space<semaphore_mem>>, %arg15: memref<!tpu.dma_semaphore, #tpu.memory_space<semaphore_mem>>) attributes {dimension_semantics = [#tpu.dimension_semantics<core_parallel>, #tpu.dimension_semantics<subcore_parallel>], iteration_bounds = array<i64: 2, 16>, scalar_prefetch = 0 : i64, scratch_operands = 9 : i64, tpu.core_type = #tpu.core_type<sc_vector_subcore>, window_params = [{transform_indices = #map}, {transform_indices = #map1}, {transform_indices = #map1}, {transform_indices = #map}, {transform_indices = #map2}]} {
    %mul3A = arith.constant 2 : i32
    %mul3A_0 = arith.muli %arg1, %mul3A : i32
    %add3A = arith.addi %mul3A_0, %arg0 : i32
    %scan3A = arith.constant 0 : i32
    %scan3A_1 = arith.constant 0 : i32
    %scan3A_2 = arith.constant 10 : i32
    %scan3A_3 = arith.addi %scan3A_1, %scan3A_2 : i32
    %scan3A_4 = arith.constant 1 : i32
    scf.for %scan3A_27 = %scan3A_1 to %scan3A_3 step %scan3A_4  : i32 {
      %mul3A_28 = arith.constant 640 : i32
      %mul3A_29 = arith.muli %arg1, %mul3A_28 : i32
      %mul3A_30 = arith.constant 64 : i32
      %mul3A_31 = arith.muli %scan3A_27, %mul3A_30 : i32
      %add3A_32 = arith.addi %mul3A_29, %mul3A_31 : i32
      "tpu.region"() ({
        %run_scoped3A = tpu.sem_alloc : memref<!tpu.dma_semaphore, #tpu.memory_space<semaphore_mem>>
        %dma_start3A_33 = arith.constant 0 : i32
        %dma_start3A_34 = tpu.memref_slice %arg5[%add3A_32, %dma_start3A_33] : memref<10240x80xf32, #tpu.memory_space<hbm>> -> memref<64x80xf32, #tpu.memory_space<hbm>>
        %dma_start3A_35 = arith.constant 0 : i32
        %dma_start3A_36 = tpu.memref_slice %arg5[%add3A_32, %dma_start3A_35] : memref<10240x80xf32, #tpu.memory_space<hbm>> -> memref<64x80xf32, #tpu.memory_space<hbm>>
        tpu.enqueue_dma source(%dma_start3A_36 : memref<64x80xf32, #tpu.memory_space<hbm>>) target(%arg12 : memref<64x80xf32, #tpu.memory_space<vmem>>) target_semaphore(%run_scoped3A : memref<!tpu.dma_semaphore, #tpu.memory_space<semaphore_mem>>)
        %dma_wait3A_37 = arith.constant 0 : i32
        %dma_wait3A_38 = tpu.memref_slice %arg5[%add3A_32, %dma_wait3A_37] : memref<10240x80xf32, #tpu.memory_space<hbm>> -> memref<64x80xf32, #tpu.memory_space<hbm>>
        %dma_wait3A_39 = arith.constant 0 : i32
        %dma_wait3A_40 = tpu.memref_slice %arg5[%add3A_32, %dma_wait3A_39] : memref<10240x80xf32, #tpu.memory_space<hbm>> -> memref<64x80xf32, #tpu.memory_space<hbm>>
        tpu.wait_dma2 semaphore(%run_scoped3A : memref<!tpu.dma_semaphore, #tpu.memory_space<semaphore_mem>>) src(%dma_wait3A_40 : memref<64x80xf32, #tpu.memory_space<hbm>>) dst(%arg12 : memref<64x80xf32, #tpu.memory_space<vmem>>)
        tpu.yield
      }) : () -> ()
      "tpu.region"() ({
        %run_scoped3A = tpu.sem_alloc : memref<!tpu.dma_semaphore, #tpu.memory_space<semaphore_mem>>
        %dma_start3A_33 = arith.constant 0 : i32
        %dma_start3A_34 = tpu.memref_slice %arg13[%add3A_32, %dma_start3A_33] : memref<10240x80xf32, #tpu.memory_space<vmem_shared>> -> memref<64x80xf32, #tpu.memory_space<vmem_shared>>
        %dma_start3A_35 = arith.constant 0 : i32
        %dma_start3A_36 = tpu.memref_slice %arg13[%add3A_32, %dma_start3A_35] : memref<10240x80xf32, #tpu.memory_space<vmem_shared>> -> memref<64x80xf32, #tpu.memory_space<vmem_shared>>
        tpu.enqueue_dma source(%arg12 : memref<64x80xf32, #tpu.memory_space<vmem>>) target(%dma_start3A_36 : memref<64x80xf32, #tpu.memory_space<vmem_shared>>) target_semaphore(%run_scoped3A : memref<!tpu.dma_semaphore, #tpu.memory_space<semaphore_mem>>)
        %dma_wait3A_37 = arith.constant 0 : i32
        %dma_wait3A_38 = tpu.memref_slice %arg13[%add3A_32, %dma_wait3A_37] : memref<10240x80xf32, #tpu.memory_space<vmem_shared>> -> memref<64x80xf32, #tpu.memory_space<vmem_shared>>
        %dma_wait3A_39 = arith.constant 0 : i32
        %dma_wait3A_40 = tpu.memref_slice %arg13[%add3A_32, %dma_wait3A_39] : memref<10240x80xf32, #tpu.memory_space<vmem_shared>> -> memref<64x80xf32, #tpu.memory_space<vmem_shared>>
        tpu.wait_dma2 semaphore(%run_scoped3A : memref<!tpu.dma_semaphore, #tpu.memory_space<semaphore_mem>>) src(%arg12 : memref<64x80xf32, #tpu.memory_space<vmem>>) dst(%dma_wait3A_40 : memref<64x80xf32, #tpu.memory_space<vmem_shared>>)
        tpu.yield
      }) : () -> ()
    }
    %scan3A_5 = arith.constant 10 : i32
    %barrier3A = arith.constant 0 : index
    tpu.barrier barrier_id(%barrier3A)
    %mul3A_6 = arith.constant 163 : i32
    %mul3A_7 = arith.muli %add3A, %mul3A_6 : i32
    %mul3A_8 = arith.constant 128 : i32
    %mul3A_9 = arith.muli %mul3A_7, %mul3A_8 : i32
    "tpu.region"() ({
      %run_scoped3A = tpu.sem_alloc : memref<!tpu.dma_semaphore, #tpu.memory_space<semaphore_mem>>
      %dma_start3A_27 = tpu.memref_slice %arg3[%mul3A_9] : memref<667648xi32, #tpu.memory_space<hbm>> -> memref<128xi32, #tpu.memory_space<hbm>>
      %dma_start3A_28 = tpu.memref_slice %arg3[%mul3A_9] : memref<667648xi32, #tpu.memory_space<hbm>> -> memref<128xi32, #tpu.memory_space<hbm>>
      tpu.enqueue_dma source(%dma_start3A_28 : memref<128xi32, #tpu.memory_space<hbm>>) target(%arg7 : memref<128xi32, #tpu.memory_space<vmem>>) target_semaphore(%run_scoped3A : memref<!tpu.dma_semaphore, #tpu.memory_space<semaphore_mem>>)
      %dma_wait3A_29 = tpu.memref_slice %arg3[%mul3A_9] : memref<667648xi32, #tpu.memory_space<hbm>> -> memref<128xi32, #tpu.memory_space<hbm>>
      %dma_wait3A_30 = tpu.memref_slice %arg3[%mul3A_9] : memref<667648xi32, #tpu.memory_space<hbm>> -> memref<128xi32, #tpu.memory_space<hbm>>
      tpu.wait_dma2 semaphore(%run_scoped3A : memref<!tpu.dma_semaphore, #tpu.memory_space<semaphore_mem>>) src(%dma_wait3A_30 : memref<128xi32, #tpu.memory_space<hbm>>) dst(%arg7 : memref<128xi32, #tpu.memory_space<vmem>>)
      tpu.yield
    }) : () -> ()
    %dma_start3A = arith.constant 0 : i32
    %dma_start3A_10 = arith.constant 0 : i32
    %dma_start3A_11 = tpu.memref_slice %arg2[%dma_start3A, %dma_start3A_10] : memref<10240x128xf32, #tpu.memory_space<hbm>> -> memref<10240x128xf32, #tpu.memory_space<hbm>>
    tpu.enqueue_indirect_dma source(%dma_start3A_11 : memref<10240x128xf32, #tpu.memory_space<hbm>>) target(%arg10 : memref<128x128xf32, #tpu.memory_space<vmem>>) offsets(%arg7 : memref<128xi32, #tpu.memory_space<vmem>>) semaphore(%arg14 : memref<!tpu.dma_semaphore, #tpu.memory_space<semaphore_mem>>)
    %scan3A_12 = arith.constant 0 : i32
    %scan3A_13 = arith.constant 0 : i32
    %scan3A_14 = arith.constant 81 : i32
    %scan3A_15 = arith.addi %scan3A_13, %scan3A_14 : i32
    %scan3A_16 = arith.constant 1 : i32
    scf.for %scan3A_27 = %scan3A_13 to %scan3A_15 step %scan3A_16  : i32 {
      %mul3A_28 = arith.constant 2 : i32
      %mul3A_29 = arith.muli %mul3A_28, %scan3A_27 : i32
      %add3A_30 = arith.addi %mul3A_7, %mul3A_29 : i32
      %add3A_31 = arith.constant 1 : i32
      %add3A_32 = arith.addi %add3A_30, %add3A_31 : i32
      %mul3A_33 = arith.constant 128 : i32
      %mul3A_34 = arith.muli %add3A_32, %mul3A_33 : i32
      "tpu.region"() ({
        %run_scoped3A = tpu.sem_alloc : memref<!tpu.dma_semaphore, #tpu.memory_space<semaphore_mem>>
        %dma_start3A_76 = tpu.memref_slice %arg3[%mul3A_34] : memref<667648xi32, #tpu.memory_space<hbm>> -> memref<128xi32, #tpu.memory_space<hbm>>
        %dma_start3A_77 = tpu.memref_slice %arg3[%mul3A_34] : memref<667648xi32, #tpu.memory_space<hbm>> -> memref<128xi32, #tpu.memory_space<hbm>>
        tpu.enqueue_dma source(%dma_start3A_77 : memref<128xi32, #tpu.memory_space<hbm>>) target(%arg8 : memref<128xi32, #tpu.memory_space<vmem>>) target_semaphore(%run_scoped3A : memref<!tpu.dma_semaphore, #tpu.memory_space<semaphore_mem>>)
        %dma_wait3A_78 = tpu.memref_slice %arg3[%mul3A_34] : memref<667648xi32, #tpu.memory_space<hbm>> -> memref<128xi32, #tpu.memory_space<hbm>>
        %dma_wait3A_79 = tpu.memref_slice %arg3[%mul3A_34] : memref<667648xi32, #tpu.memory_space<hbm>> -> memref<128xi32, #tpu.memory_space<hbm>>
        tpu.wait_dma2 semaphore(%run_scoped3A : memref<!tpu.dma_semaphore, #tpu.memory_space<semaphore_mem>>) src(%dma_wait3A_79 : memref<128xi32, #tpu.memory_space<hbm>>) dst(%arg8 : memref<128xi32, #tpu.memory_space<vmem>>)
        tpu.yield
      }) : () -> ()
      %dma_start3A_35 = arith.constant 0 : i32
      %dma_start3A_36 = arith.constant 0 : i32
      %dma_start3A_37 = tpu.memref_slice %arg2[%dma_start3A_35, %dma_start3A_36] : memref<10240x128xf32, #tpu.memory_space<hbm>> -> memref<10240x128xf32, #tpu.memory_space<hbm>>
      tpu.enqueue_indirect_dma source(%dma_start3A_37 : memref<10240x128xf32, #tpu.memory_space<hbm>>) target(%arg11 : memref<128x128xf32, #tpu.memory_space<vmem>>) offsets(%arg8 : memref<128xi32, #tpu.memory_space<vmem>>) semaphore(%arg15 : memref<!tpu.dma_semaphore, #tpu.memory_space<semaphore_mem>>)
      %dma_wait3A_38 = arith.constant 0 : i32
      %dma_wait3A_39 = arith.constant 0 : i32
      %dma_wait3A_40 = tpu.memref_slice %arg2[%dma_wait3A_38, %dma_wait3A_39] : memref<10240x128xf32, #tpu.memory_space<hbm>> -> memref<10240x128xf32, #tpu.memory_space<hbm>>
      tpu.wait_indirect_dma semaphore(%arg14 : memref<!tpu.dma_semaphore, #tpu.memory_space<semaphore_mem>>) src(%dma_wait3A_40 : memref<10240x128xf32, #tpu.memory_space<hbm>>) dst(%arg10 : memref<128x128xf32, #tpu.memory_space<vmem>>)
      %mul3A_41 = arith.constant 10368 : i32
      %mul3A_42 = arith.muli %add3A, %mul3A_41 : i32
      %mul3A_43 = arith.constant 64 : i32
      %mul3A_44 = arith.muli %mul3A_29, %mul3A_43 : i32
      %add3A_45 = arith.addi %mul3A_42, %mul3A_44 : i32
      "tpu.region"() ({
        %run_scoped3A = tpu.sem_alloc : memref<!tpu.dma_semaphore, #tpu.memory_space<semaphore_mem>>
        %dma_start3A_76 = tpu.memref_slice %arg4[%add3A_45] : memref<331776xi32, #tpu.memory_space<hbm>> -> memref<64xi32, #tpu.memory_space<hbm>>
        %dma_start3A_77 = tpu.memref_slice %arg4[%add3A_45] : memref<331776xi32, #tpu.memory_space<hbm>> -> memref<64xi32, #tpu.memory_space<hbm>>
        tpu.enqueue_dma source(%dma_start3A_77 : memref<64xi32, #tpu.memory_space<hbm>>) target(%arg9 : memref<64xi32, #tpu.memory_space<vmem>>) target_semaphore(%run_scoped3A : memref<!tpu.dma_semaphore, #tpu.memory_space<semaphore_mem>>)
        %dma_wait3A_78 = tpu.memref_slice %arg4[%add3A_45] : memref<331776xi32, #tpu.memory_space<hbm>> -> memref<64xi32, #tpu.memory_space<hbm>>
        %dma_wait3A_79 = tpu.memref_slice %arg4[%add3A_45] : memref<331776xi32, #tpu.memory_space<hbm>> -> memref<64xi32, #tpu.memory_space<hbm>>
        tpu.wait_dma2 semaphore(%run_scoped3A : memref<!tpu.dma_semaphore, #tpu.memory_space<semaphore_mem>>) src(%dma_wait3A_79 : memref<64xi32, #tpu.memory_space<hbm>>) dst(%arg9 : memref<64xi32, #tpu.memory_space<vmem>>)
        tpu.yield
      }) : () -> ()
      %scan3A_46 = arith.constant 0 : i32
      %scan3A_47 = arith.constant 0 : i32
      %scan3A_48 = arith.constant 64 : i32
      %scan3A_49 = arith.addi %scan3A_47, %scan3A_48 : i32
      %scan3A_50 = arith.constant 2 : i32
      scf.for %scan3A_76 = %scan3A_47 to %scan3A_49 step %scan3A_50  : i32 {
        %get3A = arith.index_cast %scan3A_76 : i32 to index
        %get3A_77 = arith.constant 64 : index
        %get3A_78 = tpu.vector_load %arg10[%get3A, %get3A_77] {strides = array<i32>} : memref<128x128xf32, #tpu.memory_space<vmem>>, vector<1x16xf32>,
        %get3A_79 = vector.shape_cast %get3A_78 : vector<1x16xf32> to vector<16xf32>
        %add3A_80 = arith.constant 64 : i32
        %add3A_81 = arith.addi %add3A_80, %scan3A_76 : i32
        %get3A_82 = arith.index_cast %add3A_81 : i32 to index
        %get3A_83 = arith.constant 80 : index
        %get3A_84 = tpu.vector_load %arg10[%get3A_82, %get3A_83] {strides = array<i32>} : memref<128x128xf32, #tpu.memory_space<vmem>>, vector<1x16xf32>,
        %get3A_85 = vector.shape_cast %get3A_84 : vector<1x16xf32> to vector<16xf32>
        %add3A_86 = arith.addf %get3A_79, %get3A_85 : vector<16xf32>
        %mul3A_87 = arith.constant 2.000000e-01 : f32
        %mul3A_88 = vector.broadcast %mul3A_87 : f32 to vector<16xf32>
        %mul3A_89 = arith.mulf %mul3A_88, %add3A_86 : vector<16xf32>
        %max3A = arith.maximumf %add3A_86, %mul3A_89 : vector<16xf32>
        %exp3A = math.exp %max3A : vector<16xf32>
        %swap3A = arith.index_cast %scan3A_76 : i32 to index
        %swap3A_90 = arith.constant 64 : index
        %swap3A_91 = tpu.vector_load %arg12[%swap3A, %swap3A_90] {strides = array<i32>} : memref<64x80xf32, #tpu.memory_space<vmem>>, vector<1x16xf32>,
        %swap3A_92 = vector.shape_cast %swap3A_91 : vector<1x16xf32> to vector<16xf32>
        %swap3A_93 = vector.shape_cast %exp3A : vector<16xf32> to vector<1x16xf32>
        tpu.vector_store %arg12[%swap3A, %swap3A_90], %swap3A_93 {strides = array<i32>} : memref<64x80xf32, #tpu.memory_space<vmem>>, vector<1x16xf32>,
        %get3A_94 = arith.index_cast %scan3A_76 : i32 to index
        %get3A_95 = arith.constant 0 : index
        %get3A_96 = tpu.vector_load %arg10[%get3A_94, %get3A_95] {strides = array<i32>} : memref<128x128xf32, #tpu.memory_space<vmem>>, vector<1x16xf32>,
        %get3A_97 = vector.shape_cast %get3A_96 : vector<1x16xf32> to vector<16xf32>
        %mul3A_98 = arith.mulf %get3A_97, %exp3A : vector<16xf32>
        %swap3A_99 = arith.index_cast %scan3A_76 : i32 to index
        %swap3A_100 = arith.constant 0 : index
        %swap3A_101 = tpu.vector_load %arg12[%swap3A_99, %swap3A_100] {strides = array<i32>} : memref<64x80xf32, #tpu.memory_space<vmem>>, vector<1x16xf32>,
        %swap3A_102 = vector.shape_cast %swap3A_101 : vector<1x16xf32> to vector<16xf32>
        %swap3A_103 = vector.shape_cast %mul3A_98 : vector<16xf32> to vector<1x16xf32>
        tpu.vector_store %arg12[%swap3A_99, %swap3A_100], %swap3A_103 {strides = array<i32>} : memref<64x80xf32, #tpu.memory_space<vmem>>, vector<1x16xf32>,
        %get3A_104 = arith.index_cast %scan3A_76 : i32 to index
        %get3A_105 = arith.constant 16 : index
        %get3A_106 = tpu.vector_load %arg10[%get3A_104, %get3A_105] {strides = array<i32>} : memref<128x128xf32, #tpu.memory_space<vmem>>, vector<1x16xf32>,
        %get3A_107 = vector.shape_cast %get3A_106 : vector<1x16xf32> to vector<16xf32>
        %mul3A_108 = arith.mulf %get3A_107, %exp3A : vector<16xf32>
        %swap3A_109 = arith.index_cast %scan3A_76 : i32 to index
        %swap3A_110 = arith.constant 16 : index
        %swap3A_111 = tpu.vector_load %arg12[%swap3A_109, %swap3A_110] {strides = array<i32>} : memref<64x80xf32, #tpu.memory_space<vmem>>, vector<1x16xf32>,
        %swap3A_112 = vector.shape_cast %swap3A_111 : vector<1x16xf32> to vector<16xf32>
        %swap3A_113 = vector.shape_cast %mul3A_108 : vector<16xf32> to vector<1x16xf32>
        tpu.vector_store %arg12[%swap3A_109, %swap3A_110], %swap3A_113 {strides = array<i32>} : memref<64x80xf32, #tpu.memory_space<vmem>>, vector<1x16xf32>,
        %get3A_114 = arith.index_cast %scan3A_76 : i32 to index
        %get3A_115 = arith.constant 32 : index
        %get3A_116 = tpu.vector_load %arg10[%get3A_114, %get3A_115] {strides = array<i32>} : memref<128x128xf32, #tpu.memory_space<vmem>>, vector<1x16xf32>,
        %get3A_117 = vector.shape_cast %get3A_116 : vector<1x16xf32> to vector<16xf32>
        %mul3A_118 = arith.mulf %get3A_117, %exp3A : vector<16xf32>
        %swap3A_119 = arith.index_cast %scan3A_76 : i32 to index
        %swap3A_120 = arith.constant 32 : index
        %swap3A_121 = tpu.vector_load %arg12[%swap3A_119, %swap3A_120] {strides = array<i32>} : memref<64x80xf32, #tpu.memory_space<vmem>>, vector<1x16xf32>,
        %swap3A_122 = vector.shape_cast %swap3A_121 : vector<1x16xf32> to vector<16xf32>
        %swap3A_123 = vector.shape_cast %mul3A_118 : vector<16xf32> to vector<1x16xf32>
        tpu.vector_store %arg12[%swap3A_119, %swap3A_120], %swap3A_123 {strides = array<i32>} : memref<64x80xf32, #tpu.memory_space<vmem>>, vector<1x16xf32>,
        %get3A_124 = arith.index_cast %scan3A_76 : i32 to index
        %get3A_125 = arith.constant 48 : index
        %get3A_126 = tpu.vector_load %arg10[%get3A_124, %get3A_125] {strides = array<i32>} : memref<128x128xf32, #tpu.memory_space<vmem>>, vector<1x16xf32>,
        %get3A_127 = vector.shape_cast %get3A_126 : vector<1x16xf32> to vector<16xf32>
        %mul3A_128 = arith.mulf %get3A_127, %exp3A : vector<16xf32>
        %swap3A_129 = arith.index_cast %scan3A_76 : i32 to index
        %swap3A_130 = arith.constant 48 : index
        %swap3A_131 = tpu.vector_load %arg12[%swap3A_129, %swap3A_130] {strides = array<i32>} : memref<64x80xf32, #tpu.memory_space<vmem>>, vector<1x16xf32>,
        %swap3A_132 = vector.shape_cast %swap3A_131 : vector<1x16xf32> to vector<16xf32>
        %swap3A_133 = vector.shape_cast %mul3A_128 : vector<16xf32> to vector<1x16xf32>
        tpu.vector_store %arg12[%swap3A_129, %swap3A_130], %swap3A_133 {strides = array<i32>} : memref<64x80xf32, #tpu.memory_space<vmem>>, vector<1x16xf32>,
        %scan3A_134 = arith.constant 1 : i32
        %scan3A_135 = arith.addi %scan3A_76, %scan3A_134 : i32
        %get3A_136 = arith.index_cast %scan3A_135 : i32 to index
        %get3A_137 = arith.constant 64 : index
        %get3A_138 = tpu.vector_load %arg10[%get3A_136, %get3A_137] {strides = array<i32>} : memref<128x128xf32, #tpu.memory_space<vmem>>, vector<1x16xf32>,
        %get3A_139 = vector.shape_cast %get3A_138 : vector<1x16xf32> to vector<16xf32>
        %add3A_140 = arith.constant 64 : i32
        %add3A_141 = arith.addi %add3A_140, %scan3A_135 : i32
        %get3A_142 = arith.index_cast %add3A_141 : i32 to index
        %get3A_143 = arith.constant 80 : index
        %get3A_144 = tpu.vector_load %arg10[%get3A_142, %get3A_143] {strides = array<i32>} : memref<128x128xf32, #tpu.memory_space<vmem>>, vector<1x16xf32>,
        %get3A_145 = vector.shape_cast %get3A_144 : vector<1x16xf32> to vector<16xf32>
        %add3A_146 = arith.addf %get3A_139, %get3A_145 : vector<16xf32>
        %mul3A_147 = arith.constant 2.000000e-01 : f32
        %mul3A_148 = vector.broadcast %mul3A_147 : f32 to vector<16xf32>
        %mul3A_149 = arith.mulf %mul3A_148, %add3A_146 : vector<16xf32>
        %max3A_150 = arith.maximumf %add3A_146, %mul3A_149 : vector<16xf32>
        %exp3A_151 = math.exp %max3A_150 : vector<16xf32>
        %swap3A_152 = arith.index_cast %scan3A_135 : i32 to index
        %swap3A_153 = arith.constant 64 : index
        %swap3A_154 = tpu.vector_load %arg12[%swap3A_152, %swap3A_153] {strides = array<i32>} : memref<64x80xf32, #tpu.memory_space<vmem>>, vector<1x16xf32>,
        %swap3A_155 = vector.shape_cast %swap3A_154 : vector<1x16xf32> to vector<16xf32>
        %swap3A_156 = vector.shape_cast %exp3A_151 : vector<16xf32> to vector<1x16xf32>
        tpu.vector_store %arg12[%swap3A_152, %swap3A_153], %swap3A_156 {strides = array<i32>} : memref<64x80xf32, #tpu.memory_space<vmem>>, vector<1x16xf32>,
        %get3A_157 = arith.index_cast %scan3A_135 : i32 to index
        %get3A_158 = arith.constant 0 : index
        %get3A_159 = tpu.vector_load %arg10[%get3A_157, %get3A_158] {strides = array<i32>} : memref<128x128xf32, #tpu.memory_space<vmem>>, vector<1x16xf32>,
        %get3A_160 = vector.shape_cast %get3A_159 : vector<1x16xf32> to vector<16xf32>
        %mul3A_161 = arith.mulf %get3A_160, %exp3A_151 : vector<16xf32>
        %swap3A_162 = arith.index_cast %scan3A_135 : i32 to index
        %swap3A_163 = arith.constant 0 : index
        %swap3A_164 = tpu.vector_load %arg12[%swap3A_162, %swap3A_163] {strides = array<i32>} : memref<64x80xf32, #tpu.memory_space<vmem>>, vector<1x16xf32>,
        %swap3A_165 = vector.shape_cast %swap3A_164 : vector<1x16xf32> to vector<16xf32>
        %swap3A_166 = vector.shape_cast %mul3A_161 : vector<16xf32> to vector<1x16xf32>
        tpu.vector_store %arg12[%swap3A_162, %swap3A_163], %swap3A_166 {strides = array<i32>} : memref<64x80xf32, #tpu.memory_space<vmem>>, vector<1x16xf32>,
        %get3A_167 = arith.index_cast %scan3A_135 : i32 to index
        %get3A_168 = arith.constant 16 : index
        %get3A_169 = tpu.vector_load %arg10[%get3A_167, %get3A_168] {strides = array<i32>} : memref<128x128xf32, #tpu.memory_space<vmem>>, vector<1x16xf32>,
        %get3A_170 = vector.shape_cast %get3A_169 : vector<1x16xf32> to vector<16xf32>
        %mul3A_171 = arith.mulf %get3A_170, %exp3A_151 : vector<16xf32>
        %swap3A_172 = arith.index_cast %scan3A_135 : i32 to index
        %swap3A_173 = arith.constant 16 : index
        %swap3A_174 = tpu.vector_load %arg12[%swap3A_172, %swap3A_173] {strides = array<i32>} : memref<64x80xf32, #tpu.memory_space<vmem>>, vector<1x16xf32>,
        %swap3A_175 = vector.shape_cast %swap3A_174 : vector<1x16xf32> to vector<16xf32>
        %swap3A_176 = vector.shape_cast %mul3A_171 : vector<16xf32> to vector<1x16xf32>
        tpu.vector_store %arg12[%swap3A_172, %swap3A_173], %swap3A_176 {strides = array<i32>} : memref<64x80xf32, #tpu.memory_space<vmem>>, vector<1x16xf32>,
        %get3A_177 = arith.index_cast %scan3A_135 : i32 to index
        %get3A_178 = arith.constant 32 : index
        %get3A_179 = tpu.vector_load %arg10[%get3A_177, %get3A_178] {strides = array<i32>} : memref<128x128xf32, #tpu.memory_space<vmem>>, vector<1x16xf32>,
        %get3A_180 = vector.shape_cast %get3A_179 : vector<1x16xf32> to vector<16xf32>
        %mul3A_181 = arith.mulf %get3A_180, %exp3A_151 : vector<16xf32>
        %swap3A_182 = arith.index_cast %scan3A_135 : i32 to index
        %swap3A_183 = arith.constant 32 : index
        %swap3A_184 = tpu.vector_load %arg12[%swap3A_182, %swap3A_183] {strides = array<i32>} : memref<64x80xf32, #tpu.memory_space<vmem>>, vector<1x16xf32>,
        %swap3A_185 = vector.shape_cast %swap3A_184 : vector<1x16xf32> to vector<16xf32>
        %swap3A_186 = vector.shape_cast %mul3A_181 : vector<16xf32> to vector<1x16xf32>
        tpu.vector_store %arg12[%swap3A_182, %swap3A_183], %swap3A_186 {strides = array<i32>} : memref<64x80xf32, #tpu.memory_space<vmem>>, vector<1x16xf32>,
        %get3A_187 = arith.index_cast %scan3A_135 : i32 to index
        %get3A_188 = arith.constant 48 : index
        %get3A_189 = tpu.vector_load %arg10[%get3A_187, %get3A_188] {strides = array<i32>} : memref<128x128xf32, #tpu.memory_space<vmem>>, vector<1x16xf32>,
        %get3A_190 = vector.shape_cast %get3A_189 : vector<1x16xf32> to vector<16xf32>
        %mul3A_191 = arith.mulf %get3A_190, %exp3A_151 : vector<16xf32>
        %swap3A_192 = arith.index_cast %scan3A_135 : i32 to index
        %swap3A_193 = arith.constant 48 : index
        %swap3A_194 = tpu.vector_load %arg12[%swap3A_192, %swap3A_193] {strides = array<i32>} : memref<64x80xf32, #tpu.memory_space<vmem>>, vector<1x16xf32>,
        %swap3A_195 = vector.shape_cast %swap3A_194 : vector<1x16xf32> to vector<16xf32>
        %swap3A_196 = vector.shape_cast %mul3A_191 : vector<16xf32> to vector<1x16xf32>
        tpu.vector_store %arg12[%swap3A_192, %swap3A_193], %swap3A_196 {strides = array<i32>} : memref<64x80xf32, #tpu.memory_space<vmem>>, vector<1x16xf32>,
      }
      %scan3A_51 = arith.constant 64 : i32
      "tpu.region"() ({
        %run_scoped3A = tpu.sem_alloc : memref<!tpu.dma_semaphore, #tpu.memory_space<semaphore_mem>>
        %dma_start3A_76 = arith.constant 0 : i32
        %dma_start3A_77 = arith.constant 0 : i32
        %dma_start3A_78 = tpu.memref_slice %arg13[%dma_start3A_76, %dma_start3A_77] : memref<10240x80xf32, #tpu.memory_space<vmem_shared>> -> memref<10240x80xf32, #tpu.memory_space<vmem_shared>>
        tpu.enqueue_indirect_dma source(%arg12 : memref<64x80xf32, #tpu.memory_space<vmem>>) target(%dma_start3A_78 : memref<10240x80xf32, #tpu.memory_space<vmem_shared>>) offsets(%arg9 : memref<64xi32, #tpu.memory_space<vmem>>) semaphore(%run_scoped3A : memref<!tpu.dma_semaphore, #tpu.memory_space<semaphore_mem>>) {add = true}
        %dma_wait3A_79 = arith.constant 0 : i32
        %dma_wait3A_80 = arith.constant 0 : i32
        %dma_wait3A_81 = tpu.memref_slice %arg13[%dma_wait3A_79, %dma_wait3A_80] : memref<10240x80xf32, #tpu.memory_space<vmem_shared>> -> memref<10240x80xf32, #tpu.memory_space<vmem_shared>>
        tpu.wait_indirect_dma semaphore(%run_scoped3A : memref<!tpu.dma_semaphore, #tpu.memory_space<semaphore_mem>>) src(%arg12 : memref<64x80xf32, #tpu.memory_space<vmem>>) dst(%dma_wait3A_81 : memref<10240x80xf32, #tpu.memory_space<vmem_shared>>)
        tpu.yield
      }) : () -> ()
      %add3A_52 = arith.addi %mul3A_7, %mul3A_29 : i32
      %add3A_53 = arith.constant 2 : i32
      %add3A_54 = arith.addi %add3A_52, %add3A_53 : i32
      %mul3A_55 = arith.constant 128 : i32
      %mul3A_56 = arith.muli %add3A_54, %mul3A_55 : i32
      "tpu.region"() ({
        %run_scoped3A = tpu.sem_alloc : memref<!tpu.dma_semaphore, #tpu.memory_space<semaphore_mem>>
        %dma_start3A_76 = tpu.memref_slice %arg3[%mul3A_56] : memref<667648xi32, #tpu.memory_space<hbm>> -> memref<128xi32, #tpu.memory_space<hbm>>
        %dma_start3A_77 = tpu.memref_slice %arg3[%mul3A_56] : memref<667648xi32, #tpu.memory_space<hbm>> -> memref<128xi32, #tpu.memory_space<hbm>>
        tpu.enqueue_dma source(%dma_start3A_77 : memref<128xi32, #tpu.memory_space<hbm>>) target(%arg7 : memref<128xi32, #tpu.memory_space<vmem>>) target_semaphore(%run_scoped3A : memref<!tpu.dma_semaphore, #tpu.memory_space<semaphore_mem>>)
        %dma_wait3A_78 = tpu.memref_slice %arg3[%mul3A_56] : memref<667648xi32, #tpu.memory_space<hbm>> -> memref<128xi32, #tpu.memory_space<hbm>>
        %dma_wait3A_79 = tpu.memref_slice %arg3[%mul3A_56] : memref<667648xi32, #tpu.memory_space<hbm>> -> memref<128xi32, #tpu.memory_space<hbm>>
        tpu.wait_dma2 semaphore(%run_scoped3A : memref<!tpu.dma_semaphore, #tpu.memory_space<semaphore_mem>>) src(%dma_wait3A_79 : memref<128xi32, #tpu.memory_space<hbm>>) dst(%arg7 : memref<128xi32, #tpu.memory_space<vmem>>)
        tpu.yield
      }) : () -> ()
      %dma_start3A_57 = arith.constant 0 : i32
      %dma_start3A_58 = arith.constant 0 : i32
      %dma_start3A_59 = tpu.memref_slice %arg2[%dma_start3A_57, %dma_start3A_58] : memref<10240x128xf32, #tpu.memory_space<hbm>> -> memref<10240x128xf32, #tpu.memory_space<hbm>>
      tpu.enqueue_indirect_dma source(%dma_start3A_59 : memref<10240x128xf32, #tpu.memory_space<hbm>>) target(%arg10 : memref<128x128xf32, #tpu.memory_space<vmem>>) offsets(%arg7 : memref<128xi32, #tpu.memory_space<vmem>>) semaphore(%arg14 : memref<!tpu.dma_semaphore, #tpu.memory_space<semaphore_mem>>)
      %dma_wait3A_60 = arith.constant 0 : i32
      %dma_wait3A_61 = arith.constant 0 : i32
      %dma_wait3A_62 = tpu.memref_slice %arg2[%dma_wait3A_60, %dma_wait3A_61] : memref<10240x128xf32, #tpu.memory_space<hbm>> -> memref<10240x128xf32, #tpu.memory_space<hbm>>
      tpu.wait_indirect_dma semaphore(%arg15 : memref<!tpu.dma_semaphore, #tpu.memory_space<semaphore_mem>>) src(%dma_wait3A_62 : memref<10240x128xf32, #tpu.memory_space<hbm>>) dst(%arg11 : memref<128x128xf32, #tpu.memory_space<vmem>>)
      %add3A_63 = arith.constant 1 : i32
      %add3A_64 = arith.addi %mul3A_29, %add3A_63 : i32
      %mul3A_65 = arith.constant 10368 : i32
      %mul3A_66 = arith.muli %add3A, %mul3A_65 : i32
      %mul3A_67 = arith.constant 64 : i32
      %mul3A_68 = arith.muli %add3A_64, %mul3A_67 : i32
      %add3A_69 = arith.addi %mul3A_66, %mul3A_68 : i32
      "tpu.region"() ({
        %run_scoped3A = tpu.sem_alloc : memref<!tpu.dma_semaphore, #tpu.memory_space<semaphore_mem>>
        %dma_start3A_76 = tpu.memref_slice %arg4[%add3A_69] : memref<331776xi32, #tpu.memory_space<hbm>> -> memref<64xi32, #tpu.memory_space<hbm>>
        %dma_start3A_77 = tpu.memref_slice %arg4[%add3A_69] : memref<331776xi32, #tpu.memory_space<hbm>> -> memref<64xi32, #tpu.memory_space<hbm>>
        tpu.enqueue_dma source(%dma_start3A_77 : memref<64xi32, #tpu.memory_space<hbm>>) target(%arg9 : memref<64xi32, #tpu.memory_space<vmem>>) target_semaphore(%run_scoped3A : memref<!tpu.dma_semaphore, #tpu.memory_space<semaphore_mem>>)
        %dma_wait3A_78 = tpu.memref_slice %arg4[%add3A_69] : memref<331776xi32, #tpu.memory_space<hbm>> -> memref<64xi32, #tpu.memory_space<hbm>>
        %dma_wait3A_79 = tpu.memref_slice %arg4[%add3A_69] : memref<331776xi32, #tpu.memory_space<hbm>> -> memref<64xi32, #tpu.memory_space<hbm>>
        tpu.wait_dma2 semaphore(%run_scoped3A : memref<!tpu.dma_semaphore, #tpu.memory_space<semaphore_mem>>) src(%dma_wait3A_79 : memref<64xi32, #tpu.memory_space<hbm>>) dst(%arg9 : memref<64xi32, #tpu.memory_space<vmem>>)
        tpu.yield
      }) : () -> ()
      %scan3A_70 = arith.constant 0 : i32
      %scan3A_71 = arith.constant 0 : i32
      %scan3A_72 = arith.constant 64 : i32
      %scan3A_73 = arith.addi %scan3A_71, %scan3A_72 : i32
      %scan3A_74 = arith.constant 2 : i32
      scf.for %scan3A_76 = %scan3A_71 to %scan3A_73 step %scan3A_74  : i32 {
        %get3A = arith.index_cast %scan3A_76 : i32 to index
        %get3A_77 = arith.constant 64 : index
        %get3A_78 = tpu.vector_load %arg11[%get3A, %get3A_77] {strides = array<i32>} : memref<128x128xf32, #tpu.memory_space<vmem>>, vector<1x16xf32>,
        %get3A_79 = vector.shape_cast %get3A_78 : vector<1x16xf32> to vector<16xf32>
        %add3A_80 = arith.constant 64 : i32
        %add3A_81 = arith.addi %add3A_80, %scan3A_76 : i32
        %get3A_82 = arith.index_cast %add3A_81 : i32 to index
        %get3A_83 = arith.constant 80 : index
        %get3A_84 = tpu.vector_load %arg11[%get3A_82, %get3A_83] {strides = array<i32>} : memref<128x128xf32, #tpu.memory_space<vmem>>, vector<1x16xf32>,
        %get3A_85 = vector.shape_cast %get3A_84 : vector<1x16xf32> to vector<16xf32>
        %add3A_86 = arith.addf %get3A_79, %get3A_85 : vector<16xf32>
        %mul3A_87 = arith.constant 2.000000e-01 : f32
        %mul3A_88 = vector.broadcast %mul3A_87 : f32 to vector<16xf32>
        %mul3A_89 = arith.mulf %mul3A_88, %add3A_86 : vector<16xf32>
        %max3A = arith.maximumf %add3A_86, %mul3A_89 : vector<16xf32>
        %exp3A = math.exp %max3A : vector<16xf32>
        %swap3A = arith.index_cast %scan3A_76 : i32 to index
        %swap3A_90 = arith.constant 64 : index
        %swap3A_91 = tpu.vector_load %arg12[%swap3A, %swap3A_90] {strides = array<i32>} : memref<64x80xf32, #tpu.memory_space<vmem>>, vector<1x16xf32>,
        %swap3A_92 = vector.shape_cast %swap3A_91 : vector<1x16xf32> to vector<16xf32>
        %swap3A_93 = vector.shape_cast %exp3A : vector<16xf32> to vector<1x16xf32>
        tpu.vector_store %arg12[%swap3A, %swap3A_90], %swap3A_93 {strides = array<i32>} : memref<64x80xf32, #tpu.memory_space<vmem>>, vector<1x16xf32>,
        %get3A_94 = arith.index_cast %scan3A_76 : i32 to index
        %get3A_95 = arith.constant 0 : index
        %get3A_96 = tpu.vector_load %arg11[%get3A_94, %get3A_95] {strides = array<i32>} : memref<128x128xf32, #tpu.memory_space<vmem>>, vector<1x16xf32>,
        %get3A_97 = vector.shape_cast %get3A_96 : vector<1x16xf32> to vector<16xf32>
        %mul3A_98 = arith.mulf %get3A_97, %exp3A : vector<16xf32>
        %swap3A_99 = arith.index_cast %scan3A_76 : i32 to index
        %swap3A_100 = arith.constant 0 : index
        %swap3A_101 = tpu.vector_load %arg12[%swap3A_99, %swap3A_100] {strides = array<i32>} : memref<64x80xf32, #tpu.memory_space<vmem>>, vector<1x16xf32>,
        %swap3A_102 = vector.shape_cast %swap3A_101 : vector<1x16xf32> to vector<16xf32>
        %swap3A_103 = vector.shape_cast %mul3A_98 : vector<16xf32> to vector<1x16xf32>
        tpu.vector_store %arg12[%swap3A_99, %swap3A_100], %swap3A_103 {strides = array<i32>} : memref<64x80xf32, #tpu.memory_space<vmem>>, vector<1x16xf32>,
        %get3A_104 = arith.index_cast %scan3A_76 : i32 to index
        %get3A_105 = arith.constant 16 : index
        %get3A_106 = tpu.vector_load %arg11[%get3A_104, %get3A_105] {strides = array<i32>} : memref<128x128xf32, #tpu.memory_space<vmem>>, vector<1x16xf32>,
        %get3A_107 = vector.shape_cast %get3A_106 : vector<1x16xf32> to vector<16xf32>
        %mul3A_108 = arith.mulf %get3A_107, %exp3A : vector<16xf32>
        %swap3A_109 = arith.index_cast %scan3A_76 : i32 to index
        %swap3A_110 = arith.constant 16 : index
        %swap3A_111 = tpu.vector_load %arg12[%swap3A_109, %swap3A_110] {strides = array<i32>} : memref<64x80xf32, #tpu.memory_space<vmem>>, vector<1x16xf32>,
        %swap3A_112 = vector.shape_cast %swap3A_111 : vector<1x16xf32> to vector<16xf32>
        %swap3A_113 = vector.shape_cast %mul3A_108 : vector<16xf32> to vector<1x16xf32>
        tpu.vector_store %arg12[%swap3A_109, %swap3A_110], %swap3A_113 {strides = array<i32>} : memref<64x80xf32, #tpu.memory_space<vmem>>, vector<1x16xf32>,
        %get3A_114 = arith.index_cast %scan3A_76 : i32 to index
        %get3A_115 = arith.constant 32 : index
        %get3A_116 = tpu.vector_load %arg11[%get3A_114, %get3A_115] {strides = array<i32>} : memref<128x128xf32, #tpu.memory_space<vmem>>, vector<1x16xf32>,
        %get3A_117 = vector.shape_cast %get3A_116 : vector<1x16xf32> to vector<16xf32>
        %mul3A_118 = arith.mulf %get3A_117, %exp3A : vector<16xf32>
        %swap3A_119 = arith.index_cast %scan3A_76 : i32 to index
        %swap3A_120 = arith.constant 32 : index
        %swap3A_121 = tpu.vector_load %arg12[%swap3A_119, %swap3A_120] {strides = array<i32>} : memref<64x80xf32, #tpu.memory_space<vmem>>, vector<1x16xf32>,
        %swap3A_122 = vector.shape_cast %swap3A_121 : vector<1x16xf32> to vector<16xf32>
        %swap3A_123 = vector.shape_cast %mul3A_118 : vector<16xf32> to vector<1x16xf32>
        tpu.vector_store %arg12[%swap3A_119, %swap3A_120], %swap3A_123 {strides = array<i32>} : memref<64x80xf32, #tpu.memory_space<vmem>>, vector<1x16xf32>,
        %get3A_124 = arith.index_cast %scan3A_76 : i32 to index
        %get3A_125 = arith.constant 48 : index
        %get3A_126 = tpu.vector_load %arg11[%get3A_124, %get3A_125] {strides = array<i32>} : memref<128x128xf32, #tpu.memory_space<vmem>>, vector<1x16xf32>,
        %get3A_127 = vector.shape_cast %get3A_126 : vector<1x16xf32> to vector<16xf32>
        %mul3A_128 = arith.mulf %get3A_127, %exp3A : vector<16xf32>
        %swap3A_129 = arith.index_cast %scan3A_76 : i32 to index
        %swap3A_130 = arith.constant 48 : index
        %swap3A_131 = tpu.vector_load %arg12[%swap3A_129, %swap3A_130] {strides = array<i32>} : memref<64x80xf32, #tpu.memory_space<vmem>>, vector<1x16xf32>,
        %swap3A_132 = vector.shape_cast %swap3A_131 : vector<1x16xf32> to vector<16xf32>
        %swap3A_133 = vector.shape_cast %mul3A_128 : vector<16xf32> to vector<1x16xf32>
        tpu.vector_store %arg12[%swap3A_129, %swap3A_130], %swap3A_133 {strides = array<i32>} : memref<64x80xf32, #tpu.memory_space<vmem>>, vector<1x16xf32>,
        %scan3A_134 = arith.constant 1 : i32
        %scan3A_135 = arith.addi %scan3A_76, %scan3A_134 : i32
        %get3A_136 = arith.index_cast %scan3A_135 : i32 to index
        %get3A_137 = arith.constant 64 : index
        %get3A_138 = tpu.vector_load %arg11[%get3A_136, %get3A_137] {strides = array<i32>} : memref<128x128xf32, #tpu.memory_space<vmem>>, vector<1x16xf32>,
        %get3A_139 = vector.shape_cast %get3A_138 : vector<1x16xf32> to vector<16xf32>
        %add3A_140 = arith.constant 64 : i32
        %add3A_141 = arith.addi %add3A_140, %scan3A_135 : i32
        %get3A_142 = arith.index_cast %add3A_141 : i32 to index
        %get3A_143 = arith.constant 80 : index
        %get3A_144 = tpu.vector_load %arg11[%get3A_142, %get3A_143] {strides = array<i32>} : memref<128x128xf32, #tpu.memory_space<vmem>>, vector<1x16xf32>,
        %get3A_145 = vector.shape_cast %get3A_144 : vector<1x16xf32> to vector<16xf32>
        %add3A_146 = arith.addf %get3A_139, %get3A_145 : vector<16xf32>
        %mul3A_147 = arith.constant 2.000000e-01 : f32
        %mul3A_148 = vector.broadcast %mul3A_147 : f32 to vector<16xf32>
        %mul3A_149 = arith.mulf %mul3A_148, %add3A_146 : vector<16xf32>
        %max3A_150 = arith.maximumf %add3A_146, %mul3A_149 : vector<16xf32>
        %exp3A_151 = math.exp %max3A_150 : vector<16xf32>
        %swap3A_152 = arith.index_cast %scan3A_135 : i32 to index
        %swap3A_153 = arith.constant 64 : index
        %swap3A_154 = tpu.vector_load %arg12[%swap3A_152, %swap3A_153] {strides = array<i32>} : memref<64x80xf32, #tpu.memory_space<vmem>>, vector<1x16xf32>,
        %swap3A_155 = vector.shape_cast %swap3A_154 : vector<1x16xf32> to vector<16xf32>
        %swap3A_156 = vector.shape_cast %exp3A_151 : vector<16xf32> to vector<1x16xf32>
        tpu.vector_store %arg12[%swap3A_152, %swap3A_153], %swap3A_156 {strides = array<i32>} : memref<64x80xf32, #tpu.memory_space<vmem>>, vector<1x16xf32>,
        %get3A_157 = arith.index_cast %scan3A_135 : i32 to index
        %get3A_158 = arith.constant 0 : index
        %get3A_159 = tpu.vector_load %arg11[%get3A_157, %get3A_158] {strides = array<i32>} : memref<128x128xf32, #tpu.memory_space<vmem>>, vector<1x16xf32>,
        %get3A_160 = vector.shape_cast %get3A_159 : vector<1x16xf32> to vector<16xf32>
        %mul3A_161 = arith.mulf %get3A_160, %exp3A_151 : vector<16xf32>
        %swap3A_162 = arith.index_cast %scan3A_135 : i32 to index
        %swap3A_163 = arith.constant 0 : index
        %swap3A_164 = tpu.vector_load %arg12[%swap3A_162, %swap3A_163] {strides = array<i32>} : memref<64x80xf32, #tpu.memory_space<vmem>>, vector<1x16xf32>,
        %swap3A_165 = vector.shape_cast %swap3A_164 : vector<1x16xf32> to vector<16xf32>
        %swap3A_166 = vector.shape_cast %mul3A_161 : vector<16xf32> to vector<1x16xf32>
        tpu.vector_store %arg12[%swap3A_162, %swap3A_163], %swap3A_166 {strides = array<i32>} : memref<64x80xf32, #tpu.memory_space<vmem>>, vector<1x16xf32>,
        %get3A_167 = arith.index_cast %scan3A_135 : i32 to index
        %get3A_168 = arith.constant 16 : index
        %get3A_169 = tpu.vector_load %arg11[%get3A_167, %get3A_168] {strides = array<i32>} : memref<128x128xf32, #tpu.memory_space<vmem>>, vector<1x16xf32>,
        %get3A_170 = vector.shape_cast %get3A_169 : vector<1x16xf32> to vector<16xf32>
        %mul3A_171 = arith.mulf %get3A_170, %exp3A_151 : vector<16xf32>
        %swap3A_172 = arith.index_cast %scan3A_135 : i32 to index
        %swap3A_173 = arith.constant 16 : index
        %swap3A_174 = tpu.vector_load %arg12[%swap3A_172, %swap3A_173] {strides = array<i32>} : memref<64x80xf32, #tpu.memory_space<vmem>>, vector<1x16xf32>,
        %swap3A_175 = vector.shape_cast %swap3A_174 : vector<1x16xf32> to vector<16xf32>
        %swap3A_176 = vector.shape_cast %mul3A_171 : vector<16xf32> to vector<1x16xf32>
        tpu.vector_store %arg12[%swap3A_172, %swap3A_173], %swap3A_176 {strides = array<i32>} : memref<64x80xf32, #tpu.memory_space<vmem>>, vector<1x16xf32>,
        %get3A_177 = arith.index_cast %scan3A_135 : i32 to index
        %get3A_178 = arith.constant 32 : index
        %get3A_179 = tpu.vector_load %arg11[%get3A_177, %get3A_178] {strides = array<i32>} : memref<128x128xf32, #tpu.memory_space<vmem>>, vector<1x16xf32>,
        %get3A_180 = vector.shape_cast %get3A_179 : vector<1x16xf32> to vector<16xf32>
        %mul3A_181 = arith.mulf %get3A_180, %exp3A_151 : vector<16xf32>
        %swap3A_182 = arith.index_cast %scan3A_135 : i32 to index
        %swap3A_183 = arith.constant 32 : index
        %swap3A_184 = tpu.vector_load %arg12[%swap3A_182, %swap3A_183] {strides = array<i32>} : memref<64x80xf32, #tpu.memory_space<vmem>>, vector<1x16xf32>,
        %swap3A_185 = vector.shape_cast %swap3A_184 : vector<1x16xf32> to vector<16xf32>
        %swap3A_186 = vector.shape_cast %mul3A_181 : vector<16xf32> to vector<1x16xf32>
        tpu.vector_store %arg12[%swap3A_182, %swap3A_183], %swap3A_186 {strides = array<i32>} : memref<64x80xf32, #tpu.memory_space<vmem>>, vector<1x16xf32>,
        %get3A_187 = arith.index_cast %scan3A_135 : i32 to index
        %get3A_188 = arith.constant 48 : index
        %get3A_189 = tpu.vector_load %arg11[%get3A_187, %get3A_188] {strides = array<i32>} : memref<128x128xf32, #tpu.memory_space<vmem>>, vector<1x16xf32>,
        %get3A_190 = vector.shape_cast %get3A_189 : vector<1x16xf32> to vector<16xf32>
        %mul3A_191 = arith.mulf %get3A_190, %exp3A_151 : vector<16xf32>
        %swap3A_192 = arith.index_cast %scan3A_135 : i32 to index
        %swap3A_193 = arith.constant 48 : index
        %swap3A_194 = tpu.vector_load %arg12[%swap3A_192, %swap3A_193] {strides = array<i32>} : memref<64x80xf32, #tpu.memory_space<vmem>>, vector<1x16xf32>,
        %swap3A_195 = vector.shape_cast %swap3A_194 : vector<1x16xf32> to vector<16xf32>
        %swap3A_196 = vector.shape_cast %mul3A_191 : vector<16xf32> to vector<1x16xf32>
        tpu.vector_store %arg12[%swap3A_192, %swap3A_193], %swap3A_196 {strides = array<i32>} : memref<64x80xf32, #tpu.memory_space<vmem>>, vector<1x16xf32>,
      }
      %scan3A_75 = arith.constant 64 : i32
      "tpu.region"() ({
        %run_scoped3A = tpu.sem_alloc : memref<!tpu.dma_semaphore, #tpu.memory_space<semaphore_mem>>
        %dma_start3A_76 = arith.constant 0 : i32
        %dma_start3A_77 = arith.constant 0 : i32
        %dma_start3A_78 = tpu.memref_slice %arg13[%dma_start3A_76, %dma_start3A_77] : memref<10240x80xf32, #tpu.memory_space<vmem_shared>> -> memref<10240x80xf32, #tpu.memory_space<vmem_shared>>
        tpu.enqueue_indirect_dma source(%arg12 : memref<64x80xf32, #tpu.memory_space<vmem>>) target(%dma_start3A_78 : memref<10240x80xf32, #tpu.memory_space<vmem_shared>>) offsets(%arg9 : memref<64xi32, #tpu.memory_space<vmem>>) semaphore(%run_scoped3A : memref<!tpu.dma_semaphore, #tpu.memory_space<semaphore_mem>>) {add = true}
        %dma_wait3A_79 = arith.constant 0 : i32
        %dma_wait3A_80 = arith.constant 0 : i32
        %dma_wait3A_81 = tpu.memref_slice %arg13[%dma_wait3A_79, %dma_wait3A_80] : memref<10240x80xf32, #tpu.memory_space<vmem_shared>> -> memref<10240x80xf32, #tpu.memory_space<vmem_shared>>
        tpu.wait_indirect_dma semaphore(%run_scoped3A : memref<!tpu.dma_semaphore, #tpu.memory_space<semaphore_mem>>) src(%arg12 : memref<64x80xf32, #tpu.memory_space<vmem>>) dst(%dma_wait3A_81 : memref<10240x80xf32, #tpu.memory_space<vmem_shared>>)
        tpu.yield
      }) : () -> ()
    }
    %scan3A_17 = arith.constant 81 : i32
    %dma_wait3A = arith.constant 0 : i32
    %dma_wait3A_18 = arith.constant 0 : i32
    %dma_wait3A_19 = tpu.memref_slice %arg2[%dma_wait3A, %dma_wait3A_18] : memref<10240x128xf32, #tpu.memory_space<hbm>> -> memref<10240x128xf32, #tpu.memory_space<hbm>>
    tpu.wait_indirect_dma semaphore(%arg14 : memref<!tpu.dma_semaphore, #tpu.memory_space<semaphore_mem>>) src(%dma_wait3A_19 : memref<10240x128xf32, #tpu.memory_space<hbm>>) dst(%arg10 : memref<128x128xf32, #tpu.memory_space<vmem>>)
    %barrier3A_20 = arith.constant 0 : index
    tpu.barrier barrier_id(%barrier3A_20)
    %scan3A_21 = arith.constant 0 : i32
    %scan3A_22 = arith.constant 0 : i32
    %scan3A_23 = arith.constant 10 : i32
    %scan3A_24 = arith.addi %scan3A_22, %scan3A_23 : i32
    %scan3A_25 = arith.constant 1 : i32
    scf.for %scan3A_27 = %scan3A_22 to %scan3A_24 step %scan3A_25  : i32 {
      %mul3A_28 = arith.constant 640 : i32
      %mul3A_29 = arith.muli %arg1, %mul3A_28 : i32
      %mul3A_30 = arith.constant 64 : i32
      %mul3A_31 = arith.muli %scan3A_27, %mul3A_30 : i32
      %add3A_32 = arith.addi %mul3A_29, %mul3A_31 : i32
      "tpu.region"() ({
        %run_scoped3A = tpu.sem_alloc : memref<!tpu.dma_semaphore, #tpu.memory_space<semaphore_mem>>
        %dma_start3A_33 = arith.constant 0 : i32
        %dma_start3A_34 = tpu.memref_slice %arg13[%add3A_32, %dma_start3A_33] : memref<10240x80xf32, #tpu.memory_space<vmem_shared>> -> memref<64x80xf32, #tpu.memory_space<vmem_shared>>
        %dma_start3A_35 = arith.constant 0 : i32
        %dma_start3A_36 = tpu.memref_slice %arg13[%add3A_32, %dma_start3A_35] : memref<10240x80xf32, #tpu.memory_space<vmem_shared>> -> memref<64x80xf32, #tpu.memory_space<vmem_shared>>
        tpu.enqueue_dma source(%dma_start3A_36 : memref<64x80xf32, #tpu.memory_space<vmem_shared>>) target(%arg12 : memref<64x80xf32, #tpu.memory_space<vmem>>) target_semaphore(%run_scoped3A : memref<!tpu.dma_semaphore, #tpu.memory_space<semaphore_mem>>)
        %dma_wait3A_37 = arith.constant 0 : i32
        %dma_wait3A_38 = tpu.memref_slice %arg13[%add3A_32, %dma_wait3A_37] : memref<10240x80xf32, #tpu.memory_space<vmem_shared>> -> memref<64x80xf32, #tpu.memory_space<vmem_shared>>
        %dma_wait3A_39 = arith.constant 0 : i32
        %dma_wait3A_40 = tpu.memref_slice %arg13[%add3A_32, %dma_wait3A_39] : memref<10240x80xf32, #tpu.memory_space<vmem_shared>> -> memref<64x80xf32, #tpu.memory_space<vmem_shared>>
        tpu.wait_dma2 semaphore(%run_scoped3A : memref<!tpu.dma_semaphore, #tpu.memory_space<semaphore_mem>>) src(%dma_wait3A_40 : memref<64x80xf32, #tpu.memory_space<vmem_shared>>) dst(%arg12 : memref<64x80xf32, #tpu.memory_space<vmem>>)
        tpu.yield
      }) : () -> ()
      "tpu.region"() ({
        %run_scoped3A = tpu.sem_alloc : memref<!tpu.dma_semaphore, #tpu.memory_space<semaphore_mem>>
        %dma_start3A_33 = arith.constant 0 : i32
        %dma_start3A_34 = tpu.memref_slice %arg6[%arg0, %add3A_32, %dma_start3A_33] : memref<2x10240x80xf32, #tpu.memory_space<hbm>> -> memref<1x64x80xf32, #tpu.memory_space<hbm>>
        %dma_start3A_35 = tpu.memref_squeeze %dma_start3A_34 : memref<1x64x80xf32, #tpu.memory_space<hbm>> -> memref<64x80xf32, #tpu.memory_space<hbm>>
        %dma_start3A_36 = arith.constant 0 : i32
        %dma_start3A_37 = tpu.memref_slice %arg6[%arg0, %add3A_32, %dma_start3A_36] : memref<2x10240x80xf32, #tpu.memory_space<hbm>> -> memref<1x64x80xf32, #tpu.memory_space<hbm>>
        %dma_start3A_38 = tpu.memref_squeeze %dma_start3A_37 : memref<1x64x80xf32, #tpu.memory_space<hbm>> -> memref<64x80xf32, #tpu.memory_space<hbm>>
        tpu.enqueue_dma source(%arg12 : memref<64x80xf32, #tpu.memory_space<vmem>>) target(%dma_start3A_38 : memref<64x80xf32, #tpu.memory_space<hbm>>) target_semaphore(%run_scoped3A : memref<!tpu.dma_semaphore, #tpu.memory_space<semaphore_mem>>)
        %dma_wait3A_39 = arith.constant 0 : i32
        %dma_wait3A_40 = tpu.memref_slice %arg6[%arg0, %add3A_32, %dma_wait3A_39] : memref<2x10240x80xf32, #tpu.memory_space<hbm>> -> memref<1x64x80xf32, #tpu.memory_space<hbm>>
        %dma_wait3A_41 = tpu.memref_squeeze %dma_wait3A_40 : memref<1x64x80xf32, #tpu.memory_space<hbm>> -> memref<64x80xf32, #tpu.memory_space<hbm>>
        %dma_wait3A_42 = arith.constant 0 : i32
        %dma_wait3A_43 = tpu.memref_slice %arg6[%arg0, %add3A_32, %dma_wait3A_42] : memref<2x10240x80xf32, #tpu.memory_space<hbm>> -> memref<1x64x80xf32, #tpu.memory_space<hbm>>
        %dma_wait3A_44 = tpu.memref_squeeze %dma_wait3A_43 : memref<1x64x80xf32, #tpu.memory_space<hbm>> -> memref<64x80xf32, #tpu.memory_space<hbm>>
        tpu.wait_dma2 semaphore(%run_scoped3A : memref<!tpu.dma_semaphore, #tpu.memory_space<semaphore_mem>>) src(%arg12 : memref<64x80xf32, #tpu.memory_space<vmem>>) dst(%dma_wait3A_44 : memref<64x80xf32, #tpu.memory_space<hbm>>)
        tpu.yield
      }) : () -> ()
    }
    %scan3A_26 = arith.constant 10 : i32
    return
  }
}

#map = affine_map<(d0, d1) -> (0, 0)>
#map1 = affine_map<(d0, d1) -> (0)>
#map2 = affine_map<(d0, d1) -> (0, 0, 0)>
module attributes {stable_mosaic.version = 14 : i64} {
  func.func @edge_pass(%arg0: i32, %arg1: i32, %arg2: memref<10240x128xf32, #tpu.memory_space<hbm>>, %arg3: memref<667648xi32, #tpu.memory_space<hbm>>, %arg4: memref<331776xi32, #tpu.memory_space<hbm>>, %arg5: memref<10240x80xf32, #tpu.memory_space<hbm>>, %arg6: memref<2x10240x80xf32, #tpu.memory_space<hbm>>, %arg7: memref<128xi32, #tpu.memory_space<vmem>>, %arg8: memref<128xi32, #tpu.memory_space<vmem>>, %arg9: memref<64xi32, #tpu.memory_space<vmem>>, %arg10: memref<128x128xf32, #tpu.memory_space<vmem>>, %arg11: memref<128x128xf32, #tpu.memory_space<vmem>>, %arg12: memref<64x80xf32, #tpu.memory_space<vmem>>, %arg13: memref<10240x80xf32, #tpu.memory_space<vmem_shared>>, %arg14: memref<!tpu.dma_semaphore, #tpu.memory_space<semaphore_mem>>, %arg15: memref<!tpu.dma_semaphore, #tpu.memory_space<semaphore_mem>>) attributes {dimension_semantics = [#tpu.dimension_semantics<core_parallel>, #tpu.dimension_semantics<subcore_parallel>], iteration_bounds = array<i64: 2, 16>, scalar_prefetch = 0 : i64, scratch_operands = 9 : i64, tpu.core_type = #tpu.core_type<sc_vector_subcore>, window_params = [{transform_indices = #map}, {transform_indices = #map1}, {transform_indices = #map1}, {transform_indices = #map}, {transform_indices = #map2}]} {
    %mul3A = arith.constant 2 : i32
    %mul3A_0 = arith.muli %arg1, %mul3A : i32
    %add3A = arith.addi %mul3A_0, %arg0 : i32
    %scan3A = arith.constant 0 : i32
    %scan3A_1 = arith.constant 0 : i32
    %scan3A_2 = arith.constant 10 : i32
    %scan3A_3 = arith.addi %scan3A_1, %scan3A_2 : i32
    %scan3A_4 = arith.constant 1 : i32
    scf.for %scan3A_27 = %scan3A_1 to %scan3A_3 step %scan3A_4  : i32 {
      %mul3A_28 = arith.constant 640 : i32
      %mul3A_29 = arith.muli %arg1, %mul3A_28 : i32
      %mul3A_30 = arith.constant 64 : i32
      %mul3A_31 = arith.muli %scan3A_27, %mul3A_30 : i32
      %add3A_32 = arith.addi %mul3A_29, %mul3A_31 : i32
      "tpu.region"() ({
        %run_scoped3A = tpu.sem_alloc : memref<!tpu.dma_semaphore, #tpu.memory_space<semaphore_mem>>
        %dma_start3A_33 = arith.constant 0 : i32
        %dma_start3A_34 = tpu.memref_slice %arg5[%add3A_32, %dma_start3A_33] : memref<10240x80xf32, #tpu.memory_space<hbm>> -> memref<64x80xf32, #tpu.memory_space<hbm>>
        %dma_start3A_35 = arith.constant 0 : i32
        %dma_start3A_36 = tpu.memref_slice %arg5[%add3A_32, %dma_start3A_35] : memref<10240x80xf32, #tpu.memory_space<hbm>> -> memref<64x80xf32, #tpu.memory_space<hbm>>
        tpu.enqueue_dma source(%dma_start3A_36 : memref<64x80xf32, #tpu.memory_space<hbm>>) target(%arg12 : memref<64x80xf32, #tpu.memory_space<vmem>>) target_semaphore(%run_scoped3A : memref<!tpu.dma_semaphore, #tpu.memory_space<semaphore_mem>>)
        %dma_wait3A_37 = arith.constant 0 : i32
        %dma_wait3A_38 = tpu.memref_slice %arg5[%add3A_32, %dma_wait3A_37] : memref<10240x80xf32, #tpu.memory_space<hbm>> -> memref<64x80xf32, #tpu.memory_space<hbm>>
        %dma_wait3A_39 = arith.constant 0 : i32
        %dma_wait3A_40 = tpu.memref_slice %arg5[%add3A_32, %dma_wait3A_39] : memref<10240x80xf32, #tpu.memory_space<hbm>> -> memref<64x80xf32, #tpu.memory_space<hbm>>
        tpu.wait_dma2 semaphore(%run_scoped3A : memref<!tpu.dma_semaphore, #tpu.memory_space<semaphore_mem>>) src(%dma_wait3A_40 : memref<64x80xf32, #tpu.memory_space<hbm>>) dst(%arg12 : memref<64x80xf32, #tpu.memory_space<vmem>>)
        tpu.yield
      }) : () -> ()
      "tpu.region"() ({
        %run_scoped3A = tpu.sem_alloc : memref<!tpu.dma_semaphore, #tpu.memory_space<semaphore_mem>>
        %dma_start3A_33 = arith.constant 0 : i32
        %dma_start3A_34 = tpu.memref_slice %arg13[%add3A_32, %dma_start3A_33] : memref<10240x80xf32, #tpu.memory_space<vmem_shared>> -> memref<64x80xf32, #tpu.memory_space<vmem_shared>>
        %dma_start3A_35 = arith.constant 0 : i32
        %dma_start3A_36 = tpu.memref_slice %arg13[%add3A_32, %dma_start3A_35] : memref<10240x80xf32, #tpu.memory_space<vmem_shared>> -> memref<64x80xf32, #tpu.memory_space<vmem_shared>>
        tpu.enqueue_dma source(%arg12 : memref<64x80xf32, #tpu.memory_space<vmem>>) target(%dma_start3A_36 : memref<64x80xf32, #tpu.memory_space<vmem_shared>>) target_semaphore(%run_scoped3A : memref<!tpu.dma_semaphore, #tpu.memory_space<semaphore_mem>>)
        %dma_wait3A_37 = arith.constant 0 : i32
        %dma_wait3A_38 = tpu.memref_slice %arg13[%add3A_32, %dma_wait3A_37] : memref<10240x80xf32, #tpu.memory_space<vmem_shared>> -> memref<64x80xf32, #tpu.memory_space<vmem_shared>>
        %dma_wait3A_39 = arith.constant 0 : i32
        %dma_wait3A_40 = tpu.memref_slice %arg13[%add3A_32, %dma_wait3A_39] : memref<10240x80xf32, #tpu.memory_space<vmem_shared>> -> memref<64x80xf32, #tpu.memory_space<vmem_shared>>
        tpu.wait_dma2 semaphore(%run_scoped3A : memref<!tpu.dma_semaphore, #tpu.memory_space<semaphore_mem>>) src(%arg12 : memref<64x80xf32, #tpu.memory_space<vmem>>) dst(%dma_wait3A_40 : memref<64x80xf32, #tpu.memory_space<vmem_shared>>)
        tpu.yield
      }) : () -> ()
    }
    %scan3A_5 = arith.constant 10 : i32
    %barrier3A = arith.constant 0 : index
    tpu.barrier barrier_id(%barrier3A)
    %mul3A_6 = arith.constant 163 : i32
    %mul3A_7 = arith.muli %add3A, %mul3A_6 : i32
    %mul3A_8 = arith.constant 128 : i32
    %mul3A_9 = arith.muli %mul3A_7, %mul3A_8 : i32
    "tpu.region"() ({
      %run_scoped3A = tpu.sem_alloc : memref<!tpu.dma_semaphore, #tpu.memory_space<semaphore_mem>>
      %dma_start3A_27 = tpu.memref_slice %arg3[%mul3A_9] : memref<667648xi32, #tpu.memory_space<hbm>> -> memref<128xi32, #tpu.memory_space<hbm>>
      %dma_start3A_28 = tpu.memref_slice %arg3[%mul3A_9] : memref<667648xi32, #tpu.memory_space<hbm>> -> memref<128xi32, #tpu.memory_space<hbm>>
      tpu.enqueue_dma source(%dma_start3A_28 : memref<128xi32, #tpu.memory_space<hbm>>) target(%arg7 : memref<128xi32, #tpu.memory_space<vmem>>) target_semaphore(%run_scoped3A : memref<!tpu.dma_semaphore, #tpu.memory_space<semaphore_mem>>)
      %dma_wait3A_29 = tpu.memref_slice %arg3[%mul3A_9] : memref<667648xi32, #tpu.memory_space<hbm>> -> memref<128xi32, #tpu.memory_space<hbm>>
      %dma_wait3A_30 = tpu.memref_slice %arg3[%mul3A_9] : memref<667648xi32, #tpu.memory_space<hbm>> -> memref<128xi32, #tpu.memory_space<hbm>>
      tpu.wait_dma2 semaphore(%run_scoped3A : memref<!tpu.dma_semaphore, #tpu.memory_space<semaphore_mem>>) src(%dma_wait3A_30 : memref<128xi32, #tpu.memory_space<hbm>>) dst(%arg7 : memref<128xi32, #tpu.memory_space<vmem>>)
      tpu.yield
    }) : () -> ()
    %dma_start3A = arith.constant 0 : i32
    %dma_start3A_10 = arith.constant 0 : i32
    %dma_start3A_11 = tpu.memref_slice %arg2[%dma_start3A, %dma_start3A_10] : memref<10240x128xf32, #tpu.memory_space<hbm>> -> memref<10240x128xf32, #tpu.memory_space<hbm>>
    tpu.enqueue_indirect_dma source(%dma_start3A_11 : memref<10240x128xf32, #tpu.memory_space<hbm>>) target(%arg10 : memref<128x128xf32, #tpu.memory_space<vmem>>) offsets(%arg7 : memref<128xi32, #tpu.memory_space<vmem>>) semaphore(%arg14 : memref<!tpu.dma_semaphore, #tpu.memory_space<semaphore_mem>>)
    %scan3A_12 = arith.constant 0 : i32
    %scan3A_13 = arith.constant 0 : i32
    %scan3A_14 = arith.constant 81 : i32
    %scan3A_15 = arith.addi %scan3A_13, %scan3A_14 : i32
    %scan3A_16 = arith.constant 1 : i32
    scf.for %scan3A_27 = %scan3A_13 to %scan3A_15 step %scan3A_16  : i32 {
      %mul3A_28 = arith.constant 2 : i32
      %mul3A_29 = arith.muli %mul3A_28, %scan3A_27 : i32
      %add3A_30 = arith.addi %mul3A_7, %mul3A_29 : i32
      %add3A_31 = arith.constant 1 : i32
      %add3A_32 = arith.addi %add3A_30, %add3A_31 : i32
      %mul3A_33 = arith.constant 128 : i32
      %mul3A_34 = arith.muli %add3A_32, %mul3A_33 : i32
      "tpu.region"() ({
        %run_scoped3A = tpu.sem_alloc : memref<!tpu.dma_semaphore, #tpu.memory_space<semaphore_mem>>
        %dma_start3A_76 = tpu.memref_slice %arg3[%mul3A_34] : memref<667648xi32, #tpu.memory_space<hbm>> -> memref<128xi32, #tpu.memory_space<hbm>>
        %dma_start3A_77 = tpu.memref_slice %arg3[%mul3A_34] : memref<667648xi32, #tpu.memory_space<hbm>> -> memref<128xi32, #tpu.memory_space<hbm>>
        tpu.enqueue_dma source(%dma_start3A_77 : memref<128xi32, #tpu.memory_space<hbm>>) target(%arg8 : memref<128xi32, #tpu.memory_space<vmem>>) target_semaphore(%run_scoped3A : memref<!tpu.dma_semaphore, #tpu.memory_space<semaphore_mem>>)
        %dma_wait3A_78 = tpu.memref_slice %arg3[%mul3A_34] : memref<667648xi32, #tpu.memory_space<hbm>> -> memref<128xi32, #tpu.memory_space<hbm>>
        %dma_wait3A_79 = tpu.memref_slice %arg3[%mul3A_34] : memref<667648xi32, #tpu.memory_space<hbm>> -> memref<128xi32, #tpu.memory_space<hbm>>
        tpu.wait_dma2 semaphore(%run_scoped3A : memref<!tpu.dma_semaphore, #tpu.memory_space<semaphore_mem>>) src(%dma_wait3A_79 : memref<128xi32, #tpu.memory_space<hbm>>) dst(%arg8 : memref<128xi32, #tpu.memory_space<vmem>>)
        tpu.yield
      }) : () -> ()
      %dma_start3A_35 = arith.constant 0 : i32
      %dma_start3A_36 = arith.constant 0 : i32
      %dma_start3A_37 = tpu.memref_slice %arg2[%dma_start3A_35, %dma_start3A_36] : memref<10240x128xf32, #tpu.memory_space<hbm>> -> memref<10240x128xf32, #tpu.memory_space<hbm>>
      tpu.enqueue_indirect_dma source(%dma_start3A_37 : memref<10240x128xf32, #tpu.memory_space<hbm>>) target(%arg11 : memref<128x128xf32, #tpu.memory_space<vmem>>) offsets(%arg8 : memref<128xi32, #tpu.memory_space<vmem>>) semaphore(%arg15 : memref<!tpu.dma_semaphore, #tpu.memory_space<semaphore_mem>>)
      %dma_wait3A_38 = arith.constant 0 : i32
      %dma_wait3A_39 = arith.constant 0 : i32
      %dma_wait3A_40 = tpu.memref_slice %arg2[%dma_wait3A_38, %dma_wait3A_39] : memref<10240x128xf32, #tpu.memory_space<hbm>> -> memref<10240x128xf32, #tpu.memory_space<hbm>>
      tpu.wait_indirect_dma semaphore(%arg14 : memref<!tpu.dma_semaphore, #tpu.memory_space<semaphore_mem>>) src(%dma_wait3A_40 : memref<10240x128xf32, #tpu.memory_space<hbm>>) dst(%arg10 : memref<128x128xf32, #tpu.memory_space<vmem>>)
      %mul3A_41 = arith.constant 10368 : i32
      %mul3A_42 = arith.muli %add3A, %mul3A_41 : i32
      %mul3A_43 = arith.constant 64 : i32
      %mul3A_44 = arith.muli %mul3A_29, %mul3A_43 : i32
      %add3A_45 = arith.addi %mul3A_42, %mul3A_44 : i32
      "tpu.region"() ({
        %run_scoped3A = tpu.sem_alloc : memref<!tpu.dma_semaphore, #tpu.memory_space<semaphore_mem>>
        %dma_start3A_76 = tpu.memref_slice %arg4[%add3A_45] : memref<331776xi32, #tpu.memory_space<hbm>> -> memref<64xi32, #tpu.memory_space<hbm>>
        %dma_start3A_77 = tpu.memref_slice %arg4[%add3A_45] : memref<331776xi32, #tpu.memory_space<hbm>> -> memref<64xi32, #tpu.memory_space<hbm>>
        tpu.enqueue_dma source(%dma_start3A_77 : memref<64xi32, #tpu.memory_space<hbm>>) target(%arg9 : memref<64xi32, #tpu.memory_space<vmem>>) target_semaphore(%run_scoped3A : memref<!tpu.dma_semaphore, #tpu.memory_space<semaphore_mem>>)
        %dma_wait3A_78 = tpu.memref_slice %arg4[%add3A_45] : memref<331776xi32, #tpu.memory_space<hbm>> -> memref<64xi32, #tpu.memory_space<hbm>>
        %dma_wait3A_79 = tpu.memref_slice %arg4[%add3A_45] : memref<331776xi32, #tpu.memory_space<hbm>> -> memref<64xi32, #tpu.memory_space<hbm>>
        tpu.wait_dma2 semaphore(%run_scoped3A : memref<!tpu.dma_semaphore, #tpu.memory_space<semaphore_mem>>) src(%dma_wait3A_79 : memref<64xi32, #tpu.memory_space<hbm>>) dst(%arg9 : memref<64xi32, #tpu.memory_space<vmem>>)
        tpu.yield
      }) : () -> ()
      %scan3A_46 = arith.constant 0 : i32
      %scan3A_47 = arith.constant 0 : i32
      %scan3A_48 = arith.constant 64 : i32
      %scan3A_49 = arith.addi %scan3A_47, %scan3A_48 : i32
      %scan3A_50 = arith.constant 2 : i32
      scf.for %scan3A_76 = %scan3A_47 to %scan3A_49 step %scan3A_50  : i32 {
        %get3A = arith.index_cast %scan3A_76 : i32 to index
        %get3A_77 = arith.constant 64 : index
        %get3A_78 = tpu.vector_load %arg10[%get3A, %get3A_77] {strides = array<i32>} : memref<128x128xf32, #tpu.memory_space<vmem>>, vector<1x16xf32>,
        %get3A_79 = vector.shape_cast %get3A_78 : vector<1x16xf32> to vector<16xf32>
        %add3A_80 = arith.constant 64 : i32
        %add3A_81 = arith.addi %add3A_80, %scan3A_76 : i32
        %get3A_82 = arith.index_cast %add3A_81 : i32 to index
        %get3A_83 = arith.constant 80 : index
        %get3A_84 = tpu.vector_load %arg10[%get3A_82, %get3A_83] {strides = array<i32>} : memref<128x128xf32, #tpu.memory_space<vmem>>, vector<1x16xf32>,
        %get3A_85 = vector.shape_cast %get3A_84 : vector<1x16xf32> to vector<16xf32>
        %add3A_86 = arith.addf %get3A_79, %get3A_85 : vector<16xf32>
        %mul3A_87 = arith.constant 2.000000e-01 : f32
        %mul3A_88 = vector.broadcast %mul3A_87 : f32 to vector<16xf32>
        %mul3A_89 = arith.mulf %mul3A_88, %add3A_86 : vector<16xf32>
        %max3A = arith.maximumf %add3A_86, %mul3A_89 : vector<16xf32>
        %exp3A = math.exp %max3A : vector<16xf32>
        %swap3A = arith.index_cast %scan3A_76 : i32 to index
        %swap3A_90 = arith.constant 64 : index
        %swap3A_91 = tpu.vector_load %arg12[%swap3A, %swap3A_90] {strides = array<i32>} : memref<64x80xf32, #tpu.memory_space<vmem>>, vector<1x16xf32>,
        %swap3A_92 = vector.shape_cast %swap3A_91 : vector<1x16xf32> to vector<16xf32>
        %swap3A_93 = vector.shape_cast %exp3A : vector<16xf32> to vector<1x16xf32>
        tpu.vector_store %arg12[%swap3A, %swap3A_90], %swap3A_93 {strides = array<i32>} : memref<64x80xf32, #tpu.memory_space<vmem>>, vector<1x16xf32>,
        %get3A_94 = arith.index_cast %scan3A_76 : i32 to index
        %get3A_95 = arith.constant 0 : index
        %get3A_96 = tpu.vector_load %arg10[%get3A_94, %get3A_95] {strides = array<i32>} : memref<128x128xf32, #tpu.memory_space<vmem>>, vector<1x16xf32>,
        %get3A_97 = vector.shape_cast %get3A_96 : vector<1x16xf32> to vector<16xf32>
        %mul3A_98 = arith.mulf %get3A_97, %exp3A : vector<16xf32>
        %swap3A_99 = arith.index_cast %scan3A_76 : i32 to index
        %swap3A_100 = arith.constant 0 : index
        %swap3A_101 = tpu.vector_load %arg12[%swap3A_99, %swap3A_100] {strides = array<i32>} : memref<64x80xf32, #tpu.memory_space<vmem>>, vector<1x16xf32>,
        %swap3A_102 = vector.shape_cast %swap3A_101 : vector<1x16xf32> to vector<16xf32>
        %swap3A_103 = vector.shape_cast %mul3A_98 : vector<16xf32> to vector<1x16xf32>
        tpu.vector_store %arg12[%swap3A_99, %swap3A_100], %swap3A_103 {strides = array<i32>} : memref<64x80xf32, #tpu.memory_space<vmem>>, vector<1x16xf32>,
        %get3A_104 = arith.index_cast %scan3A_76 : i32 to index
        %get3A_105 = arith.constant 16 : index
        %get3A_106 = tpu.vector_load %arg10[%get3A_104, %get3A_105] {strides = array<i32>} : memref<128x128xf32, #tpu.memory_space<vmem>>, vector<1x16xf32>,
        %get3A_107 = vector.shape_cast %get3A_106 : vector<1x16xf32> to vector<16xf32>
        %mul3A_108 = arith.mulf %get3A_107, %exp3A : vector<16xf32>
        %swap3A_109 = arith.index_cast %scan3A_76 : i32 to index
        %swap3A_110 = arith.constant 16 : index
        %swap3A_111 = tpu.vector_load %arg12[%swap3A_109, %swap3A_110] {strides = array<i32>} : memref<64x80xf32, #tpu.memory_space<vmem>>, vector<1x16xf32>,
        %swap3A_112 = vector.shape_cast %swap3A_111 : vector<1x16xf32> to vector<16xf32>
        %swap3A_113 = vector.shape_cast %mul3A_108 : vector<16xf32> to vector<1x16xf32>
        tpu.vector_store %arg12[%swap3A_109, %swap3A_110], %swap3A_113 {strides = array<i32>} : memref<64x80xf32, #tpu.memory_space<vmem>>, vector<1x16xf32>,
        %get3A_114 = arith.index_cast %scan3A_76 : i32 to index
        %get3A_115 = arith.constant 32 : index
        %get3A_116 = tpu.vector_load %arg10[%get3A_114, %get3A_115] {strides = array<i32>} : memref<128x128xf32, #tpu.memory_space<vmem>>, vector<1x16xf32>,
        %get3A_117 = vector.shape_cast %get3A_116 : vector<1x16xf32> to vector<16xf32>
        %mul3A_118 = arith.mulf %get3A_117, %exp3A : vector<16xf32>
        %swap3A_119 = arith.index_cast %scan3A_76 : i32 to index
        %swap3A_120 = arith.constant 32 : index
        %swap3A_121 = tpu.vector_load %arg12[%swap3A_119, %swap3A_120] {strides = array<i32>} : memref<64x80xf32, #tpu.memory_space<vmem>>, vector<1x16xf32>,
        %swap3A_122 = vector.shape_cast %swap3A_121 : vector<1x16xf32> to vector<16xf32>
        %swap3A_123 = vector.shape_cast %mul3A_118 : vector<16xf32> to vector<1x16xf32>
        tpu.vector_store %arg12[%swap3A_119, %swap3A_120], %swap3A_123 {strides = array<i32>} : memref<64x80xf32, #tpu.memory_space<vmem>>, vector<1x16xf32>,
        %get3A_124 = arith.index_cast %scan3A_76 : i32 to index
        %get3A_125 = arith.constant 48 : index
        %get3A_126 = tpu.vector_load %arg10[%get3A_124, %get3A_125] {strides = array<i32>} : memref<128x128xf32, #tpu.memory_space<vmem>>, vector<1x16xf32>,
        %get3A_127 = vector.shape_cast %get3A_126 : vector<1x16xf32> to vector<16xf32>
        %mul3A_128 = arith.mulf %get3A_127, %exp3A : vector<16xf32>
        %swap3A_129 = arith.index_cast %scan3A_76 : i32 to index
        %swap3A_130 = arith.constant 48 : index
        %swap3A_131 = tpu.vector_load %arg12[%swap3A_129, %swap3A_130] {strides = array<i32>} : memref<64x80xf32, #tpu.memory_space<vmem>>, vector<1x16xf32>,
        %swap3A_132 = vector.shape_cast %swap3A_131 : vector<1x16xf32> to vector<16xf32>
        %swap3A_133 = vector.shape_cast %mul3A_128 : vector<16xf32> to vector<1x16xf32>
        tpu.vector_store %arg12[%swap3A_129, %swap3A_130], %swap3A_133 {strides = array<i32>} : memref<64x80xf32, #tpu.memory_space<vmem>>, vector<1x16xf32>,
        %scan3A_134 = arith.constant 1 : i32
        %scan3A_135 = arith.addi %scan3A_76, %scan3A_134 : i32
        %get3A_136 = arith.index_cast %scan3A_135 : i32 to index
        %get3A_137 = arith.constant 64 : index
        %get3A_138 = tpu.vector_load %arg10[%get3A_136, %get3A_137] {strides = array<i32>} : memref<128x128xf32, #tpu.memory_space<vmem>>, vector<1x16xf32>,
        %get3A_139 = vector.shape_cast %get3A_138 : vector<1x16xf32> to vector<16xf32>
        %add3A_140 = arith.constant 64 : i32
        %add3A_141 = arith.addi %add3A_140, %scan3A_135 : i32
        %get3A_142 = arith.index_cast %add3A_141 : i32 to index
        %get3A_143 = arith.constant 80 : index
        %get3A_144 = tpu.vector_load %arg10[%get3A_142, %get3A_143] {strides = array<i32>} : memref<128x128xf32, #tpu.memory_space<vmem>>, vector<1x16xf32>,
        %get3A_145 = vector.shape_cast %get3A_144 : vector<1x16xf32> to vector<16xf32>
        %add3A_146 = arith.addf %get3A_139, %get3A_145 : vector<16xf32>
        %mul3A_147 = arith.constant 2.000000e-01 : f32
        %mul3A_148 = vector.broadcast %mul3A_147 : f32 to vector<16xf32>
        %mul3A_149 = arith.mulf %mul3A_148, %add3A_146 : vector<16xf32>
        %max3A_150 = arith.maximumf %add3A_146, %mul3A_149 : vector<16xf32>
        %exp3A_151 = math.exp %max3A_150 : vector<16xf32>
        %swap3A_152 = arith.index_cast %scan3A_135 : i32 to index
        %swap3A_153 = arith.constant 64 : index
        %swap3A_154 = tpu.vector_load %arg12[%swap3A_152, %swap3A_153] {strides = array<i32>} : memref<64x80xf32, #tpu.memory_space<vmem>>, vector<1x16xf32>,
        %swap3A_155 = vector.shape_cast %swap3A_154 : vector<1x16xf32> to vector<16xf32>
        %swap3A_156 = vector.shape_cast %exp3A_151 : vector<16xf32> to vector<1x16xf32>
        tpu.vector_store %arg12[%swap3A_152, %swap3A_153], %swap3A_156 {strides = array<i32>} : memref<64x80xf32, #tpu.memory_space<vmem>>, vector<1x16xf32>,
        %get3A_157 = arith.index_cast %scan3A_135 : i32 to index
        %get3A_158 = arith.constant 0 : index
        %get3A_159 = tpu.vector_load %arg10[%get3A_157, %get3A_158] {strides = array<i32>} : memref<128x128xf32, #tpu.memory_space<vmem>>, vector<1x16xf32>,
        %get3A_160 = vector.shape_cast %get3A_159 : vector<1x16xf32> to vector<16xf32>
        %mul3A_161 = arith.mulf %get3A_160, %exp3A_151 : vector<16xf32>
        %swap3A_162 = arith.index_cast %scan3A_135 : i32 to index
        %swap3A_163 = arith.constant 0 : index
        %swap3A_164 = tpu.vector_load %arg12[%swap3A_162, %swap3A_163] {strides = array<i32>} : memref<64x80xf32, #tpu.memory_space<vmem>>, vector<1x16xf32>,
        %swap3A_165 = vector.shape_cast %swap3A_164 : vector<1x16xf32> to vector<16xf32>
        %swap3A_166 = vector.shape_cast %mul3A_161 : vector<16xf32> to vector<1x16xf32>
        tpu.vector_store %arg12[%swap3A_162, %swap3A_163], %swap3A_166 {strides = array<i32>} : memref<64x80xf32, #tpu.memory_space<vmem>>, vector<1x16xf32>,
        %get3A_167 = arith.index_cast %scan3A_135 : i32 to index
        %get3A_168 = arith.constant 16 : index
        %get3A_169 = tpu.vector_load %arg10[%get3A_167, %get3A_168] {strides = array<i32>} : memref<128x128xf32, #tpu.memory_space<vmem>>, vector<1x16xf32>,
        %get3A_170 = vector.shape_cast %get3A_169 : vector<1x16xf32> to vector<16xf32>
        %mul3A_171 = arith.mulf %get3A_170, %exp3A_151 : vector<16xf32>
        %swap3A_172 = arith.index_cast %scan3A_135 : i32 to index
        %swap3A_173 = arith.constant 16 : index
        %swap3A_174 = tpu.vector_load %arg12[%swap3A_172, %swap3A_173] {strides = array<i32>} : memref<64x80xf32, #tpu.memory_space<vmem>>, vector<1x16xf32>,
        %swap3A_175 = vector.shape_cast %swap3A_174 : vector<1x16xf32> to vector<16xf32>
        %swap3A_176 = vector.shape_cast %mul3A_171 : vector<16xf32> to vector<1x16xf32>
        tpu.vector_store %arg12[%swap3A_172, %swap3A_173], %swap3A_176 {strides = array<i32>} : memref<64x80xf32, #tpu.memory_space<vmem>>, vector<1x16xf32>,
        %get3A_177 = arith.index_cast %scan3A_135 : i32 to index
        %get3A_178 = arith.constant 32 : index
        %get3A_179 = tpu.vector_load %arg10[%get3A_177, %get3A_178] {strides = array<i32>} : memref<128x128xf32, #tpu.memory_space<vmem>>, vector<1x16xf32>,
        %get3A_180 = vector.shape_cast %get3A_179 : vector<1x16xf32> to vector<16xf32>
        %mul3A_181 = arith.mulf %get3A_180, %exp3A_151 : vector<16xf32>
        %swap3A_182 = arith.index_cast %scan3A_135 : i32 to index
        %swap3A_183 = arith.constant 32 : index
        %swap3A_184 = tpu.vector_load %arg12[%swap3A_182, %swap3A_183] {strides = array<i32>} : memref<64x80xf32, #tpu.memory_space<vmem>>, vector<1x16xf32>,
        %swap3A_185 = vector.shape_cast %swap3A_184 : vector<1x16xf32> to vector<16xf32>
        %swap3A_186 = vector.shape_cast %mul3A_181 : vector<16xf32> to vector<1x16xf32>
        tpu.vector_store %arg12[%swap3A_182, %swap3A_183], %swap3A_186 {strides = array<i32>} : memref<64x80xf32, #tpu.memory_space<vmem>>, vector<1x16xf32>,
        %get3A_187 = arith.index_cast %scan3A_135 : i32 to index
        %get3A_188 = arith.constant 48 : index
        %get3A_189 = tpu.vector_load %arg10[%get3A_187, %get3A_188] {strides = array<i32>} : memref<128x128xf32, #tpu.memory_space<vmem>>, vector<1x16xf32>,
        %get3A_190 = vector.shape_cast %get3A_189 : vector<1x16xf32> to vector<16xf32>
        %mul3A_191 = arith.mulf %get3A_190, %exp3A_151 : vector<16xf32>
        %swap3A_192 = arith.index_cast %scan3A_135 : i32 to index
        %swap3A_193 = arith.constant 48 : index
        %swap3A_194 = tpu.vector_load %arg12[%swap3A_192, %swap3A_193] {strides = array<i32>} : memref<64x80xf32, #tpu.memory_space<vmem>>, vector<1x16xf32>,
        %swap3A_195 = vector.shape_cast %swap3A_194 : vector<1x16xf32> to vector<16xf32>
        %swap3A_196 = vector.shape_cast %mul3A_191 : vector<16xf32> to vector<1x16xf32>
        tpu.vector_store %arg12[%swap3A_192, %swap3A_193], %swap3A_196 {strides = array<i32>} : memref<64x80xf32, #tpu.memory_space<vmem>>, vector<1x16xf32>,
      }
      %scan3A_51 = arith.constant 64 : i32
      "tpu.region"() ({
        %run_scoped3A = tpu.sem_alloc : memref<!tpu.dma_semaphore, #tpu.memory_space<semaphore_mem>>
        %dma_start3A_76 = arith.constant 0 : i32
        %dma_start3A_77 = arith.constant 0 : i32
        %dma_start3A_78 = tpu.memref_slice %arg13[%dma_start3A_76, %dma_start3A_77] : memref<10240x80xf32, #tpu.memory_space<vmem_shared>> -> memref<10240x80xf32, #tpu.memory_space<vmem_shared>>
        tpu.enqueue_indirect_dma source(%arg12 : memref<64x80xf32, #tpu.memory_space<vmem>>) target(%dma_start3A_78 : memref<10240x80xf32, #tpu.memory_space<vmem_shared>>) offsets(%arg9 : memref<64xi32, #tpu.memory_space<vmem>>) semaphore(%run_scoped3A : memref<!tpu.dma_semaphore, #tpu.memory_space<semaphore_mem>>) {add = true}
        %dma_wait3A_79 = arith.constant 0 : i32
        %dma_wait3A_80 = arith.constant 0 : i32
        %dma_wait3A_81 = tpu.memref_slice %arg13[%dma_wait3A_79, %dma_wait3A_80] : memref<10240x80xf32, #tpu.memory_space<vmem_shared>> -> memref<10240x80xf32, #tpu.memory_space<vmem_shared>>
        tpu.wait_indirect_dma semaphore(%run_scoped3A : memref<!tpu.dma_semaphore, #tpu.memory_space<semaphore_mem>>) src(%arg12 : memref<64x80xf32, #tpu.memory_space<vmem>>) dst(%dma_wait3A_81 : memref<10240x80xf32, #tpu.memory_space<vmem_shared>>)
        tpu.yield
      }) : () -> ()
      %add3A_52 = arith.addi %mul3A_7, %mul3A_29 : i32
      %add3A_53 = arith.constant 2 : i32
      %add3A_54 = arith.addi %add3A_52, %add3A_53 : i32
      %mul3A_55 = arith.constant 128 : i32
      %mul3A_56 = arith.muli %add3A_54, %mul3A_55 : i32
      "tpu.region"() ({
        %run_scoped3A = tpu.sem_alloc : memref<!tpu.dma_semaphore, #tpu.memory_space<semaphore_mem>>
        %dma_start3A_76 = tpu.memref_slice %arg3[%mul3A_56] : memref<667648xi32, #tpu.memory_space<hbm>> -> memref<128xi32, #tpu.memory_space<hbm>>
        %dma_start3A_77 = tpu.memref_slice %arg3[%mul3A_56] : memref<667648xi32, #tpu.memory_space<hbm>> -> memref<128xi32, #tpu.memory_space<hbm>>
        tpu.enqueue_dma source(%dma_start3A_77 : memref<128xi32, #tpu.memory_space<hbm>>) target(%arg7 : memref<128xi32, #tpu.memory_space<vmem>>) target_semaphore(%run_scoped3A : memref<!tpu.dma_semaphore, #tpu.memory_space<semaphore_mem>>)
        %dma_wait3A_78 = tpu.memref_slice %arg3[%mul3A_56] : memref<667648xi32, #tpu.memory_space<hbm>> -> memref<128xi32, #tpu.memory_space<hbm>>
        %dma_wait3A_79 = tpu.memref_slice %arg3[%mul3A_56] : memref<667648xi32, #tpu.memory_space<hbm>> -> memref<128xi32, #tpu.memory_space<hbm>>
        tpu.wait_dma2 semaphore(%run_scoped3A : memref<!tpu.dma_semaphore, #tpu.memory_space<semaphore_mem>>) src(%dma_wait3A_79 : memref<128xi32, #tpu.memory_space<hbm>>) dst(%arg7 : memref<128xi32, #tpu.memory_space<vmem>>)
        tpu.yield
      }) : () -> ()
      %dma_start3A_57 = arith.constant 0 : i32
      %dma_start3A_58 = arith.constant 0 : i32
      %dma_start3A_59 = tpu.memref_slice %arg2[%dma_start3A_57, %dma_start3A_58] : memref<10240x128xf32, #tpu.memory_space<hbm>> -> memref<10240x128xf32, #tpu.memory_space<hbm>>
      tpu.enqueue_indirect_dma source(%dma_start3A_59 : memref<10240x128xf32, #tpu.memory_space<hbm>>) target(%arg10 : memref<128x128xf32, #tpu.memory_space<vmem>>) offsets(%arg7 : memref<128xi32, #tpu.memory_space<vmem>>) semaphore(%arg14 : memref<!tpu.dma_semaphore, #tpu.memory_space<semaphore_mem>>)
      %dma_wait3A_60 = arith.constant 0 : i32
      %dma_wait3A_61 = arith.constant 0 : i32
      %dma_wait3A_62 = tpu.memref_slice %arg2[%dma_wait3A_60, %dma_wait3A_61] : memref<10240x128xf32, #tpu.memory_space<hbm>> -> memref<10240x128xf32, #tpu.memory_space<hbm>>
      tpu.wait_indirect_dma semaphore(%arg15 : memref<!tpu.dma_semaphore, #tpu.memory_space<semaphore_mem>>) src(%dma_wait3A_62 : memref<10240x128xf32, #tpu.memory_space<hbm>>) dst(%arg11 : memref<128x128xf32, #tpu.memory_space<vmem>>)
      %add3A_63 = arith.constant 1 : i32
      %add3A_64 = arith.addi %mul3A_29, %add3A_63 : i32
      %mul3A_65 = arith.constant 10368 : i32
      %mul3A_66 = arith.muli %add3A, %mul3A_65 : i32
      %mul3A_67 = arith.constant 64 : i32
      %mul3A_68 = arith.muli %add3A_64, %mul3A_67 : i32
      %add3A_69 = arith.addi %mul3A_66, %mul3A_68 : i32
      "tpu.region"() ({
        %run_scoped3A = tpu.sem_alloc : memref<!tpu.dma_semaphore, #tpu.memory_space<semaphore_mem>>
        %dma_start3A_76 = tpu.memref_slice %arg4[%add3A_69] : memref<331776xi32, #tpu.memory_space<hbm>> -> memref<64xi32, #tpu.memory_space<hbm>>
        %dma_start3A_77 = tpu.memref_slice %arg4[%add3A_69] : memref<331776xi32, #tpu.memory_space<hbm>> -> memref<64xi32, #tpu.memory_space<hbm>>
        tpu.enqueue_dma source(%dma_start3A_77 : memref<64xi32, #tpu.memory_space<hbm>>) target(%arg9 : memref<64xi32, #tpu.memory_space<vmem>>) target_semaphore(%run_scoped3A : memref<!tpu.dma_semaphore, #tpu.memory_space<semaphore_mem>>)
        %dma_wait3A_78 = tpu.memref_slice %arg4[%add3A_69] : memref<331776xi32, #tpu.memory_space<hbm>> -> memref<64xi32, #tpu.memory_space<hbm>>
        %dma_wait3A_79 = tpu.memref_slice %arg4[%add3A_69] : memref<331776xi32, #tpu.memory_space<hbm>> -> memref<64xi32, #tpu.memory_space<hbm>>
        tpu.wait_dma2 semaphore(%run_scoped3A : memref<!tpu.dma_semaphore, #tpu.memory_space<semaphore_mem>>) src(%dma_wait3A_79 : memref<64xi32, #tpu.memory_space<hbm>>) dst(%arg9 : memref<64xi32, #tpu.memory_space<vmem>>)
        tpu.yield
      }) : () -> ()
      %scan3A_70 = arith.constant 0 : i32
      %scan3A_71 = arith.constant 0 : i32
      %scan3A_72 = arith.constant 64 : i32
      %scan3A_73 = arith.addi %scan3A_71, %scan3A_72 : i32
      %scan3A_74 = arith.constant 2 : i32
      scf.for %scan3A_76 = %scan3A_71 to %scan3A_73 step %scan3A_74  : i32 {
        %get3A = arith.index_cast %scan3A_76 : i32 to index
        %get3A_77 = arith.constant 64 : index
        %get3A_78 = tpu.vector_load %arg11[%get3A, %get3A_77] {strides = array<i32>} : memref<128x128xf32, #tpu.memory_space<vmem>>, vector<1x16xf32>,
        %get3A_79 = vector.shape_cast %get3A_78 : vector<1x16xf32> to vector<16xf32>
        %add3A_80 = arith.constant 64 : i32
        %add3A_81 = arith.addi %add3A_80, %scan3A_76 : i32
        %get3A_82 = arith.index_cast %add3A_81 : i32 to index
        %get3A_83 = arith.constant 80 : index
        %get3A_84 = tpu.vector_load %arg11[%get3A_82, %get3A_83] {strides = array<i32>} : memref<128x128xf32, #tpu.memory_space<vmem>>, vector<1x16xf32>,
        %get3A_85 = vector.shape_cast %get3A_84 : vector<1x16xf32> to vector<16xf32>
        %add3A_86 = arith.addf %get3A_79, %get3A_85 : vector<16xf32>
        %mul3A_87 = arith.constant 2.000000e-01 : f32
        %mul3A_88 = vector.broadcast %mul3A_87 : f32 to vector<16xf32>
        %mul3A_89 = arith.mulf %mul3A_88, %add3A_86 : vector<16xf32>
        %max3A = arith.maximumf %add3A_86, %mul3A_89 : vector<16xf32>
        %exp3A = math.exp %max3A : vector<16xf32>
        %swap3A = arith.index_cast %scan3A_76 : i32 to index
        %swap3A_90 = arith.constant 64 : index
        %swap3A_91 = tpu.vector_load %arg12[%swap3A, %swap3A_90] {strides = array<i32>} : memref<64x80xf32, #tpu.memory_space<vmem>>, vector<1x16xf32>,
        %swap3A_92 = vector.shape_cast %swap3A_91 : vector<1x16xf32> to vector<16xf32>
        %swap3A_93 = vector.shape_cast %exp3A : vector<16xf32> to vector<1x16xf32>
        tpu.vector_store %arg12[%swap3A, %swap3A_90], %swap3A_93 {strides = array<i32>} : memref<64x80xf32, #tpu.memory_space<vmem>>, vector<1x16xf32>,
        %get3A_94 = arith.index_cast %scan3A_76 : i32 to index
        %get3A_95 = arith.constant 0 : index
        %get3A_96 = tpu.vector_load %arg11[%get3A_94, %get3A_95] {strides = array<i32>} : memref<128x128xf32, #tpu.memory_space<vmem>>, vector<1x16xf32>,
        %get3A_97 = vector.shape_cast %get3A_96 : vector<1x16xf32> to vector<16xf32>
        %mul3A_98 = arith.mulf %get3A_97, %exp3A : vector<16xf32>
        %swap3A_99 = arith.index_cast %scan3A_76 : i32 to index
        %swap3A_100 = arith.constant 0 : index
        %swap3A_101 = tpu.vector_load %arg12[%swap3A_99, %swap3A_100] {strides = array<i32>} : memref<64x80xf32, #tpu.memory_space<vmem>>, vector<1x16xf32>,
        %swap3A_102 = vector.shape_cast %swap3A_101 : vector<1x16xf32> to vector<16xf32>
        %swap3A_103 = vector.shape_cast %mul3A_98 : vector<16xf32> to vector<1x16xf32>
        tpu.vector_store %arg12[%swap3A_99, %swap3A_100], %swap3A_103 {strides = array<i32>} : memref<64x80xf32, #tpu.memory_space<vmem>>, vector<1x16xf32>,
        %get3A_104 = arith.index_cast %scan3A_76 : i32 to index
        %get3A_105 = arith.constant 16 : index
        %get3A_106 = tpu.vector_load %arg11[%get3A_104, %get3A_105] {strides = array<i32>} : memref<128x128xf32, #tpu.memory_space<vmem>>, vector<1x16xf32>,
        %get3A_107 = vector.shape_cast %get3A_106 : vector<1x16xf32> to vector<16xf32>
        %mul3A_108 = arith.mulf %get3A_107, %exp3A : vector<16xf32>
        %swap3A_109 = arith.index_cast %scan3A_76 : i32 to index
        %swap3A_110 = arith.constant 16 : index
        %swap3A_111 = tpu.vector_load %arg12[%swap3A_109, %swap3A_110] {strides = array<i32>} : memref<64x80xf32, #tpu.memory_space<vmem>>, vector<1x16xf32>,
        %swap3A_112 = vector.shape_cast %swap3A_111 : vector<1x16xf32> to vector<16xf32>
        %swap3A_113 = vector.shape_cast %mul3A_108 : vector<16xf32> to vector<1x16xf32>
        tpu.vector_store %arg12[%swap3A_109, %swap3A_110], %swap3A_113 {strides = array<i32>} : memref<64x80xf32, #tpu.memory_space<vmem>>, vector<1x16xf32>,
        %get3A_114 = arith.index_cast %scan3A_76 : i32 to index
        %get3A_115 = arith.constant 32 : index
        %get3A_116 = tpu.vector_load %arg11[%get3A_114, %get3A_115] {strides = array<i32>} : memref<128x128xf32, #tpu.memory_space<vmem>>, vector<1x16xf32>,
        %get3A_117 = vector.shape_cast %get3A_116 : vector<1x16xf32> to vector<16xf32>
        %mul3A_118 = arith.mulf %get3A_117, %exp3A : vector<16xf32>
        %swap3A_119 = arith.index_cast %scan3A_76 : i32 to index
        %swap3A_120 = arith.constant 32 : index
        %swap3A_121 = tpu.vector_load %arg12[%swap3A_119, %swap3A_120] {strides = array<i32>} : memref<64x80xf32, #tpu.memory_space<vmem>>, vector<1x16xf32>,
        %swap3A_122 = vector.shape_cast %swap3A_121 : vector<1x16xf32> to vector<16xf32>
        %swap3A_123 = vector.shape_cast %mul3A_118 : vector<16xf32> to vector<1x16xf32>
        tpu.vector_store %arg12[%swap3A_119, %swap3A_120], %swap3A_123 {strides = array<i32>} : memref<64x80xf32, #tpu.memory_space<vmem>>, vector<1x16xf32>,
        %get3A_124 = arith.index_cast %scan3A_76 : i32 to index
        %get3A_125 = arith.constant 48 : index
        %get3A_126 = tpu.vector_load %arg11[%get3A_124, %get3A_125] {strides = array<i32>} : memref<128x128xf32, #tpu.memory_space<vmem>>, vector<1x16xf32>,
        %get3A_127 = vector.shape_cast %get3A_126 : vector<1x16xf32> to vector<16xf32>
        %mul3A_128 = arith.mulf %get3A_127, %exp3A : vector<16xf32>
        %swap3A_129 = arith.index_cast %scan3A_76 : i32 to index
        %swap3A_130 = arith.constant 48 : index
        %swap3A_131 = tpu.vector_load %arg12[%swap3A_129, %swap3A_130] {strides = array<i32>} : memref<64x80xf32, #tpu.memory_space<vmem>>, vector<1x16xf32>,
        %swap3A_132 = vector.shape_cast %swap3A_131 : vector<1x16xf32> to vector<16xf32>
        %swap3A_133 = vector.shape_cast %mul3A_128 : vector<16xf32> to vector<1x16xf32>
        tpu.vector_store %arg12[%swap3A_129, %swap3A_130], %swap3A_133 {strides = array<i32>} : memref<64x80xf32, #tpu.memory_space<vmem>>, vector<1x16xf32>,
        %scan3A_134 = arith.constant 1 : i32
        %scan3A_135 = arith.addi %scan3A_76, %scan3A_134 : i32
        %get3A_136 = arith.index_cast %scan3A_135 : i32 to index
        %get3A_137 = arith.constant 64 : index
        %get3A_138 = tpu.vector_load %arg11[%get3A_136, %get3A_137] {strides = array<i32>} : memref<128x128xf32, #tpu.memory_space<vmem>>, vector<1x16xf32>,
        %get3A_139 = vector.shape_cast %get3A_138 : vector<1x16xf32> to vector<16xf32>
        %add3A_140 = arith.constant 64 : i32
        %add3A_141 = arith.addi %add3A_140, %scan3A_135 : i32
        %get3A_142 = arith.index_cast %add3A_141 : i32 to index
        %get3A_143 = arith.constant 80 : index
        %get3A_144 = tpu.vector_load %arg11[%get3A_142, %get3A_143] {strides = array<i32>} : memref<128x128xf32, #tpu.memory_space<vmem>>, vector<1x16xf32>,
        %get3A_145 = vector.shape_cast %get3A_144 : vector<1x16xf32> to vector<16xf32>
        %add3A_146 = arith.addf %get3A_139, %get3A_145 : vector<16xf32>
        %mul3A_147 = arith.constant 2.000000e-01 : f32
        %mul3A_148 = vector.broadcast %mul3A_147 : f32 to vector<16xf32>
        %mul3A_149 = arith.mulf %mul3A_148, %add3A_146 : vector<16xf32>
        %max3A_150 = arith.maximumf %add3A_146, %mul3A_149 : vector<16xf32>
        %exp3A_151 = math.exp %max3A_150 : vector<16xf32>
        %swap3A_152 = arith.index_cast %scan3A_135 : i32 to index
        %swap3A_153 = arith.constant 64 : index
        %swap3A_154 = tpu.vector_load %arg12[%swap3A_152, %swap3A_153] {strides = array<i32>} : memref<64x80xf32, #tpu.memory_space<vmem>>, vector<1x16xf32>,
        %swap3A_155 = vector.shape_cast %swap3A_154 : vector<1x16xf32> to vector<16xf32>
        %swap3A_156 = vector.shape_cast %exp3A_151 : vector<16xf32> to vector<1x16xf32>
        tpu.vector_store %arg12[%swap3A_152, %swap3A_153], %swap3A_156 {strides = array<i32>} : memref<64x80xf32, #tpu.memory_space<vmem>>, vector<1x16xf32>,
        %get3A_157 = arith.index_cast %scan3A_135 : i32 to index
        %get3A_158 = arith.constant 0 : index
        %get3A_159 = tpu.vector_load %arg11[%get3A_157, %get3A_158] {strides = array<i32>} : memref<128x128xf32, #tpu.memory_space<vmem>>, vector<1x16xf32>,
        %get3A_160 = vector.shape_cast %get3A_159 : vector<1x16xf32> to vector<16xf32>
        %mul3A_161 = arith.mulf %get3A_160, %exp3A_151 : vector<16xf32>
        %swap3A_162 = arith.index_cast %scan3A_135 : i32 to index
        %swap3A_163 = arith.constant 0 : index
        %swap3A_164 = tpu.vector_load %arg12[%swap3A_162, %swap3A_163] {strides = array<i32>} : memref<64x80xf32, #tpu.memory_space<vmem>>, vector<1x16xf32>,
        %swap3A_165 = vector.shape_cast %swap3A_164 : vector<1x16xf32> to vector<16xf32>
        %swap3A_166 = vector.shape_cast %mul3A_161 : vector<16xf32> to vector<1x16xf32>
        tpu.vector_store %arg12[%swap3A_162, %swap3A_163], %swap3A_166 {strides = array<i32>} : memref<64x80xf32, #tpu.memory_space<vmem>>, vector<1x16xf32>,
        %get3A_167 = arith.index_cast %scan3A_135 : i32 to index
        %get3A_168 = arith.constant 16 : index
        %get3A_169 = tpu.vector_load %arg11[%get3A_167, %get3A_168] {strides = array<i32>} : memref<128x128xf32, #tpu.memory_space<vmem>>, vector<1x16xf32>,
        %get3A_170 = vector.shape_cast %get3A_169 : vector<1x16xf32> to vector<16xf32>
        %mul3A_171 = arith.mulf %get3A_170, %exp3A_151 : vector<16xf32>
        %swap3A_172 = arith.index_cast %scan3A_135 : i32 to index
        %swap3A_173 = arith.constant 16 : index
        %swap3A_174 = tpu.vector_load %arg12[%swap3A_172, %swap3A_173] {strides = array<i32>} : memref<64x80xf32, #tpu.memory_space<vmem>>, vector<1x16xf32>,
        %swap3A_175 = vector.shape_cast %swap3A_174 : vector<1x16xf32> to vector<16xf32>
        %swap3A_176 = vector.shape_cast %mul3A_171 : vector<16xf32> to vector<1x16xf32>
        tpu.vector_store %arg12[%swap3A_172, %swap3A_173], %swap3A_176 {strides = array<i32>} : memref<64x80xf32, #tpu.memory_space<vmem>>, vector<1x16xf32>,
        %get3A_177 = arith.index_cast %scan3A_135 : i32 to index
        %get3A_178 = arith.constant 32 : index
        %get3A_179 = tpu.vector_load %arg11[%get3A_177, %get3A_178] {strides = array<i32>} : memref<128x128xf32, #tpu.memory_space<vmem>>, vector<1x16xf32>,
        %get3A_180 = vector.shape_cast %get3A_179 : vector<1x16xf32> to vector<16xf32>
        %mul3A_181 = arith.mulf %get3A_180, %exp3A_151 : vector<16xf32>
        %swap3A_182 = arith.index_cast %scan3A_135 : i32 to index
        %swap3A_183 = arith.constant 32 : index
        %swap3A_184 = tpu.vector_load %arg12[%swap3A_182, %swap3A_183] {strides = array<i32>} : memref<64x80xf32, #tpu.memory_space<vmem>>, vector<1x16xf32>,
        %swap3A_185 = vector.shape_cast %swap3A_184 : vector<1x16xf32> to vector<16xf32>
        %swap3A_186 = vector.shape_cast %mul3A_181 : vector<16xf32> to vector<1x16xf32>
        tpu.vector_store %arg12[%swap3A_182, %swap3A_183], %swap3A_186 {strides = array<i32>} : memref<64x80xf32, #tpu.memory_space<vmem>>, vector<1x16xf32>,
        %get3A_187 = arith.index_cast %scan3A_135 : i32 to index
        %get3A_188 = arith.constant 48 : index
        %get3A_189 = tpu.vector_load %arg11[%get3A_187, %get3A_188] {strides = array<i32>} : memref<128x128xf32, #tpu.memory_space<vmem>>, vector<1x16xf32>,
        %get3A_190 = vector.shape_cast %get3A_189 : vector<1x16xf32> to vector<16xf32>
        %mul3A_191 = arith.mulf %get3A_190, %exp3A_151 : vector<16xf32>
        %swap3A_192 = arith.index_cast %scan3A_135 : i32 to index
        %swap3A_193 = arith.constant 48 : index
        %swap3A_194 = tpu.vector_load %arg12[%swap3A_192, %swap3A_193] {strides = array<i32>} : memref<64x80xf32, #tpu.memory_space<vmem>>, vector<1x16xf32>,
        %swap3A_195 = vector.shape_cast %swap3A_194 : vector<1x16xf32> to vector<16xf32>
        %swap3A_196 = vector.shape_cast %mul3A_191 : vector<16xf32> to vector<1x16xf32>
        tpu.vector_store %arg12[%swap3A_192, %swap3A_193], %swap3A_196 {strides = array<i32>} : memref<64x80xf32, #tpu.memory_space<vmem>>, vector<1x16xf32>,
      }
      %scan3A_75 = arith.constant 64 : i32
      "tpu.region"() ({
        %run_scoped3A = tpu.sem_alloc : memref<!tpu.dma_semaphore, #tpu.memory_space<semaphore_mem>>
        %dma_start3A_76 = arith.constant 0 : i32
        %dma_start3A_77 = arith.constant 0 : i32
        %dma_start3A_78 = tpu.memref_slice %arg13[%dma_start3A_76, %dma_start3A_77] : memref<10240x80xf32, #tpu.memory_space<vmem_shared>> -> memref<10240x80xf32, #tpu.memory_space<vmem_shared>>
        tpu.enqueue_indirect_dma source(%arg12 : memref<64x80xf32, #tpu.memory_space<vmem>>) target(%dma_start3A_78 : memref<10240x80xf32, #tpu.memory_space<vmem_shared>>) offsets(%arg9 : memref<64xi32, #tpu.memory_space<vmem>>) semaphore(%run_scoped3A : memref<!tpu.dma_semaphore, #tpu.memory_space<semaphore_mem>>) {add = true}
        %dma_wait3A_79 = arith.constant 0 : i32
        %dma_wait3A_80 = arith.constant 0 : i32
        %dma_wait3A_81 = tpu.memref_slice %arg13[%dma_wait3A_79, %dma_wait3A_80] : memref<10240x80xf32, #tpu.memory_space<vmem_shared>> -> memref<10240x80xf32, #tpu.memory_space<vmem_shared>>
        tpu.wait_indirect_dma semaphore(%run_scoped3A : memref<!tpu.dma_semaphore, #tpu.memory_space<semaphore_mem>>) src(%arg12 : memref<64x80xf32, #tpu.memory_space<vmem>>) dst(%dma_wait3A_81 : memref<10240x80xf32, #tpu.memory_space<vmem_shared>>)
        tpu.yield
      }) : () -> ()
    }
    %scan3A_17 = arith.constant 81 : i32
    %dma_wait3A = arith.constant 0 : i32
    %dma_wait3A_18 = arith.constant 0 : i32
    %dma_wait3A_19 = tpu.memref_slice %arg2[%dma_wait3A, %dma_wait3A_18] : memref<10240x128xf32, #tpu.memory_space<hbm>> -> memref<10240x128xf32, #tpu.memory_space<hbm>>
    tpu.wait_indirect_dma semaphore(%arg14 : memref<!tpu.dma_semaphore, #tpu.memory_space<semaphore_mem>>) src(%dma_wait3A_19 : memref<10240x128xf32, #tpu.memory_space<hbm>>) dst(%arg10 : memref<128x128xf32, #tpu.memory_space<vmem>>)
    %barrier3A_20 = arith.constant 0 : index
    tpu.barrier barrier_id(%barrier3A_20)
    %scan3A_21 = arith.constant 0 : i32
    %scan3A_22 = arith.constant 0 : i32
    %scan3A_23 = arith.constant 10 : i32
    %scan3A_24 = arith.addi %scan3A_22, %scan3A_23 : i32
    %scan3A_25 = arith.constant 1 : i32
    scf.for %scan3A_27 = %scan3A_22 to %scan3A_24 step %scan3A_25  : i32 {
      %mul3A_28 = arith.constant 640 : i32
      %mul3A_29 = arith.muli %arg1, %mul3A_28 : i32
      %mul3A_30 = arith.constant 64 : i32
      %mul3A_31 = arith.muli %scan3A_27, %mul3A_30 : i32
      %add3A_32 = arith.addi %mul3A_29, %mul3A_31 : i32
      "tpu.region"() ({
        %run_scoped3A = tpu.sem_alloc : memref<!tpu.dma_semaphore, #tpu.memory_space<semaphore_mem>>
        %dma_start3A_33 = arith.constant 0 : i32
        %dma_start3A_34 = tpu.memref_slice %arg13[%add3A_32, %dma_start3A_33] : memref<10240x80xf32, #tpu.memory_space<vmem_shared>> -> memref<64x80xf32, #tpu.memory_space<vmem_shared>>
        %dma_start3A_35 = arith.constant 0 : i32
        %dma_start3A_36 = tpu.memref_slice %arg13[%add3A_32, %dma_start3A_35] : memref<10240x80xf32, #tpu.memory_space<vmem_shared>> -> memref<64x80xf32, #tpu.memory_space<vmem_shared>>
        tpu.enqueue_dma source(%dma_start3A_36 : memref<64x80xf32, #tpu.memory_space<vmem_shared>>) target(%arg12 : memref<64x80xf32, #tpu.memory_space<vmem>>) target_semaphore(%run_scoped3A : memref<!tpu.dma_semaphore, #tpu.memory_space<semaphore_mem>>)
        %dma_wait3A_37 = arith.constant 0 : i32
        %dma_wait3A_38 = tpu.memref_slice %arg13[%add3A_32, %dma_wait3A_37] : memref<10240x80xf32, #tpu.memory_space<vmem_shared>> -> memref<64x80xf32, #tpu.memory_space<vmem_shared>>
        %dma_wait3A_39 = arith.constant 0 : i32
        %dma_wait3A_40 = tpu.memref_slice %arg13[%add3A_32, %dma_wait3A_39] : memref<10240x80xf32, #tpu.memory_space<vmem_shared>> -> memref<64x80xf32, #tpu.memory_space<vmem_shared>>
        tpu.wait_dma2 semaphore(%run_scoped3A : memref<!tpu.dma_semaphore, #tpu.memory_space<semaphore_mem>>) src(%dma_wait3A_40 : memref<64x80xf32, #tpu.memory_space<vmem_shared>>) dst(%arg12 : memref<64x80xf32, #tpu.memory_space<vmem>>)
        tpu.yield
      }) : () -> ()
      "tpu.region"() ({
        %run_scoped3A = tpu.sem_alloc : memref<!tpu.dma_semaphore, #tpu.memory_space<semaphore_mem>>
        %dma_start3A_33 = arith.constant 0 : i32
        %dma_start3A_34 = tpu.memref_slice %arg6[%arg0, %add3A_32, %dma_start3A_33] : memref<2x10240x80xf32, #tpu.memory_space<hbm>> -> memref<1x64x80xf32, #tpu.memory_space<hbm>>
        %dma_start3A_35 = tpu.memref_squeeze %dma_start3A_34 : memref<1x64x80xf32, #tpu.memory_space<hbm>> -> memref<64x80xf32, #tpu.memory_space<hbm>>
        %dma_start3A_36 = arith.constant 0 : i32
        %dma_start3A_37 = tpu.memref_slice %arg6[%arg0, %add3A_32, %dma_start3A_36] : memref<2x10240x80xf32, #tpu.memory_space<hbm>> -> memref<1x64x80xf32, #tpu.memory_space<hbm>>
        %dma_start3A_38 = tpu.memref_squeeze %dma_start3A_37 : memref<1x64x80xf32, #tpu.memory_space<hbm>> -> memref<64x80xf32, #tpu.memory_space<hbm>>
        tpu.enqueue_dma source(%arg12 : memref<64x80xf32, #tpu.memory_space<vmem>>) target(%dma_start3A_38 : memref<64x80xf32, #tpu.memory_space<hbm>>) target_semaphore(%run_scoped3A : memref<!tpu.dma_semaphore, #tpu.memory_space<semaphore_mem>>)
        %dma_wait3A_39 = arith.constant 0 : i32
        %dma_wait3A_40 = tpu.memref_slice %arg6[%arg0, %add3A_32, %dma_wait3A_39] : memref<2x10240x80xf32, #tpu.memory_space<hbm>> -> memref<1x64x80xf32, #tpu.memory_space<hbm>>
        %dma_wait3A_41 = tpu.memref_squeeze %dma_wait3A_40 : memref<1x64x80xf32, #tpu.memory_space<hbm>> -> memref<64x80xf32, #tpu.memory_space<hbm>>
        %dma_wait3A_42 = arith.constant 0 : i32
        %dma_wait3A_43 = tpu.memref_slice %arg6[%arg0, %add3A_32, %dma_wait3A_42] : memref<2x10240x80xf32, #tpu.memory_space<hbm>> -> memref<1x64x80xf32, #tpu.memory_space<hbm>>
        %dma_wait3A_44 = tpu.memref_squeeze %dma_wait3A_43 : memref<1x64x80xf32, #tpu.memory_space<hbm>> -> memref<64x80xf32, #tpu.memory_space<hbm>>
        tpu.wait_dma2 semaphore(%run_scoped3A : memref<!tpu.dma_semaphore, #tpu.memory_space<semaphore_mem>>) src(%arg12 : memref<64x80xf32, #tpu.memory_space<vmem>>) dst(%dma_wait3A_44 : memref<64x80xf32, #tpu.memory_space<hbm>>)
        tpu.yield
      }) : () -> ()
    }
    %scan3A_26 = arith.constant 10 : i32
    return
  }
}

module attributes {stable_mosaic.version = 14 : i64} {
  func.func @_dense1_body(%arg0: i32, %arg1: memref<512x128xf32, #tpu.memory_space<vmem>>, %arg2: memref<128x128xf32, #tpu.memory_space<vmem>>, %arg3: memref<512x128xf32, #tpu.memory_space<vmem>>) attributes {dimension_semantics = [#tpu.dimension_semantics<arbitrary>], iteration_bounds = array<i64: 20>, scalar_prefetch = 0 : i64, scratch_operands = 0 : i64, tpu.core_type = #tpu.core_type<tc>, window_params = [{transform_indices = @transform_0, window_bounds = array<i64: 512, 128>}, {pipeline_mode = #tpu.pipeline_mode<synchronous>, transform_indices = @transform_1, window_bounds = array<i64: 128, 128>}, {transform_indices = @transform_2, window_bounds = array<i64: 512, 128>}]} {
    %get3A = arith.constant 0 : index
    %get3A_0 = arith.constant 0 : index
    %get3A_1 = vector.load %arg1[%get3A, %get3A_0] : memref<512x128xf32, #tpu.memory_space<vmem>>, vector<512x128xf32>
    %get3A_2 = arith.constant 0 : index
    %get3A_3 = arith.constant 0 : index
    %get3A_4 = vector.load %arg2[%get3A_2, %get3A_3] : memref<128x128xf32, #tpu.memory_space<vmem>>, vector<128x128xf32>
    %dot_general3A = arith.constant dense<0.000000e+00> : vector<512x128xf32>
    %dot_general3A_5 = tpu.matmul %get3A_1, %get3A_4, %dot_general3A {dimension_numbers = #tpu.dot_dimension_numbers<[1], [0], [0], [1], [0, 0, 1, 1], [], []>, transpose_lhs_hint = false} : vector<512x128xf32>, vector<128x128xf32>, vector<512x128xf32> -> vector<512x128xf32>
    %swap3A = arith.constant 0 : index
    %swap3A_6 = arith.constant 0 : index
    %swap3A_7 = vector.load %arg3[%swap3A, %swap3A_6] : memref<512x128xf32, #tpu.memory_space<vmem>>, vector<512x128xf32>
    tpu.vector_store %arg3[%swap3A, %swap3A_6], %dot_general3A_5 {strides = array<i32>} : memref<512x128xf32, #tpu.memory_space<vmem>>, vector<512x128xf32>,
    return
  }
  func.func @transform_0(%arg0: i32) -> (i32, i32) {
    %c0_i32 = arith.constant 0 : i32
    %c0_i32_0 = arith.constant 0 : i32
    return %arg0, %c0_i32 : i32, i32
  }
  func.func @transform_1(%arg0: i32) -> (i32, i32) {
    %c0_i32 = arith.constant 0 : i32
    %c0_i32_0 = arith.constant 0 : i32
    %c0_i32_1 = arith.constant 0 : i32
    return %c0_i32, %c0_i32_0 : i32, i32
  }
  func.func @transform_2(%arg0: i32) -> (i32, i32) {
    %c0_i32 = arith.constant 0 : i32
    %c0_i32_0 = arith.constant 0 : i32
    return %arg0, %c0_i32 : i32, i32
  }
}

module attributes {stable_mosaic.version = 14 : i64} {
  func.func @_mid_body(%arg0: i32, %arg1: memref<512x80xf32, #tpu.memory_space<vmem>>, %arg2: memref<512x80xf32, #tpu.memory_space<vmem>>, %arg3: memref<8x64xf32, #tpu.memory_space<vmem>>, %arg4: memref<8x64xf32, #tpu.memory_space<vmem>>, %arg5: memref<64x128xf32, #tpu.memory_space<vmem>>, %arg6: memref<512x128xf32, #tpu.memory_space<vmem>>) attributes {dimension_semantics = [#tpu.dimension_semantics<arbitrary>], iteration_bounds = array<i64: 20>, scalar_prefetch = 0 : i64, scratch_operands = 0 : i64, tpu.core_type = #tpu.core_type<tc>, window_params = [{transform_indices = @transform_0, window_bounds = array<i64: 512, 80>}, {transform_indices = @transform_1, window_bounds = array<i64: 512, 80>}, {pipeline_mode = #tpu.pipeline_mode<synchronous>, transform_indices = @transform_2, window_bounds = array<i64: 8, 64>}, {pipeline_mode = #tpu.pipeline_mode<synchronous>, transform_indices = @transform_3, window_bounds = array<i64: 8, 64>}, {pipeline_mode = #tpu.pipeline_mode<synchronous>, transform_indices = @transform_4, window_bounds = array<i64: 64, 128>}, {transform_indices = @transform_5, window_bounds = array<i64: 512, 128>}]} {
    %get3A = arith.constant 0 : index
    %get3A_0 = arith.constant 0 : index
    %get3A_1 = vector.load %arg1[%get3A, %get3A_0] : memref<512x80xf32, #tpu.memory_space<vmem>>, vector<512x80xf32>
    %get3A_2 = arith.constant 0 : index
    %get3A_3 = arith.constant 0 : index
    %get3A_4 = vector.load %arg2[%get3A_2, %get3A_3] : memref<512x80xf32, #tpu.memory_space<vmem>>, vector<512x80xf32>
    %add3A = arith.addf %get3A_1, %get3A_4 : vector<512x80xf32>
    %slice3A = vector.extract_strided_slice %add3A {offsets = [0, 0], sizes = [512, 64], strides = [1, 1]} : vector<512x80xf32> to vector<512x64xf32>
    %slice3A_5 = vector.extract_strided_slice %add3A {offsets = [0, 64], sizes = [512, 8], strides = [1, 1]} : vector<512x80xf32> to vector<512x8xf32>
    %add3A_6 = arith.constant 1.000000e-16 : f32
    %add3A_7 = vector.broadcast %add3A_6 : f32 to vector<512x8xf32>
    %add3A_8 = arith.addf %slice3A_5, %add3A_7 : vector<512x8xf32>
    %get3A_9 = arith.constant 0 : index
    %get3A_10 = arith.constant 0 : index
    %get3A_11 = vector.load %arg3[%get3A_9, %get3A_10] : memref<8x64xf32, #tpu.memory_space<vmem>>, vector<8x64xf32>
    %dot_general3A = arith.constant dense<0.000000e+00> : vector<512x64xf32>
    %dot_general3A_12 = tpu.matmul %add3A_8, %get3A_11, %dot_general3A {dimension_numbers = #tpu.dot_dimension_numbers<[1], [0], [0], [1], [0, 0, 1, 1], [], []>, transpose_lhs_hint = false} : vector<512x8xf32>, vector<8x64xf32>, vector<512x64xf32> -> vector<512x64xf32>
    %div3A = arith.divf %slice3A, %dot_general3A_12 : vector<512x64xf32>
    %get3A_13 = arith.constant 0 : index
    %get3A_14 = arith.constant 0 : index
    %get3A_15 = vector.load %arg4[%get3A_13, %get3A_14] : memref<8x64xf32, #tpu.memory_space<vmem>>, vector<1x64xf32>
    %add3A_16 = vector.broadcast %get3A_15 : vector<1x64xf32> to vector<512x64xf32>
    %add3A_17 = arith.addf %div3A, %add3A_16 : vector<512x64xf32>
    %gt3A = arith.constant 0.000000e+00 : f32
    %gt3A_18 = vector.broadcast %gt3A : f32 to vector<512x64xf32>
    %gt3A_19 = arith.cmpf ogt, %add3A_17, %gt3A_18 : vector<512x64xf32>
    %exp3A = math.exp %add3A_17 : vector<512x64xf32>
    %sub3A = arith.constant 1.000000e+00 : f32
    %sub3A_20 = vector.broadcast %sub3A : f32 to vector<512x64xf32>
    %sub3A_21 = arith.subf %exp3A, %sub3A_20 : vector<512x64xf32>
    %select_n3A = arith.select %gt3A_19, %add3A_17, %sub3A_21 : vector<512x64xi1>, vector<512x64xf32>
    %get3A_22 = arith.constant 0 : index
    %get3A_23 = arith.constant 0 : index
    %get3A_24 = vector.load %arg5[%get3A_22, %get3A_23] : memref<64x128xf32, #tpu.memory_space<vmem>>, vector<64x128xf32>
    %dot_general3A_25 = arith.constant dense<0.000000e+00> : vector<512x128xf32>
    %dot_general3A_26 = tpu.matmul %select_n3A, %get3A_24, %dot_general3A_25 {dimension_numbers = #tpu.dot_dimension_numbers<[1], [0], [0], [1], [0, 0, 1, 1], [], []>, transpose_lhs_hint = false} : vector<512x64xf32>, vector<64x128xf32>, vector<512x128xf32> -> vector<512x128xf32>
    %swap3A = arith.constant 0 : index
    %swap3A_27 = arith.constant 0 : index
    %swap3A_28 = vector.load %arg6[%swap3A, %swap3A_27] : memref<512x128xf32, #tpu.memory_space<vmem>>, vector<512x128xf32>
    tpu.vector_store %arg6[%swap3A, %swap3A_27], %dot_general3A_26 {strides = array<i32>} : memref<512x128xf32, #tpu.memory_space<vmem>>, vector<512x128xf32>,
    return
  }
  func.func @transform_0(%arg0: i32) -> (i32, i32) {
    %c0_i32 = arith.constant 0 : i32
    %c0_i32_0 = arith.constant 0 : i32
    return %arg0, %c0_i32 : i32, i32
  }
  func.func @transform_1(%arg0: i32) -> (i32, i32) {
    %c0_i32 = arith.constant 0 : i32
    %c0_i32_0 = arith.constant 0 : i32
    return %arg0, %c0_i32 : i32, i32
  }
  func.func @transform_2(%arg0: i32) -> (i32, i32) {
    %c0_i32 = arith.constant 0 : i32
    %c0_i32_0 = arith.constant 0 : i32
    %c0_i32_1 = arith.constant 0 : i32
    return %c0_i32, %c0_i32_0 : i32, i32
  }
  func.func @transform_3(%arg0: i32) -> (i32, i32) {
    %c0_i32 = arith.constant 0 : i32
    %c0_i32_0 = arith.constant 0 : i32
    %c0_i32_1 = arith.constant 0 : i32
    return %c0_i32, %c0_i32_0 : i32, i32
  }
  func.func @transform_4(%arg0: i32) -> (i32, i32) {
    %c0_i32 = arith.constant 0 : i32
    %c0_i32_0 = arith.constant 0 : i32
    %c0_i32_1 = arith.constant 0 : i32
    return %c0_i32, %c0_i32_0 : i32, i32
  }
  func.func @transform_5(%arg0: i32) -> (i32, i32) {
    %c0_i32 = arith.constant 0 : i32
    %c0_i32_0 = arith.constant 0 : i32
    return %arg0, %c0_i32 : i32, i32
  }
}

module attributes {stable_mosaic.version = 14 : i64} {
  func.func @_fin_body(%arg0: i32, %arg1: memref<512x80xf32, #tpu.memory_space<vmem>>, %arg2: memref<512x80xf32, #tpu.memory_space<vmem>>, %arg3: memref<8x64xf32, #tpu.memory_space<vmem>>, %arg4: memref<512x64xf32, #tpu.memory_space<vmem>>) attributes {dimension_semantics = [#tpu.dimension_semantics<arbitrary>], iteration_bounds = array<i64: 20>, scalar_prefetch = 0 : i64, scratch_operands = 0 : i64, tpu.core_type = #tpu.core_type<tc>, window_params = [{transform_indices = @transform_0, window_bounds = array<i64: 512, 80>}, {transform_indices = @transform_1, window_bounds = array<i64: 512, 80>}, {pipeline_mode = #tpu.pipeline_mode<synchronous>, transform_indices = @transform_2, window_bounds = array<i64: 8, 64>}, {transform_indices = @transform_3, window_bounds = array<i64: 512, 64>}]} {
    %get3A = arith.constant 0 : index
    %get3A_0 = arith.constant 0 : index
    %get3A_1 = vector.load %arg1[%get3A, %get3A_0] : memref<512x80xf32, #tpu.memory_space<vmem>>, vector<512x80xf32>
    %get3A_2 = arith.constant 0 : index
    %get3A_3 = arith.constant 0 : index
    %get3A_4 = vector.load %arg2[%get3A_2, %get3A_3] : memref<512x80xf32, #tpu.memory_space<vmem>>, vector<512x80xf32>
    %add3A = arith.addf %get3A_1, %get3A_4 : vector<512x80xf32>
    %slice3A = vector.extract_strided_slice %add3A {offsets = [0, 0], sizes = [512, 64], strides = [1, 1]} : vector<512x80xf32> to vector<512x64xf32>
    %slice3A_5 = vector.extract_strided_slice %add3A {offsets = [0, 64], sizes = [512, 1], strides = [1, 1]} : vector<512x80xf32> to vector<512x1xf32>
    %add3A_6 = arith.constant 1.000000e-16 : f32
    %add3A_7 = vector.broadcast %add3A_6 : f32 to vector<512x1xf32>
    %add3A_8 = arith.addf %slice3A_5, %add3A_7 : vector<512x1xf32>
    %div3A = vector.broadcast %add3A_8 : vector<512x1xf32> to vector<512x64xf32>
    %div3A_9 = arith.divf %slice3A, %div3A : vector<512x64xf32>
    %get3A_10 = arith.constant 0 : index
    %get3A_11 = arith.constant 0 : index
    %get3A_12 = vector.load %arg3[%get3A_10, %get3A_11] : memref<8x64xf32, #tpu.memory_space<vmem>>, vector<1x64xf32>
    %add3A_13 = vector.broadcast %get3A_12 : vector<1x64xf32> to vector<512x64xf32>
    %add3A_14 = arith.addf %div3A_9, %add3A_13 : vector<512x64xf32>
    %reduce_max3A = arith.constant dense<0xFF800000> : vector<512xf32>
    %reduce_max3A_15 = vector.multi_reduction <maximumf>, %add3A_14, %reduce_max3A [1] : vector<512x64xf32> to vector<512xf32>
    %broadcast_in_dim3A = vector.shape_cast %reduce_max3A_15 : vector<512xf32> to vector<512x1xf32>
    %sub3A = vector.broadcast %broadcast_in_dim3A : vector<512x1xf32> to vector<512x64xf32>
    %sub3A_16 = arith.subf %add3A_14, %sub3A : vector<512x64xf32>
    %exp3A = math.exp %sub3A_16 : vector<512x64xf32>
    %reduce_sum3A = arith.constant dense<0.000000e+00> : vector<512xf32>
    %reduce_sum3A_17 = vector.multi_reduction <add>, %exp3A, %reduce_sum3A [1] : vector<512x64xf32> to vector<512xf32>
    %broadcast_in_dim3A_18 = vector.shape_cast %reduce_sum3A_17 : vector<512xf32> to vector<512x1xf32>
    %log3A = math.log %broadcast_in_dim3A_18 : vector<512x1xf32>
    %add3A_19 = arith.addf %broadcast_in_dim3A, %log3A : vector<512x1xf32>
    %sub3A_20 = vector.broadcast %add3A_19 : vector<512x1xf32> to vector<512x64xf32>
    %sub3A_21 = arith.subf %add3A_14, %sub3A_20 : vector<512x64xf32>
    %swap3A = arith.constant 0 : index
    %swap3A_22 = arith.constant 0 : index
    %swap3A_23 = vector.load %arg4[%swap3A, %swap3A_22] : memref<512x64xf32, #tpu.memory_space<vmem>>, vector<512x64xf32>
    tpu.vector_store %arg4[%swap3A, %swap3A_22], %sub3A_21 {strides = array<i32>} : memref<512x64xf32, #tpu.memory_space<vmem>>, vector<512x64xf32>,
    return
  }
  func.func @transform_0(%arg0: i32) -> (i32, i32) {
    %c0_i32 = arith.constant 0 : i32
    %c0_i32_0 = arith.constant 0 : i32
    return %arg0, %c0_i32 : i32, i32
  }
  func.func @transform_1(%arg0: i32) -> (i32, i32) {
    %c0_i32 = arith.constant 0 : i32
    %c0_i32_0 = arith.constant 0 : i32
    return %arg0, %c0_i32 : i32, i32
  }
  func.func @transform_2(%arg0: i32) -> (i32, i32) {
    %c0_i32 = arith.constant 0 : i32
    %c0_i32_0 = arith.constant 0 : i32
    %c0_i32_1 = arith.constant 0 : i32
    return %c0_i32, %c0_i32_0 : i32, i32
  }
  func.func @transform_3(%arg0: i32) -> (i32, i32) {
    %c0_i32 = arith.constant 0 : i32
    %c0_i32_0 = arith.constant 0 : i32
    return %arg0, %c0_i32 : i32, i32
  }
}

</mosaic_0001>

<sc_bundles>
// kernel: kernel.10.cloned.1.call-start
scs
__scs_entry_jumppad:
0x0: {  	(pc) =	sbr.rel $0x88, $3  }
0x1: {  	(tag) =	ssettag $0x0;
	lr =	simm.s32 $0x1  }
0x2: {  	[smem:$0x3F97] =	sst lr;
	_ =	strace $0xD0000000  }
0x3: {  	_ = 	snop  }
0x4: {  	_ = 	snop  }
0x5: {  	_ = 	snop  }
0x6: {  	_ = 	snop  }
0x7: {  	_ = 	snop  }
__scs_overlays_trampoline_lowered:
0x8: {  	[smem:$0x3FA6] =	sst s0  }
0x9: {  	[smem:$0x3FA7] =	sst s1  }
0xa: {  	[smem:$0x3FA8] =	sst s2  }
0xb: {  	[smem:$0x3FA9] =	sst s3  }
0xc: {  	[smem:$0x3FAA] =	sst s4  }
0xd: {  	[smem:$0x3FAB] =	sst s5  }
0xe: {  	[smem:$0x3FAC] =	sst s6  }
0xf: {  	[smem:$0x3FAD] =	sst s7  }
0x10: {  	[smem:$0x3FAE] =	sst s8  }
0x11: {  	[smem:$0x3FAF] =	sst s9;
	s0 =	simm.s32 @!p0 $0x0  }
0x12: {  	s1 =	sld [smem:$0x3F95];
	s0 =	simm.s32 @p0 $0x1  }
0x13: {  	[smem:$0x3FB0] =	sst s0;
	s0 =	simm.s32 @!p1 $0x0  }
0x14: {  	s2 =	sld [smem:$0x3F94];
	s0 =	simm.s32 @p1 $0x1  }
0x15: {  	[smem:$0x3FB1] =	sst s0;
	s0 =	simm.s32 @!p2 $0x0  }
0x16: {  	s3 =	sld [smem:$0x3FDB];
	s0 =	simm.s32 @p2 $0x1  }
0x17: {  	s4 =	simm.s32 $0x1BF5;
	[smem:$0x3FB3] =	sst s0  }
0x18: {  	s0 =	sld [smem:$0x3F96];
	_ =	swait.ge [sflag:s4], $0x0  }
0x19: {  	s7 =	sld [smem:$0x3F97]  }
0x1a: {  	s8 =	sadd.s32 $0xFFFFE003, lr  }
0x1b: {  	s9 =	sadd.s32 $0xFFFFFEF7, lr;
	s5 =	simm.s32 $0xFFFFFFFF;
	p2 =	slt.u32 s8, $0xFFFFF086  }
0x1c: {  	p1 =	slt.u32 s9, $0xF7A;
	s5 =	simm.s32 @!p2 $0x0  }
0x1d: {  	s5 =	simm.s32 @p1 $0x1;
	p0 =	seq.s32 s7, s2  }
0x1e: {  	s7 =	smul.u32 @!p0 $0xF7A, s2;
	p2 =	seq.s32 @!p0 s5, $0x0  }
0x1f: {  	s9 =	smul.u32 $0xF7A, s1;
	s8 =	simm.s32 @!p0 $0x1BF5;
	p2 =	por !p2, p0  }
0x20: {  	[sflag:s8] =	ssyncset.s32 @!p0 $0xFFFFF086;
	s6 =	sadd.s32 @!p0 s3, s7;
	s7 =	simm.s32 @!p0 $0x108  }
0x21: {  	s3 =	sadd.s32 s3, s9;
	s6 =	sadd.s32 @!p0 $0x88, s6;
	s7 =	simm.s32 @p2 $0x1082  }
0x22: {  	[simem:s7], [sflag:s8] =	dma.local @!p0 [hbm:s6], $0xF7A  }
0x23: {  	s9 =	sor.u32 $0xD0000000, s2;
	s6 =	simm.s32 $0x108;
	_ =	swait.ge @!p0 [sflag:s8], $0x0  }
0x24: {  	s3 =	sadd.s32 $0x88, s3;
	s6 =	simm.s32 @!p1 $0x1082;
	[sflag:s4] =	ssyncset.s32 $0xFFFFF086  }
0x25: {  	[simem:s6], [sflag:s4] =	dma.local [hbm:s3], $0xF7A  }
0x26: {  	[smem:$0x3F97] =	sst s1;
	(tag) =	ssettag s2;
	_ =	strace s9  }
0x27: {  	s1 =	sld [smem:$0x3FA7]  }
0x28: {  	s2 =	sld [smem:$0x3FA8]  }
0x29: {  	s4 =	sld [smem:$0x3FAA]  }
0x2a: {  	p0 =	seq.s32 s5, $0x0;
	s5 =	sld [smem:$0x3FAB]  }
0x2b: {  	s6 =	sld [smem:$0x3FAC]  }
0x2c: {  	s7 =	sld [smem:$0x3FAD]  }
0x2d: {  	s3 =	simm.s32 $0x108;
	s8 =	sld [smem:$0x3FAE]  }
0x2e: {  	s3 =	simm.s32 @!p0 $0x1082;
	s9 =	sld [smem:$0x3FAF]  }
0x2f: {  	lr =	sadd.s32 s0, s3;
	s0 =	sld [smem:$0x3FA6]  }
0x30: {  	s3 =	sld [smem:$0x3FA9]  }
0x31: {  	[smem:$0x3FB2] =	sst s10  }
0x32: {  	s10 =	sld [smem:$0x3FB0];
	_ =	sdelay $0x3  }
0x33: {  	p0 =	seq.s32 s10, $0x1;
	s10 =	sld [smem:$0x3FB2];
	_ =	sdelay $0x3  }
0x34: {  	[smem:$0x3FB2] =	sst s10  }
0x35: {  	s10 =	sld [smem:$0x3FB1];
	_ =	sdelay $0x3  }
0x36: {  	p1 =	seq.s32 s10, $0x1;
	s10 =	sld [smem:$0x3FB2];
	_ =	sdelay $0x3  }
0x37: {  	[smem:$0x3FB2] =	sst s10  }
0x38: {  	s10 =	sld [smem:$0x3FB3]  }
0x39: {  	_ = 	snop;
	(pc) =	sbr.ind lr, $3  }
0x3a: {  	_ = 	snop  }
0x3b: {  	_ = 	snop  }
0x3c: {  	p2 =	seq.s32 s10, $0x1;
	s10 =	sld [smem:$0x3FB2]  }
0x3d: {  	_ =	shalt  }
0x3e: {  	_ =	shalt  }
0x3f: {  	_ =	shalt  }
0x40: {  	_ =	shalt  }
0x41: {  	_ =	shalt  }
0x42: {  	_ =	shalt  }
0x43: {  	_ =	shalt  }
0x44: {  	_ =	shalt  }
0x45: {  	_ =	shalt  }
0x46: {  	_ =	shalt  }
0x47: {  	_ =	shalt  }
0x48: {  	_ =	shalt  }
0x49: {  	_ =	shalt  }
0x4a: {  	_ =	shalt  }
0x4b: {  	_ =	shalt  }
0x4c: {  	_ =	shalt  }
0x4d: {  	_ =	shalt  }
0x4e: {  	_ =	shalt  }
0x4f: {  	_ =	shalt  }
0x50: {  	_ =	shalt  }
0x51: {  	_ =	shalt  }
0x52: {  	_ =	shalt  }
0x53: {  	_ =	shalt  }
0x54: {  	_ =	shalt  }
0x55: {  	_ =	shalt  }
0x56: {  	_ =	shalt  }
0x57: {  	_ =	shalt  }
0x58: {  	_ =	shalt  }
0x59: {  	_ =	shalt  }
0x5a: {  	_ =	shalt  }
0x5b: {  	_ =	shalt  }
0x5c: {  	_ =	shalt  }
0x5d: {  	_ =	shalt  }
0x5e: {  	_ =	shalt  }
0x5f: {  	_ =	shalt  }
0x60: {  	_ =	shalt  }
0x61: {  	_ =	shalt  }
0x62: {  	_ =	shalt  }
0x63: {  	_ =	shalt  }
0x64: {  	_ =	shalt  }
0x65: {  	_ =	shalt  }
0x66: {  	_ =	shalt  }
0x67: {  	_ =	shalt  }
0x68: {  	_ =	shalt  }
0x69: {  	_ =	shalt  }
0x6a: {  	_ =	shalt  }
0x6b: {  	_ =	shalt  }
0x6c: {  	_ =	shalt  }
0x6d: {  	_ =	shalt  }
0x6e: {  	_ =	shalt  }
0x6f: {  	_ =	shalt  }
0x70: {  	_ =	shalt  }
0x71: {  	_ =	shalt  }
0x72: {  	_ =	shalt  }
0x73: {  	_ =	shalt  }
0x74: {  	_ =	shalt  }
0x75: {  	_ =	shalt  }
0x76: {  	_ =	shalt  }
0x77: {  	_ =	shalt  }
0x78: {  	_ =	shalt  }
0x79: {  	_ =	shalt  }
0x7a: {  	_ =	shalt  }
0x7b: {  	_ =	shalt  }
0x7c: {  	_ =	shalt  }
0x7d: {  	_ =	shalt  }
0x7e: {  	_ =	shalt  }
0x7f: {  	_ =	shalt  }
0x80: {  	_ =	shalt  }
0x81: {  	_ =	shalt  }
0x82: {  	_ =	shalt  }
0x83: {  	_ =	shalt  }
0x84: {  	_ =	shalt  }
0x85: {  	_ =	shalt  }
0x86: {  	_ =	shalt  }
0x87: {  	_ =	shalt  }
.Lfunc_end0:
.L_simem_size_0:
called_computation.1_lowered:
.L_overlay_start_0:
0x88: {  	s2 =	sld [smem:$0x3FD9]  }
0x89: {  	s3 =	sld [smem:$0x3FFE];
	_ =	sdelay $0x1  }
0x8a: {  	s1 =	srdreg.scid  }
0x8b: {  	s0 =	sand.u32 $0x1, s1  }
0x8c: {  	s17 =	sshll.u32 s0, $0xA;
	s2 =	sadd.s32 s3, s2  }
0x8d: {  	s2 =	sadd.s32 s2, s17  }
0x8e: {  	[smem:$0x3FBE] =	sst s2  }
0x8f: {  	_ = 	snop  }
0x90: {  	s2 =	sld [smem:$0x3FD0];
	(tm) =	ssettm $0x1  }
0x91: {  	s18 =	sld [smem:$0x3FFB];
	_ =	sdelay $0x3  }
0x92: {  	_ =	strace s18  }
0x93: {  	s3 =	sld [smem:$0x3FFC];
	_ =	sdelay $0x3  }
0x94: {  	_ =	strace s3  }
0x95: {  	s3 =	sld [smem:$0x3FFD];
	_ =	sdelay $0x3  }
0x96: {  	_ =	strace s3  }
0x97: {  	_ =	strace $0x8FFFFFFF  }
0x98: {  	s19 =	sld [smem:$0x3FDB];
	_ =	sdelay $0x1  }
0x99: {  	s4 =	simm.s32 $_scs_section_size  }
0x9a: {  	s5 =	simm.s32 $_size__tile_overlayer_lowered;
	s6 =	simm.s32 $_tile_overlayer_lowered  }
0x9b: {  	s22 =	simm.s32 $0x1BFF;
	s21 =	sshll.u32 s6, $0x1;
	s3 =	sadd.s32 s4, s19  }
0x9c: {  	s7 =	simm.s32 $0x0;
	s20 =	sshll.u32 s5, $0x1;
	s5 =	sadd.s32 s21, s3  }
0x9d: {  	[timem:s7], [sflag:s22] =	dma.local [hbm:s5], s20  }
0x9e: {  	_ =	swait.ge [sflag:s22], s20  }
0x9f: {  	s4 =	ssub.s32 $0x0, s20;
	[sflag:s22] =	ssyncset.done $0x0  }
0xa0: {  	[sflag:s22] =	ssyncadd.s32 s4;
	_ =	sdelay $0x1  }
0xa1: {  	s23 =	simm.s32 $0x1B8B  }
0xa2: {  	_ =	swait.ge [sflag:s23], $0x1  }
0xa3: {  	[sflag:s23] =	ssyncset.done $0x0  }
0xa4: {  	s25 =	simm.s32 $0x1B8E;
	s24 =	sld [smem:$0x3FFE];
	[sflag:s23] =	ssyncadd.s32 $0xFFFFFFFF  }
0xa5: {  	s26 =	simm.s32 $execute0_lowered;
	[smem:$0x3FD2] =	sst s25  }
0xa6: {  	s5 =	sshll.u32 s26, $0x1;
	_ =	strace $0x80000049;
	[dreg:$0x1] =	wrdreg $0xFFFFFFFF  }
0xa7: {  	s28 =	simm.s32 $_size_execute0_lowered;
	s3 =	sadd.s32 s3, s5;
	[dreg:$0x0] =	wrdreg $0x0  }
0xa8: {  	s5 =	sshll.u32 s28, $0x1;
	[dreg:$0x2] =	wrdreg s3  }
0xa9: {  	[dreg:$0x3] =	wrdreg s5  }
0xaa: {  	[dreg:$0x4] =	wrdreg $0xC0  }
0xab: {  	_ =	task [dreg:s7], $0x5FFFF  }
0xac: {  	[dreg:$0x1] =	wrdreg $0xFFFFFFFF  }
0xad: {  	[dreg:$0x0] =	wrdreg $0x60  }
0xae: {  	[dreg:$0x2] =	wrdreg s24  }
0xaf: {  	[dreg:$0x3] =	wrdreg s2  }
0xb0: {  	[dreg:$0x4] =	wrdreg $0xA1800  }
0xb1: {  	[dreg:$0x5] =	wrdreg $0x9  }
0xb2: {  	_ =	task.clear_ibuf [dreg:s7], $0x6FFFF;
	_ =	strace $0x90000049  }
0xb3: {  	s29 =	simm.s32 $0x9;
	_ =	strace $0x8000004B  }
0xb4: {  	_ =	swait.ge [sflag:s29], $0x1  }
0xb5: {  	[sflag:s29] =	ssyncadd.s32 $0xFFFFFFFF  }
0xb6: {  	_ =	strace $0x9000004B  }
0xb7: {  	_ =	sfence  }
0xb8: {  	s30 =	sld [smem:$0x0];
	_ =	sdelay $0x2  }
0xb9: {  	s31 =	sshll.u32 s1, $0xD;
	s1 =	sshrl.u32 s1, $0x2  }
0xba: {  	s3 =	sand.u32 $0x4000, s31;
	s1 =	sadd.s32 s1, s30  }
0xbb: {  	s0 =	sor.u32 s3, s0;
	s1 =	sshll.u32 s1, $0x11  }
0xbc: {  	s0 =	sor.u32 s1, s0  }
0xbd: {  	s0 =	sadd.s32 $0x8F2B, s0  }
0xbe: {  	[sflag:s0] =	ssyncadd.remote.s32 $0x1  }
0xbf: {  	_ =	sfence.sel $0xFFFF  }
0xc0: {  	[dreg:$0x0] =	wrdreg $0xFFFFFFFF;
	(pc) =	sbr.abs _section_cstart, $3  }
0xc1: {  	[dreg:$0x1] =	wrdreg $0xFFFFFFFF  }
0xc2: {  	_ =	task.clear_ibuf [dreg:s7], $0x2FFFF;
	_ =	strace $0x9FFFFFFF  }
0xc3: {  	(tm) =	ssettm $0x7FFFFFFF  }
tec
execute0_lowered:
.L_overlay_start_1:
0x0: {  	(tag) =	ssettag $0x1  }
0x1: {  	s0 =	rddreg [dreg:$0x0];
	s18 =	stileid.u32  }
0x2: {  	s1 =	simm.s32 $0x0;
	s2 =	srdreg.scid;
	s8 =	smul.u32 $0x280, s18  }
0x3: {  	[smem:$0x7FF] =	sst s1;
	s4 =	sand.u32 $0x1, s2;
	s6 =	smul.u32 $0x2800, s18  }
0x4: {  	s10 =	sshll.u32 s18, $0x1;
	s9 =	sadd.s32 $0x3E000, s0;
	s24 =	smul.u32 $0x14000, s18  }
0x5: {  	s29 =	sadd.s32 $0x16000, s0;
	s30 =	sadd.s32 $0x1A10, s0;
	s31 =	sadd.s32 $0x1A20, s0  }
0x6: {  	s2 =	sor.u32 s4, s10;
	s3 =	ssub.s32 $0x2, s4;
	s7 =	smul.u32 $0x140000, s4  }
0x7: {  	s5 =	sshrl.u32 s3, $0x1;
	s10 =	sor.u32 $0x40, s8;
	s12 =	sadd.s32 s9, s6  }
0x8: {  	s13 =	sadd.s32 $0x80, s8;
	s15 =	sadd.s32 $0xC0, s8;
	s17 =	sadd.s32 $0x100, s8  }
0x9: {  	s21 =	sadd.s32 $0x1C0, s8;
	s28 =	smul.u32 $0x2880, s2;
	s3 =	ssub.s32 s3, s5  }
0xa: {  	s11 =	sshll.u32 s10, $0x4;
	[dreg:$0x4] =	wrdreg s12;
	s14 =	sshll.u32 s13, $0x4  }
0xb: {  	s5 =	sshll.u32 s13, $0x7;
	s16 =	sshll.u32 s15, $0x4;
	s12 =	sadd.s32 $0x140, s8  }
0xc: {  	s13 =	sadd.s32 $0x180, s8;
	s22 =	sshll.u32 s21, $0x4;
	s4 =	sadd.s32 s9, s11  }
0xd: {  	s6 =	sadd.s32 s9, s14;
	s11 =	sshll.u32 s17, $0x4;
	s19 =	sshll.u32 s12, $0x4  }
0xe: {  	s14 =	sshll.u32 s13, $0x4;
	s12 =	sshll.u32 s12, $0x7;
	[dreg:$0x5] =	wrdreg s4  }
0xf: {  	s13 =	sshll.u32 s13, $0x7;
	s4 =	sshll.u32 s10, $0x7;
	[dreg:$0x6] =	wrdreg s6  }
0x10: {  	s6 =	sadd.s32 s9, s16;
	s11 =	sadd.s32 s9, s11;
	s20 =	sadd.s32 s9, s14  }
0x11: {  	s14 =	sadd.s32 s9, s22;
	s10 =	sshll.u32 s17, $0x7;
	[dreg:$0x7] =	wrdreg s6  }
0x12: {  	s17 =	sadd.s32 s7, s5;
	s6 =	sshll.u32 s15, $0x7;
	[dreg:$0x8] =	wrdreg s11  }
0x13: {  	s11 =	sadd.s32 s9, s19;
	[dreg:$0xa] =	wrdreg s20;
	s15 =	sadd.s32 $0x200, s8  }
0x14: {  	s8 =	sadd.s32 $0x240, s8;
	[dreg:$0xb] =	wrdreg s14;
	s26 =	sadd.s32 s7, s4  }
0x15: {  	s17 =	sshrl.u32 s17, $0x3;
	[dreg:$0x9] =	wrdreg s11;
	s23 =	sshll.u32 s15, $0x4  }
0x16: {  	s16 =	sshll.u32 s8, $0x4;
	s11 =	sshll.u32 s21, $0x7;
	s21 =	sadd.s32 s7, s12  }
0x17: {  	s14 =	sadd.s32 s9, s23;
	s23 =	sshrl.u32 s21, $0x3;
	s21 =	rddreg [dreg:$0x1]  }
0x18: {  	s20 =	sadd.s32 s7, s10;
	s9 =	sadd.s32 s9, s16;
	[dreg:$0xc] =	wrdreg s14  }
0x19: {  	s19 =	sadd.s32 s7, s6;
	s16 =	sadd.s32 $0x66000, s0;
	[dreg:$0xd] =	wrdreg s9  }
0x1a: {  	s14 =	sshll.u32 s15, $0x7;
	s9 =	sadd.s32 s7, s24;
	s15 =	sshll.u32 s8, $0x7  }
0x1b: {  	s24 =	sadd.s32 s7, s13;
	s25 =	sshrl.u32 s9, $0x3;
	s9 =	sshrl.u32 s26, $0x3  }
0x1c: {  	s26 =	sadd.s32 s7, s14;
	s8 =	sadd.s32 s16, s25;
	s9 =	sadd.s32 s16, s9  }
0x1d: {  	s25 =	sadd.s32 s7, s11;
	s7 =	sadd.s32 s7, s15;
	[dreg:$0xe] =	wrdreg s8  }
0x1e: {  	[dreg:$0xf] =	wrdreg s9;
	s8 =	sadd.s32 s16, s17;
	s9 =	sshrl.u32 s20, $0x3  }
0x1f: {  	s17 =	sshrl.u32 s26, $0x3;
	s7 =	sshrl.u32 s7, $0x3;
	s20 =	smul.u32 $0x50000, s18  }
0x20: {  	s26 =	smax.u32 s3, $0x1;
	[dreg:$0x10] =	wrdreg s8;
	s22 =	sadd.s32 s16, s9  }
0x21: {  	s8 =	sshrl.u32 s19, $0x3;
	s7 =	sadd.s32 s16, s7;
	[dreg:$0x12] =	wrdreg s22  }
0x22: {  	s9 =	sshrl.u32 s25, $0x3;
	s8 =	sadd.s32 s16, s8;
	[dreg:$0x17] =	wrdreg s7  }
0x23: {  	s18 =	simm.s32 $0x100;
	s9 =	sadd.s32 s16, s9;
	[dreg:$0x11] =	wrdreg s8  }
0x24: {  	s22 =	smul.u32 $0xA30, s2;
	s8 =	sadd.s32 s16, s23;
	[dreg:$0x15] =	wrdreg s9  }
0x25: {  	s25 =	sshrl.u32 s20, $0x2;
	[dreg:$0x13] =	wrdreg s8;
	s8 =	sshrl.u32 s24, $0x3  }
0x26: {  	s24 =	rddreg [dreg:$0x2];
	s19 =	sadd.s32 s22, s0;
	s8 =	sadd.s32 s16, s8  }
0x27: {  	s23 =	sadd.s32 $0x1A00, s19;
	s2 =	sadd.s32 s25, s24;
	s3 =	sadd.s32 s4, s24  }
0x28: {  	s4 =	sadd.s32 s5, s24;
	[dreg:$0x14] =	wrdreg s8;
	s8 =	sadd.s32 s16, s17  }
0x29: {  	s20 =	sadd.s32 s6, s24;
	s5 =	sadd.s32 s13, s24;
	[dreg:$0x16] =	wrdreg s8  }
0x2a: {  	s6 =	sadd.s32 s11, s24;
	_ =	strace $0x8000004A;
	[dreg:$0x18] =	wrdreg s23  }
0x2b: {  	s7 =	sadd.s32 s14, s24;
	s11 =	sor.u32 $0x40, s28;
	[dreg:$0x19] =	wrdreg s26  }
0x2c: {  	s13 =	simm.s32 $0x3;
	s14 =	simm.s32 $0x80;
	[dreg:$0x1b] =	wrdreg s5  }
0x2d: {  	s19 =	simm.s32 $0x40;
	s25 =	simm.s32 $0x0;
	[dreg:$0x1c] =	wrdreg s2  }
0x2e: {  	s16 =	simm.s32 $0x4180;
	s17 =	simm.s32 $0x1;
	[dreg:$0x1d] =	wrdreg s6  }
0x2f: {  	s8 =	sadd.s32 s15, s24;
	s15 =	simm.s32 $0x180;
	[dreg:$0x1e] =	wrdreg s7  }
0x30: {  	s26 =	sadd.s32 s10, s24;
	s10 =	sadd.s32 s12, s24;
	[dreg:$0x1f] =	wrdreg s8  }
0x31: {  	s12 =	simm.s32 $0x8180;
	s23 =	simm.s32 $0x2;
	[dreg:$0x1a] =	wrdreg s10  }
.LBB2_1:
0x32: {  	s0 =	rddreg [dreg:$0x4]  }
0x33: {  	[tilespmem:s12], [sflag:$0x3] =	stream.linear.gather [hbm4b:s0+s1], $0x2000, $0x38;
	[tilespmem:$0x16980] =	vst v63  }
0x34: {  	_ =	swait.ge [sflag:s13], $0x2000  }
0x35: {  	[sflag:s13] =	ssyncset.done $0x0  }
0x36: {  	[sflag:s13] =	ssyncadd.s32 $0xFFFFE000  }
0x37: {  	[spmem:s2] =	stream.linear.scatter [tilespmem:s12], [sflag:$0x3], $0x2000, $0x38;
	[tilespmem:$0x16980] =	vst v63  }
0x38: {  	_ =	swait.ge [sflag:s13], $0x2000  }
0x39: {  	[sflag:s13] =	ssyncset.done $0x0  }
0x3a: {  	s2 =	rddreg [dreg:$0x5];
	[sflag:s13] =	ssyncadd.s32 $0xFFFFE000  }
0x3b: {  	[tilespmem:s12], [sflag:$0x3] =	stream.linear.gather [hbm4b:s2+s1], $0x2000, $0x38;
	[tilespmem:$0x16980] =	vst v63  }
0x3c: {  	_ =	swait.ge [sflag:s13], $0x2000  }
0x3d: {  	[sflag:s13] =	ssyncset.done $0x0  }
0x3e: {  	[sflag:s13] =	ssyncadd.s32 $0xFFFFE000  }
0x3f: {  	[spmem:s3] =	stream.linear.scatter [tilespmem:s12], [sflag:$0x3], $0x2000, $0x38;
	[tilespmem:$0x16980] =	vst v63  }
0x40: {  	_ =	swait.ge [sflag:s13], $0x2000  }
0x41: {  	s2 =	smov.u32 s6;
	[sflag:s13] =	ssyncset.done $0x0  }
0x42: {  	s6 =	smov.u32 s3;
	s3 =	rddreg [dreg:$0x6];
	[sflag:s13] =	ssyncadd.s32 $0xFFFFE000  }
0x43: {  	[tilespmem:s12], [sflag:$0x3] =	stream.linear.gather [hbm4b:s3+s1], $0x2000, $0x38;
	[tilespmem:$0x16980] =	vst v63  }
0x44: {  	_ =	swait.ge [sflag:s13], $0x2000  }
0x45: {  	[sflag:s13] =	ssyncset.done $0x0  }
0x46: {  	[sflag:s13] =	ssyncadd.s32 $0xFFFFE000  }
0x47: {  	[spmem:s4] =	stream.linear.scatter [tilespmem:s12], [sflag:$0x3], $0x2000, $0x38;
	[tilespmem:$0x16980] =	vst v63  }
0x48: {  	_ =	swait.ge [sflag:s13], $0x2000  }
0x49: {  	s3 =	smov.u32 s7;
	[sflag:s13] =	ssyncset.done $0x0  }
0x4a: {  	s7 =	smov.u32 s4;
	s4 =	rddreg [dreg:$0x7];
	[sflag:s13] =	ssyncadd.s32 $0xFFFFE000  }
0x4b: {  	[tilespmem:s12], [sflag:$0x3] =	stream.linear.gather [hbm4b:s4+s1], $0x2000, $0x38;
	[tilespmem:$0x16980] =	vst v63  }
0x4c: {  	_ =	swait.ge [sflag:s13], $0x2000  }
0x4d: {  	[sflag:s13] =	ssyncset.done $0x0  }
0x4e: {  	[sflag:s13] =	ssyncadd.s32 $0xFFFFE000  }
0x4f: {  	[spmem:s20] =	stream.linear.scatter [tilespmem:s12], [sflag:$0x3], $0x2000, $0x38;
	[tilespmem:$0x16980] =	vst v63  }
0x50: {  	_ =	swait.ge [sflag:s13], $0x2000  }
0x51: {  	[sflag:s13] =	ssyncset.done $0x0  }
0x52: {  	s9 =	rddreg [dreg:$0x8];
	[sflag:s13] =	ssyncadd.s32 $0xFFFFE000  }
0x53: {  	[tilespmem:s12], [sflag:$0x3] =	stream.linear.gather [hbm4b:s9+s1], $0x2000, $0x38;
	[tilespmem:$0x16980] =	vst v63  }
0x54: {  	_ =	swait.ge [sflag:s13], $0x2000  }
0x55: {  	[sflag:s13] =	ssyncset.done $0x0  }
0x56: {  	[sflag:s13] =	ssyncadd.s32 $0xFFFFE000  }
0x57: {  	[spmem:s26] =	stream.linear.scatter [tilespmem:s12], [sflag:$0x3], $0x2000, $0x38;
	[tilespmem:$0x16980] =	vst v63  }
0x58: {  	_ =	swait.ge [sflag:s13], $0x2000  }
0x59: {  	s4 =	smov.u32 s8;
	[sflag:s13] =	ssyncset.done $0x0  }
0x5a: {  	s8 =	smov.u32 s20;
	s20 =	rddreg [dreg:$0x9];
	[sflag:s13] =	ssyncadd.s32 $0xFFFFE000  }
0x5b: {  	[tilespmem:s12], [sflag:$0x3] =	stream.linear.gather [hbm4b:s20+s1], $0x2000, $0x38;
	[tilespmem:$0x16980] =	vst v63  }
0x5c: {  	_ =	swait.ge [sflag:s13], $0x2000  }
0x5d: {  	[sflag:s13] =	ssyncset.done $0x0  }
0x5e: {  	[sflag:s13] =	ssyncadd.s32 $0xFFFFE000  }
0x5f: {  	[spmem:s10] =	stream.linear.scatter [tilespmem:s12], [sflag:$0x3], $0x2000, $0x38;
	[tilespmem:$0x16980] =	vst v63  }
0x60: {  	_ =	swait.ge [sflag:s13], $0x2000  }
0x61: {  	[sflag:s13] =	ssyncset.done $0x0  }
0x62: {  	s9 =	smov.u32 s26;
	s26 =	rddreg [dreg:$0xa];
	[sflag:s13] =	ssyncadd.s32 $0xFFFFE000  }
0x63: {  	[tilespmem:s12], [sflag:$0x3] =	stream.linear.gather [hbm4b:s26+s1], $0x2000, $0x38;
	[tilespmem:$0x16980] =	vst v63  }
0x64: {  	_ =	swait.ge [sflag:s13], $0x2000  }
0x65: {  	[sflag:s13] =	ssyncset.done $0x0  }
0x66: {  	[sflag:s13] =	ssyncadd.s32 $0xFFFFE000  }
0x67: {  	[spmem:s5] =	stream.linear.scatter [tilespmem:s12], [sflag:$0x3], $0x2000, $0x38;
	[tilespmem:$0x16980] =	vst v63  }
0x68: {  	_ =	swait.ge [sflag:s13], $0x2000  }
0x69: {  	[sflag:s13] =	ssyncset.done $0x0  }
0x6a: {  	s5 =	rddreg [dreg:$0xb];
	[sflag:s13] =	ssyncadd.s32 $0xFFFFE000  }
0x6b: {  	[tilespmem:s12], [sflag:$0x3] =	stream.linear.gather [hbm4b:s5+s1], $0x2000, $0x38;
	[tilespmem:$0x16980] =	vst v63  }
0x6c: {  	_ =	swait.ge [sflag:s13], $0x2000  }
0x6d: {  	[sflag:s13] =	ssyncset.done $0x0  }
0x6e: {  	[sflag:s13] =	ssyncadd.s32 $0xFFFFE000  }
0x6f: {  	[spmem:s2] =	stream.linear.scatter [tilespmem:s12], [sflag:$0x3], $0x2000, $0x38;
	[tilespmem:$0x16980] =	vst v63  }
0x70: {  	_ =	swait.ge [sflag:s13], $0x2000  }
0x71: {  	[sflag:s13] =	ssyncset.done $0x0  }
0x72: {  	s10 =	rddreg [dreg:$0xc];
	[sflag:s13] =	ssyncadd.s32 $0xFFFFE000  }
0x73: {  	[tilespmem:s12], [sflag:$0x3] =	stream.linear.gather [hbm4b:s10+s1], $0x2000, $0x38;
	[tilespmem:$0x16980] =	vst v63  }
0x74: {  	_ =	swait.ge [sflag:s13], $0x2000  }
0x75: {  	[sflag:s13] =	ssyncset.done $0x0  }
0x76: {  	[sflag:s13] =	ssyncadd.s32 $0xFFFFE000  }
0x77: {  	[spmem:s3] =	stream.linear.scatter [tilespmem:s12], [sflag:$0x3], $0x2000, $0x38;
	[tilespmem:$0x16980] =	vst v63  }
0x78: {  	_ =	swait.ge [sflag:s13], $0x2000  }
0x79: {  	[sflag:s13] =	ssyncset.done $0x0  }
0x7a: {  	s20 =	rddreg [dreg:$0xd];
	[sflag:s13] =	ssyncadd.s32 $0xFFFFE000  }
0x7b: {  	[tilespmem:s12], [sflag:$0x3] =	stream.linear.gather [hbm4b:s20+s1], $0x2000, $0x38;
	[tilespmem:$0x16980] =	vst v63  }
0x7c: {  	_ =	swait.ge [sflag:s13], $0x2000  }
0x7d: {  	[sflag:s13] =	ssyncset.done $0x0  }
0x7e: {  	[sflag:s13] =	ssyncadd.s32 $0xFFFFE000  }
0x7f: {  	[spmem:s4] =	stream.linear.scatter [tilespmem:s12], [sflag:$0x3], $0x2000, $0x38;
	[tilespmem:$0x16980] =	vst v63  }
0x80: {  	_ =	swait.ge [sflag:s13], $0x2000  }
0x81: {  	[sflag:s13] =	ssyncset.done $0x0  }
0x82: {  	[sflag:s13] =	ssyncadd.s32 $0xFFFFE000  }
0x83: {  	[bflag:$0x0] =	sbarrier.arrive $0xFFFF  }
0x84: {  	s26 =	rddreg [dreg:$0x18]  }
0x85: {  	[tilespmem:s1], [sflag:$0x3] =	stream.linear.gather [hbm4b:s26+s1], $0x80, $0x38;
	[tilespmem:$0x16980] =	vst v63  }
0x86: {  	_ =	swait.ge [sflag:s13], $0x80  }
0x87: {  	[sflag:s13] =	ssyncset.done $0x0  }
0x88: {  	s26 =	simm.s32 $0x0;
	[sflag:s13] =	ssyncadd.s32 $0xFFFFFF80  }
0x89: {  	[tilespmem:s15], [sflag:$0x1] =	stream.indirect.gather [hbm4b:s29+s14], $0x80, s1, s14, $0xb8;
	[tilespmem:$0x16980] =	vst v63  }
.LBB2_2:
0x8a: {  	s0 =	sshll.u32 s26, $0x5  }
0x8b: {  	s0 =	sadd.s32 s22, s0  }
0x8c: {  	s2 =	sadd.s32 s0, s30  }
0x8d: {  	[tilespmem:s14], [sflag:$0x3] =	stream.linear.gather [hbm4b:s2+s1], $0x80, $0x38;
	[tilespmem:$0x16980] =	vst v63  }
0x8e: {  	_ =	swait.ge [sflag:s13], $0x80  }
0x8f: {  	[sflag:s13] =	ssyncset.done $0x0  }
0x90: {  	s20 =	sshll.u32 s26, $0x7;
	[sflag:s13] =	ssyncadd.s32 $0xFFFFFF80  }
0x91: {  	[tilespmem:s16], [sflag:$0x2] =	stream.indirect.gather [hbm4b:s29+s14], $0x80, s14, s14, $0xb8;
	[tilespmem:$0x16980] =	vst v63  }
0x92: {  	s10 =	sadd.s32 s28, s20;
	_ =	swait.ge [sflag:s17], $0x4000  }
0x93: {  	s2 =	sshrl.u32 s10, $0x3;
	[sflag:s17] =	ssyncset.done $0x0  }
0x94: {  	s2 =	sadd.s32 s21, s2;
	[sflag:s17] =	ssyncadd.s32 $0xFFFFC000  }
0x95: {  	[tilespmem:s18], [sflag:$0x3] =	stream.linear.gather [hbm4b:s2+s1], $0x40, $0x38;
	[tilespmem:$0x16980] =	vst v63  }
0x96: {  	_ =	swait.ge [sflag:s13], $0x40  }
0x97: {  	[sflag:s13] =	ssyncset.done $0x0  }
0x98: {  	s3 =	simm.s32 $0x180;
	[sflag:s13] =	ssyncadd.s32 $0xFFFFFFC0  }
0x99: {  	v0 =	vld [tilespmem:s3+$0x40]  }
0x9a: {  	v1 =	vld [tilespmem:s3+$0x2050];
	_ =	sdelay $0x4  }
0x9b: {  	v0 =	vadd.f32 v1, v0;
	_ =	sdelay $0x1  }
0x9c: {  	v1 =	vmul.f32 $2.000000030e-01, v0;
	_ =	sdelay $0x1  }
0x9d: {  	v0 =	vmax.f32 v0, v1  }
0x9e: {  	v0 =	vmul.f32 $1.442695020e+00, v0;
	_ =	sdelay $0x1  }
0x9f: {  	(erf) = vpow2.f32 v0;
	_ =	sdelay $0x8  }
0xa0: {  	s2 =	simm.s32 $0x8200;
	v0 =	vpop (erf)  }
0xa1: {  	[tilespmem:s2+$0xFFFFFFC0] =	vst v0  }
0xa2: {  	v61 =	vld [tilespmem:s3+$0x0];
	_ =	sdelay $0x4  }
0xa3: {  	v1 =	vmul.f32 v0, v61;
	_ =	sdelay $0x1  }
0xa4: {  	[tilespmem:s2+$0xFFFFFF80] =	vst v1  }
0xa5: {  	v1 =	vld [tilespmem:s3+$0x10];
	_ =	sdelay $0x4  }
0xa6: {  	v1 =	vmul.f32 v0, v1;
	_ =	sdelay $0x1  }
0xa7: {  	[tilespmem:s2+$0xFFFFFF90] =	vst v1  }
0xa8: {  	v1 =	vld [tilespmem:s3+$0x20];
	_ =	sdelay $0x4  }
0xa9: {  	v1 =	vmul.f32 v1, v0;
	_ =	sdelay $0x1  }
0xaa: {  	[tilespmem:s2+$0xFFFFFFA0] =	vst v1  }
0xab: {  	v1 =	vld [tilespmem:s3+$0x30];
	_ =	sdelay $0x4  }
0xac: {  	v0 =	vmul.f32 v1, v0;
	_ =	sdelay $0x1  }
0xad: {  	[tilespmem:s2+$0xFFFFFFB0] =	vst v0  }
0xae: {  	v0 =	vld [tilespmem:s3+$0xC0]  }
0xaf: {  	v62 =	vld [tilespmem:s3+$0x20D0];
	_ =	sdelay $0x4  }
0xb0: {  	v0 =	vadd.f32 v62, v0;
	_ =	sdelay $0x1  }
0xb1: {  	v1 =	vmul.f32 $2.000000030e-01, v0;
	_ =	sdelay $0x1  }
0xb2: {  	v0 =	vmax.f32 v0, v1  }
0xb3: {  	v0 =	vmul.f32 $1.442695020e+00, v0;
	_ =	sdelay $0x1  }
0xb4: {  	(erf) = vpow2.f32 v0;
	_ =	sdelay $0x8  }
0xb5: {  	v0 =	vpop (erf)  }
0xb6: {  	[tilespmem:s2+$0x40] =	vst v0  }
0xb7: {  	v63 =	vld [tilespmem:s3+$0x80];
	_ =	sdelay $0x4  }
0xb8: {  	v1 =	vmul.f32 v0, v63;
	_ =	sdelay $0x1  }
0xb9: {  	[tilespmem:s2+$0x0] =	vst v1  }
0xba: {  	v1 =	vld [tilespmem:s3+$0x90];
	_ =	sdelay $0x4  }
0xbb: {  	v1 =	vmul.f32 v0, v1;
	_ =	sdelay $0x1  }
0xbc: {  	[tilespmem:s2+$0x10] =	vst v1  }
0xbd: {  	v1 =	vld [tilespmem:s3+$0xA0];
	_ =	sdelay $0x4  }
0xbe: {  	v1 =	vmul.f32 v1, v0;
	_ =	sdelay $0x1  }
0xbf: {  	[tilespmem:s2+$0x20] =	vst v1  }
0xc0: {  	v1 =	vld [tilespmem:s3+$0xB0];
	_ =	sdelay $0x4  }
0xc1: {  	v0 =	vmul.f32 v1, v0;
	_ =	sdelay $0x1  }
0xc2: {  	s4 =	simm.s32 $0x280;
	s3 =	simm.s32 $0x0;
	[tilespmem:s2+$0x30] =	vst v0  }
.LBB2_3:
0xc3: {  	v0 =	vld [tilespmem:s4+$0x40]  }
0xc4: {  	v1 =	vld [tilespmem:s4+$0x2050]  }
0xc5: {  	s3 =	sadd.s32 $0x2, s3  }
0xc6: {  	p0 =	slt.u32 s3, $0x3E;
	_ =	sdelay $0x2  }
0xc7: {  	v0 =	vadd.f32 v1, v0;
	_ =	sdelay $0x1  }
0xc8: {  	v1 =	vmul.f32 $2.000000030e-01, v0;
	_ =	sdelay $0x1  }
0xc9: {  	v0 =	vmax.f32 v0, v1  }
0xca: {  	v0 =	vmul.f32 $1.442695020e+00, v0;
	_ =	sdelay $0x1  }
0xcb: {  	(erf) = vpow2.f32 v0;
	_ =	sdelay $0x8  }
0xcc: {  	s2 =	sadd.s32 $0x100, s2;
	v0 =	vpop (erf)  }
0xcd: {  	[tilespmem:s2+$0xFFFFFFC0] =	vst v0  }
0xce: {  	v1 =	vld [tilespmem:s4+$0x0];
	_ =	sdelay $0x4  }
0xcf: {  	v1 =	vmul.f32 v0, v1;
	_ =	sdelay $0x1  }
0xd0: {  	[tilespmem:s2+$0xFFFFFF80] =	vst v1  }
0xd1: {  	v1 =	vld [tilespmem:s4+$0x10];
	_ =	sdelay $0x4  }
0xd2: {  	v1 =	vmul.f32 v0, v1;
	_ =	sdelay $0x1  }
0xd3: {  	[tilespmem:s2+$0xFFFFFF90] =	vst v1  }
0xd4: {  	v1 =	vld [tilespmem:s4+$0x20];
	_ =	sdelay $0x4  }
0xd5: {  	v1 =	vmul.f32 v1, v0;
	_ =	sdelay $0x1  }
0xd6: {  	[tilespmem:s2+$0xFFFFFFA0] =	vst v1  }
0xd7: {  	v1 =	vld [tilespmem:s4+$0x30];
	_ =	sdelay $0x4  }
0xd8: {  	v0 =	vmul.f32 v1, v0;
	_ =	sdelay $0x1  }
0xd9: {  	[tilespmem:s2+$0xFFFFFFB0] =	vst v0  }
0xda: {  	v0 =	vld [tilespmem:s4+$0xC0]  }
0xdb: {  	v1 =	vld [tilespmem:s4+$0x20D0];
	_ =	sdelay $0x4  }
0xdc: {  	v0 =	vadd.f32 v1, v0;
	_ =	sdelay $0x1  }
0xdd: {  	v1 =	vmul.f32 $2.000000030e-01, v0;
	_ =	sdelay $0x1  }
0xde: {  	v0 =	vmax.f32 v0, v1  }
0xdf: {  	v0 =	vmul.f32 $1.442695020e+00, v0;
	_ =	sdelay $0x1  }
0xe0: {  	(erf) = vpow2.f32 v0;
	_ =	sdelay $0x8  }
0xe1: {  	v0 =	vpop (erf)  }
0xe2: {  	[tilespmem:s2+$0x40] =	vst v0  }
0xe3: {  	v1 =	vld [tilespmem:s4+$0x80];
	_ =	sdelay $0x4  }
0xe4: {  	v1 =	vmul.f32 v0, v1;
	_ =	sdelay $0x1  }
0xe5: {  	[tilespmem:s2+$0x0] =	vst v1  }
0xe6: {  	v1 =	vld [tilespmem:s4+$0x90];
	_ =	sdelay $0x4  }
0xe7: {  	v1 =	vmul.f32 v0, v1;
	_ =	sdelay $0x1  }
0xe8: {  	[tilespmem:s2+$0x10] =	vst v1  }
0xe9: {  	v1 =	vld [tilespmem:s4+$0xA0];
	_ =	sdelay $0x4  }
0xea: {  	v1 =	vmul.f32 v1, v0;
	_ =	sdelay $0x1  }
0xeb: {  	[tilespmem:s2+$0x20] =	vst v1  }
0xec: {  	v1 =	vld [tilespmem:s4+$0xB0];
	_ =	sdelay $0x2  }
.Ltmp0:
0xed: {  	(pc) =	sbr.rel @p0 .LBB2_3-.Ltmp0, $3  }
0xee: {  	_ = 	snop  }
0xef: {  	v0 =	vmul.f32 v1, v0;
	_ =	sdelay $0x1  }
0xf0: {  	s4 =	sadd.s32 $0x100, s4;
	[tilespmem:s2+$0x30] =	vst v0  }
0xf1: {  	[spmem:s24] =	stream.indirect.scatter.add.f32 [tilespmem:s12], [sflag:$0x3], $0x50, s18, s19, $0xb8;
	[tilespmem:$0x16980] =	vst v63  }
0xf2: {  	_ =	swait.ge [sflag:s13], $0x1400  }
0xf3: {  	[sflag:s13] =	ssyncset.done $0x0  }
0xf4: {  	s0 =	sadd.s32 s0, s31;
	[sflag:s13] =	ssyncadd.s32 $0xFFFFEC00  }
0xf5: {  	[tilespmem:s1], [sflag:$0x3] =	stream.linear.gather [hbm4b:s0+s1], $0x80, $0x38;
	[tilespmem:$0x16980] =	vst v63  }
0xf6: {  	_ =	swait.ge [sflag:s13], $0x80  }
0xf7: {  	[sflag:s13] =	ssyncset.done $0x0  }
0xf8: {  	[sflag:s13] =	ssyncadd.s32 $0xFFFFFF80  }
0xf9: {  	[tilespmem:s15], [sflag:$0x1] =	stream.indirect.gather [hbm4b:s29+s14], $0x80, s1, s14, $0xb8;
	[tilespmem:$0x16980] =	vst v63  }
0xfa: {  	s20 =	sadd.s32 s20, s11;
	_ =	swait.ge [sflag:s23], $0x4000  }
0xfb: {  	s0 =	sshrl.u32 s20, $0x3;
	[sflag:s23] =	ssyncset.done $0x0  }
0xfc: {  	s0 =	sadd.s32 s21, s0;
	[sflag:s23] =	ssyncadd.s32 $0xFFFFC000  }
0xfd: {  	[tilespmem:s18], [sflag:$0x3] =	stream.linear.gather [hbm4b:s0+s1], $0x40, $0x38;
	[tilespmem:$0x16980] =	vst v63  }
0xfe: {  	_ =	swait.ge [sflag:s13], $0x40  }
0xff: {  	[sflag:s13] =	ssyncset.done $0x0  }
0x100: {  	s2 =	simm.s32 $0x4180;
	[sflag:s13] =	ssyncadd.s32 $0xFFFFFFC0  }
0x101: {  	v0 =	vld [tilespmem:s2+$0x40]  }
0x102: {  	v1 =	vld [tilespmem:s2+$0x2050];
	_ =	sdelay $0x4  }
0x103: {  	v0 =	vadd.f32 v1, v0;
	_ =	sdelay $0x1  }
0x104: {  	v1 =	vmul.f32 $2.000000030e-01, v0;
	_ =	sdelay $0x1  }
0x105: {  	v0 =	vmax.f32 v0, v1  }
0x106: {  	v0 =	vmul.f32 $1.442695020e+00, v0;
	_ =	sdelay $0x1  }
0x107: {  	(erf) = vpow2.f32 v0;
	_ =	sdelay $0x8  }
0x108: {  	s0 =	simm.s32 $0x8200;
	v0 =	vpop (erf)  }
0x109: {  	[tilespmem:s0+$0xFFFFFFC0] =	vst v0  }
0x10a: {  	v61 =	vld [tilespmem:s2+$0x0];
	_ =	sdelay $0x4  }
0x10b: {  	v1 =	vmul.f32 v0, v61;
	_ =	sdelay $0x1  }
0x10c: {  	[tilespmem:s0+$0xFFFFFF80] =	vst v1  }
0x10d: {  	v1 =	vld [tilespmem:s2+$0x10];
	_ =	sdelay $0x4  }
0x10e: {  	v1 =	vmul.f32 v0, v1;
	_ =	sdelay $0x1  }
0x10f: {  	[tilespmem:s0+$0xFFFFFF90] =	vst v1  }
0x110: {  	v1 =	vld [tilespmem:s2+$0x20];
	_ =	sdelay $0x4  }
0x111: {  	v1 =	vmul.f32 v1, v0;
	_ =	sdelay $0x1  }
0x112: {  	[tilespmem:s0+$0xFFFFFFA0] =	vst v1  }
0x113: {  	v1 =	vld [tilespmem:s2+$0x30];
	_ =	sdelay $0x4  }
0x114: {  	v0 =	vmul.f32 v1, v0;
	_ =	sdelay $0x1  }
0x115: {  	[tilespmem:s0+$0xFFFFFFB0] =	vst v0  }
0x116: {  	v0 =	vld [tilespmem:s2+$0xC0]  }
0x117: {  	v62 =	vld [tilespmem:s2+$0x20D0];
	_ =	sdelay $0x4  }
0x118: {  	v0 =	vadd.f32 v62, v0;
	_ =	sdelay $0x1  }
0x119: {  	v1 =	vmul.f32 $2.000000030e-01, v0;
	_ =	sdelay $0x1  }
0x11a: {  	v0 =	vmax.f32 v0, v1  }
0x11b: {  	v0 =	vmul.f32 $1.442695020e+00, v0;
	_ =	sdelay $0x1  }
0x11c: {  	(erf) = vpow2.f32 v0;
	_ =	sdelay $0x8  }
0x11d: {  	v0 =	vpop (erf)  }
0x11e: {  	[tilespmem:s0+$0x40] =	vst v0  }
0x11f: {  	v63 =	vld [tilespmem:s2+$0x80];
	_ =	sdelay $0x4  }
0x120: {  	v1 =	vmul.f32 v0, v63;
	_ =	sdelay $0x1  }
0x121: {  	[tilespmem:s0+$0x0] =	vst v1  }
0x122: {  	v1 =	vld [tilespmem:s2+$0x90];
	_ =	sdelay $0x4  }
0x123: {  	v1 =	vmul.f32 v0, v1;
	_ =	sdelay $0x1  }
0x124: {  	[tilespmem:s0+$0x10] =	vst v1  }
0x125: {  	v1 =	vld [tilespmem:s2+$0xA0];
	_ =	sdelay $0x4  }
0x126: {  	v1 =	vmul.f32 v1, v0;
	_ =	sdelay $0x1  }
0x127: {  	[tilespmem:s0+$0x20] =	vst v1  }
0x128: {  	v1 =	vld [tilespmem:s2+$0xB0];
	_ =	sdelay $0x4  }
0x129: {  	v0 =	vmul.f32 v1, v0;
	_ =	sdelay $0x1  }
0x12a: {  	s3 =	simm.s32 $0x4280;
	s2 =	simm.s32 $0x0;
	[tilespmem:s0+$0x30] =	vst v0  }
.LBB2_5:
0x12b: {  	v0 =	vld [tilespmem:s3+$0x40]  }
0x12c: {  	v1 =	vld [tilespmem:s3+$0x2050]  }
0x12d: {  	s2 =	sadd.s32 $0x2, s2  }
0x12e: {  	p0 =	slt.u32 s2, $0x3E;
	_ =	sdelay $0x2  }
0x12f: {  	v0 =	vadd.f32 v1, v0;
	_ =	sdelay $0x1  }
0x130: {  	v1 =	vmul.f32 $2.000000030e-01, v0;
	_ =	sdelay $0x1  }
0x131: {  	v0 =	vmax.f32 v0, v1  }
0x132: {  	v0 =	vmul.f32 $1.442695020e+00, v0;
	_ =	sdelay $0x1  }
0x133: {  	(erf) = vpow2.f32 v0;
	_ =	sdelay $0x8  }
0x134: {  	s0 =	sadd.s32 $0x100, s0;
	v0 =	vpop (erf)  }
0x135: {  	[tilespmem:s0+$0xFFFFFFC0] =	vst v0  }
0x136: {  	v1 =	vld [tilespmem:s3+$0x0];
	_ =	sdelay $0x4  }
0x137: {  	v1 =	vmul.f32 v0, v1;
	_ =	sdelay $0x1  }
0x138: {  	[tilespmem:s0+$0xFFFFFF80] =	vst v1  }
0x139: {  	v1 =	vld [tilespmem:s3+$0x10];
	_ =	sdelay $0x4  }
0x13a: {  	v1 =	vmul.f32 v0, v1;
	_ =	sdelay $0x1  }
0x13b: {  	[tilespmem:s0+$0xFFFFFF90] =	vst v1  }
0x13c: {  	v1 =	vld [tilespmem:s3+$0x20];
	_ =	sdelay $0x4  }
0x13d: {  	v1 =	vmul.f32 v1, v0;
	_ =	sdelay $0x1  }
0x13e: {  	[tilespmem:s0+$0xFFFFFFA0] =	vst v1  }
0x13f: {  	v1 =	vld [tilespmem:s3+$0x30];
	_ =	sdelay $0x4  }
0x140: {  	v0 =	vmul.f32 v1, v0;
	_ =	sdelay $0x1  }
0x141: {  	[tilespmem:s0+$0xFFFFFFB0] =	vst v0  }
0x142: {  	v0 =	vld [tilespmem:s3+$0xC0]  }
0x143: {  	v1 =	vld [tilespmem:s3+$0x20D0];
	_ =	sdelay $0x4  }
0x144: {  	v0 =	vadd.f32 v1, v0;
	_ =	sdelay $0x1  }
0x145: {  	v1 =	vmul.f32 $2.000000030e-01, v0;
	_ =	sdelay $0x1  }
0x146: {  	v0 =	vmax.f32 v0, v1  }
0x147: {  	v0 =	vmul.f32 $1.442695020e+00, v0;
	_ =	sdelay $0x1  }
0x148: {  	(erf) = vpow2.f32 v0;
	_ =	sdelay $0x8  }
0x149: {  	v0 =	vpop (erf)  }
0x14a: {  	[tilespmem:s0+$0x40] =	vst v0  }
0x14b: {  	v1 =	vld [tilespmem:s3+$0x80];
	_ =	sdelay $0x4  }
0x14c: {  	v1 =	vmul.f32 v0, v1;
	_ =	sdelay $0x1  }
0x14d: {  	[tilespmem:s0+$0x0] =	vst v1  }
0x14e: {  	v1 =	vld [tilespmem:s3+$0x90];
	_ =	sdelay $0x4  }
0x14f: {  	v1 =	vmul.f32 v0, v1;
	_ =	sdelay $0x1  }
0x150: {  	[tilespmem:s0+$0x10] =	vst v1  }
0x151: {  	v1 =	vld [tilespmem:s3+$0xA0];
	_ =	sdelay $0x4  }
0x152: {  	v1 =	vmul.f32 v1, v0;
	_ =	sdelay $0x1  }
0x153: {  	[tilespmem:s0+$0x20] =	vst v1  }
0x154: {  	v1 =	vld [tilespmem:s3+$0xB0];
	_ =	sdelay $0x2  }
.Ltmp1:
0x155: {  	(pc) =	sbr.rel @p0 .LBB2_5-.Ltmp1, $3  }
0x156: {  	_ = 	snop  }
0x157: {  	v0 =	vmul.f32 v1, v0;
	_ =	sdelay $0x1  }
0x158: {  	s3 =	sadd.s32 $0x100, s3;
	[tilespmem:s0+$0x30] =	vst v0  }
0x159: {  	s26 =	sadd.s32 $0x1, s26  }
0x15a: {  	p0 =	sne.s32 s26, $0x51  }
.Ltmp2:
0x15b: {  	_ = 	snop;
	(pc) =	sbr.rel @p0 .LBB2_2-.Ltmp2, $4  }
0x15c: {  	[spmem:s24] =	stream.indirect.scatter.add.f32 [tilespmem:s12], [sflag:$0x3], $0x50, s18, s19, $0xb8;
	[tilespmem:$0x16980] =	vst v63  }
0x15d: {  	_ =	swait.ge [sflag:s13], $0x1400  }
0x15e: {  	[sflag:s13] =	ssyncset.done $0x0  }
0x15f: {  	[sflag:s13] =	ssyncadd.s32 $0xFFFFEC00  }
0x160: {  	_ =	swait.ge [sflag:s17], $0x4000  }
0x161: {  	[sflag:s17] =	ssyncset.done $0x0  }
0x162: {  	[sflag:s17] =	ssyncadd.s32 $0xFFFFC000  }
0x163: {  	[bflag:$0x0] =	sbarrier.arrive $0xFFFF  }
0x164: {  	s2 =	rddreg [dreg:$0x1c]  }
0x165: {  	[tilespmem:s12], [sflag:$0x3] =	stream.linear.gather [spmem:s2], $0x2000, $0x38;
	[tilespmem:$0x16980] =	vst v63  }
0x166: {  	_ =	swait.ge [sflag:s13], $0x2000  }
0x167: {  	[sflag:s13] =	ssyncset.done $0x0  }
0x168: {  	s0 =	rddreg [dreg:$0xe];
	[sflag:s13] =	ssyncadd.s32 $0xFFFFE000  }
0x169: {  	[hbm4b:s0+s1] =	stream.linear.scatter [tilespmem:s12], [sflag:$0x3], $0x2000, $0x38;
	[tilespmem:$0x16980] =	vst v63  }
0x16a: {  	_ =	swait.ge [sflag:s13], $0x2000  }
0x16b: {  	[sflag:s13] =	ssyncset.done $0x0  }
0x16c: {  	[sflag:s13] =	ssyncadd.s32 $0xFFFFE000  }
0x16d: {  	[tilespmem:s12], [sflag:$0x3] =	stream.linear.gather [spmem:s6], $0x2000, $0x38;
	[tilespmem:$0x16980] =	vst v63  }
0x16e: {  	_ =	swait.ge [sflag:s13], $0x2000  }
0x16f: {  	[sflag:s13] =	ssyncset.done $0x0  }
0x170: {  	s3 =	smov.u32 s6;
	s6 =	rddreg [dreg:$0xf];
	[sflag:s13] =	ssyncadd.s32 $0xFFFFE000  }
0x171: {  	[hbm4b:s6+s1] =	stream.linear.scatter [tilespmem:s12], [sflag:$0x3], $0x2000, $0x38;
	[tilespmem:$0x16980] =	vst v63  }
0x172: {  	_ =	swait.ge [sflag:s13], $0x2000  }
0x173: {  	[sflag:s13] =	ssyncset.done $0x0  }
0x174: {  	[sflag:s13] =	ssyncadd.s32 $0xFFFFE000  }
0x175: {  	[tilespmem:s12], [sflag:$0x3] =	stream.linear.gather [spmem:s7], $0x2000, $0x38;
	[tilespmem:$0x16980] =	vst v63  }
0x176: {  	_ =	swait.ge [sflag:s13], $0x2000  }
0x177: {  	[sflag:s13] =	ssyncset.done $0x0  }
0x178: {  	s4 =	smov.u32 s7;
	s7 =	rddreg [dreg:$0x10];
	[sflag:s13] =	ssyncadd.s32 $0xFFFFE000  }
0x179: {  	[hbm4b:s7+s1] =	stream.linear.scatter [tilespmem:s12], [sflag:$0x3], $0x2000, $0x38;
	[tilespmem:$0x16980] =	vst v63  }
0x17a: {  	_ =	swait.ge [sflag:s13], $0x2000  }
0x17b: {  	[sflag:s13] =	ssyncset.done $0x0  }
0x17c: {  	[sflag:s13] =	ssyncadd.s32 $0xFFFFE000  }
0x17d: {  	[tilespmem:s12], [sflag:$0x3] =	stream.linear.gather [spmem:s8], $0x2000, $0x38;
	[tilespmem:$0x16980] =	vst v63  }
0x17e: {  	_ =	swait.ge [sflag:s13], $0x2000  }
0x17f: {  	[sflag:s13] =	ssyncset.done $0x0  }
0x180: {  	s20 =	smov.u32 s8;
	s8 =	rddreg [dreg:$0x11];
	[sflag:s13] =	ssyncadd.s32 $0xFFFFE000  }
0x181: {  	[hbm4b:s8+s1] =	stream.linear.scatter [tilespmem:s12], [sflag:$0x3], $0x2000, $0x38;
	[tilespmem:$0x16980] =	vst v63  }
0x182: {  	_ =	swait.ge [sflag:s13], $0x2000  }
0x183: {  	[sflag:s13] =	ssyncset.done $0x0  }
0x184: {  	[sflag:s13] =	ssyncadd.s32 $0xFFFFE000  }
0x185: {  	[tilespmem:s12], [sflag:$0x3] =	stream.linear.gather [spmem:s9], $0x2000, $0x38;
	[tilespmem:$0x16980] =	vst v63  }
0x186: {  	_ =	swait.ge [sflag:s13], $0x2000  }
0x187: {  	[sflag:s13] =	ssyncset.done $0x0  }
0x188: {  	s10 =	rddreg [dreg:$0x12];
	[sflag:s13] =	ssyncadd.s32 $0xFFFFE000  }
0x189: {  	[hbm4b:s10+s1] =	stream.linear.scatter [tilespmem:s12], [sflag:$0x3], $0x2000, $0x38;
	[tilespmem:$0x16980] =	vst v63  }
0x18a: {  	_ =	swait.ge [sflag:s13], $0x2000  }
0x18b: {  	[sflag:s13] =	ssyncset.done $0x0  }
0x18c: {  	s10 =	rddreg [dreg:$0x1a];
	[sflag:s13] =	ssyncadd.s32 $0xFFFFE000  }
0x18d: {  	[tilespmem:s12], [sflag:$0x3] =	stream.linear.gather [spmem:s10], $0x2000, $0x38;
	[tilespmem:$0x16980] =	vst v63  }
0x18e: {  	_ =	swait.ge [sflag:s13], $0x2000  }
0x18f: {  	[sflag:s13] =	ssyncset.done $0x0  }
0x190: {  	s5 =	rddreg [dreg:$0x13];
	[sflag:s13] =	ssyncadd.s32 $0xFFFFE000  }
0x191: {  	[hbm4b:s5+s1] =	stream.linear.scatter [tilespmem:s12], [sflag:$0x3], $0x2000, $0x38;
	[tilespmem:$0x16980] =	vst v63  }
0x192: {  	_ =	swait.ge [sflag:s13], $0x2000  }
0x193: {  	[sflag:s13] =	ssyncset.done $0x0  }
0x194: {  	s5 =	rddreg [dreg:$0x1b];
	[sflag:s13] =	ssyncadd.s32 $0xFFFFE000  }
0x195: {  	[tilespmem:s12], [sflag:$0x3] =	stream.linear.gather [spmem:s5], $0x2000, $0x38;
	[tilespmem:$0x16980] =	vst v63  }
0x196: {  	_ =	swait.ge [sflag:s13], $0x2000  }
0x197: {  	[sflag:s13] =	ssyncset.done $0x0  }
0x198: {  	s6 =	rddreg [dreg:$0x14];
	[sflag:s13] =	ssyncadd.s32 $0xFFFFE000  }
0x199: {  	[hbm4b:s6+s1] =	stream.linear.scatter [tilespmem:s12], [sflag:$0x3], $0x2000, $0x38;
	[tilespmem:$0x16980] =	vst v63  }
0x19a: {  	_ =	swait.ge [sflag:s13], $0x2000  }
0x19b: {  	[sflag:s13] =	ssyncset.done $0x0  }
0x19c: {  	s6 =	rddreg [dreg:$0x1d];
	[sflag:s13] =	ssyncadd.s32 $0xFFFFE000  }
0x19d: {  	[tilespmem:s12], [sflag:$0x3] =	stream.linear.gather [spmem:s6], $0x2000, $0x38;
	[tilespmem:$0x16980] =	vst v63  }
0x19e: {  	_ =	swait.ge [sflag:s13], $0x2000  }
0x19f: {  	[sflag:s13] =	ssyncset.done $0x0  }
0x1a0: {  	s7 =	rddreg [dreg:$0x15];
	[sflag:s13] =	ssyncadd.s32 $0xFFFFE000  }
0x1a1: {  	[hbm4b:s7+s1] =	stream.linear.scatter [tilespmem:s12], [sflag:$0x3], $0x2000, $0x38;
	[tilespmem:$0x16980] =	vst v63  }
0x1a2: {  	_ =	swait.ge [sflag:s13], $0x2000  }
0x1a3: {  	[sflag:s13] =	ssyncset.done $0x0  }
0x1a4: {  	s7 =	rddreg [dreg:$0x1e];
	[sflag:s13] =	ssyncadd.s32 $0xFFFFE000  }
0x1a5: {  	[tilespmem:s12], [sflag:$0x3] =	stream.linear.gather [spmem:s7], $0x2000, $0x38;
	[tilespmem:$0x16980] =	vst v63  }
0x1a6: {  	_ =	swait.ge [sflag:s13], $0x2000  }
0x1a7: {  	[sflag:s13] =	ssyncset.done $0x0  }
0x1a8: {  	s8 =	rddreg [dreg:$0x16];
	[sflag:s13] =	ssyncadd.s32 $0xFFFFE000  }
0x1a9: {  	[hbm4b:s8+s1] =	stream.linear.scatter [tilespmem:s12], [sflag:$0x3], $0x2000, $0x38;
	[tilespmem:$0x16980] =	vst v63  }
0x1aa: {  	_ =	swait.ge [sflag:s13], $0x2000  }
0x1ab: {  	[sflag:s13] =	ssyncset.done $0x0  }
0x1ac: {  	s8 =	rddreg [dreg:$0x1f];
	[sflag:s13] =	ssyncadd.s32 $0xFFFFE000  }
0x1ad: {  	[tilespmem:s12], [sflag:$0x3] =	stream.linear.gather [spmem:s8], $0x2000, $0x38;
	[tilespmem:$0x16980] =	vst v63  }
0x1ae: {  	_ =	swait.ge [sflag:s13], $0x2000  }
0x1af: {  	[sflag:s13] =	ssyncset.done $0x0  }
0x1b0: {  	s26 =	smov.u32 s9;
	s9 =	rddreg [dreg:$0x17];
	[sflag:s13] =	ssyncadd.s32 $0xFFFFE000  }
0x1b1: {  	[hbm4b:s9+s1] =	stream.linear.scatter [tilespmem:s12], [sflag:$0x3], $0x2000, $0x38;
	[tilespmem:$0x16980] =	vst v63  }
0x1b2: {  	_ =	swait.ge [sflag:s13], $0x2000  }
0x1b3: {  	s25 =	sadd.s32 $0x1, s25;
	s9 =	rddreg [dreg:$0x19]  }
0x1b4: {  	p0 =	sne.s32 s25, s9  }
.Ltmp3:
0x1b5: {  	_ = 	snop;
	(pc) =	sbr.rel @p0 .LBB2_1-.Ltmp3, $3  }
0x1b6: {  	_ =	sdelay $0x1  }
0x1b7: {  	[sflag:s13] =	ssyncset.done $0x0  }
0x1b8: {  	[sflag:s13] =	ssyncadd.s32 $0xFFFFE000  }
0x1b9: {  	_ =	sfence.sel $0x180000  }
0x1ba: {  	[bflag:$0x0] =	sbarrier.arrive $0xFFFF  }
0x1bb: {  	_ =	strace $0x9000004A  }
0x1bc: {  	s0 =	stileid.u32;
	[bflag:$0x2] =	sbarrier.arrive $0xFFFF  }
0x1bd: {  	p0 =	sne.s32 s0, $0x0;
	s0 =	rddreg [dreg:$0x3]  }
0x1be: {  	s0 =	sadd.s32 @!p0 $0x100000, s0  }
0x1bf: {  	[sflag:s0] =	ssyncadd.tile.s32 @!p0 $0x1;
	_ =	shalt  }
.Lfunc_end2:
_tile_overlayer_lowered:
.L_overlay_start_2:
0x1c0: {  	(tag) =	ssettag $0x2  }
0x1c1: {  	s0 =	rddreg [dreg:$0x0];
	s2 =	stileid.u32  }
0x1c2: {  	s1 =	rddreg [dreg:$0x1];
	p0 =	sne.s32 s2, $0x0  }
0x1c3: {  	s3 =	rddreg [dreg:$0x2];
	[bflag:$0x3] =	sbarrier.arrive $0xFFFF;
	s2 =	simm.s32 @!p0 $0x1C03  }
0x1c4: {  	[timem:s3], [sflag:s2] =	dma.local @!p0 [hbm:s0], s1  }
0x1c5: {  	s0 =	simm.s32 @!p0 $0x3  }
0x1c6: {  	_ =	swait.ge @!p0 [sflag:s0], s1  }
0x1c7: {  	s1 =	ssub.s32 @!p0 $0x0, s1;
	[sflag:s0] =	ssyncset.done @!p0 $0x0  }
0x1c8: {  	[sflag:s0] =	ssyncadd.s32 @!p0 s1  }
0x1c9: {  	[bflag:$0x3] =	sbarrier.arrive $0xFFFF  }
0x1ca: {  	_ =	shalt  }

// kernel: kernel.7.cloned.1.call-start
scs
__scs_entry_jumppad:
0x0: {  	(pc) =	sbr.rel $0x88, $3  }
0x1: {  	(tag) =	ssettag $0x0;
	lr =	simm.s32 $0x1  }
0x2: {  	[smem:$0x3F97] =	sst lr;
	_ =	strace $0xD0000000  }
0x3: {  	_ = 	snop  }
0x4: {  	_ = 	snop  }
0x5: {  	_ = 	snop  }
0x6: {  	_ = 	snop  }
0x7: {  	_ = 	snop  }
__scs_overlays_trampoline_lowered:
0x8: {  	[smem:$0x3FA6] =	sst s0  }
0x9: {  	[smem:$0x3FA7] =	sst s1  }
0xa: {  	[smem:$0x3FA8] =	sst s2  }
0xb: {  	[smem:$0x3FA9] =	sst s3  }
0xc: {  	[smem:$0x3FAA] =	sst s4  }
0xd: {  	[smem:$0x3FAB] =	sst s5  }
0xe: {  	[smem:$0x3FAC] =	sst s6  }
0xf: {  	[smem:$0x3FAD] =	sst s7  }
0x10: {  	[smem:$0x3FAE] =	sst s8  }
0x11: {  	[smem:$0x3FAF] =	sst s9;
	s0 =	simm.s32 @!p0 $0x0  }
0x12: {  	s1 =	sld [smem:$0x3F95];
	s0 =	simm.s32 @p0 $0x1  }
0x13: {  	[smem:$0x3FB0] =	sst s0;
	s0 =	simm.s32 @!p1 $0x0  }
0x14: {  	s2 =	sld [smem:$0x3F94];
	s0 =	simm.s32 @p1 $0x1  }
0x15: {  	[smem:$0x3FB1] =	sst s0;
	s0 =	simm.s32 @!p2 $0x0  }
0x16: {  	s3 =	sld [smem:$0x3FDB];
	s0 =	simm.s32 @p2 $0x1  }
0x17: {  	s4 =	simm.s32 $0x1BF5;
	[smem:$0x3FB3] =	sst s0  }
0x18: {  	s0 =	sld [smem:$0x3F96];
	_ =	swait.ge [sflag:s4], $0x0  }
0x19: {  	s7 =	sld [smem:$0x3F97]  }
0x1a: {  	s8 =	sadd.s32 $0xFFFFE003, lr  }
0x1b: {  	s9 =	sadd.s32 $0xFFFFFEF7, lr;
	s5 =	simm.s32 $0xFFFFFFFF;
	p2 =	slt.u32 s8, $0xFFFFF086  }
0x1c: {  	p1 =	slt.u32 s9, $0xF7A;
	s5 =	simm.s32 @!p2 $0x0  }
0x1d: {  	s5 =	simm.s32 @p1 $0x1;
	p0 =	seq.s32 s7, s2  }
0x1e: {  	s7 =	smul.u32 @!p0 $0xF7A, s2;
	p2 =	seq.s32 @!p0 s5, $0x0  }
0x1f: {  	s9 =	smul.u32 $0xF7A, s1;
	s8 =	simm.s32 @!p0 $0x1BF5;
	p2 =	por !p2, p0  }
0x20: {  	[sflag:s8] =	ssyncset.s32 @!p0 $0xFFFFF086;
	s6 =	sadd.s32 @!p0 s3, s7;
	s7 =	simm.s32 @!p0 $0x108  }
0x21: {  	s3 =	sadd.s32 s3, s9;
	s6 =	sadd.s32 @!p0 $0x88, s6;
	s7 =	simm.s32 @p2 $0x1082  }
0x22: {  	[simem:s7], [sflag:s8] =	dma.local @!p0 [hbm:s6], $0xF7A  }
0x23: {  	s9 =	sor.u32 $0xD0000000, s2;
	s6 =	simm.s32 $0x108;
	_ =	swait.ge @!p0 [sflag:s8], $0x0  }
0x24: {  	s3 =	sadd.s32 $0x88, s3;
	s6 =	simm.s32 @!p1 $0x1082;
	[sflag:s4] =	ssyncset.s32 $0xFFFFF086  }
0x25: {  	[simem:s6], [sflag:s4] =	dma.local [hbm:s3], $0xF7A  }
0x26: {  	[smem:$0x3F97] =	sst s1;
	(tag) =	ssettag s2;
	_ =	strace s9  }
0x27: {  	s1 =	sld [smem:$0x3FA7]  }
0x28: {  	s2 =	sld [smem:$0x3FA8]  }
0x29: {  	s4 =	sld [smem:$0x3FAA]  }
0x2a: {  	p0 =	seq.s32 s5, $0x0;
	s5 =	sld [smem:$0x3FAB]  }
0x2b: {  	s6 =	sld [smem:$0x3FAC]  }
0x2c: {  	s7 =	sld [smem:$0x3FAD]  }
0x2d: {  	s3 =	simm.s32 $0x108;
	s8 =	sld [smem:$0x3FAE]  }
0x2e: {  	s3 =	simm.s32 @!p0 $0x1082;
	s9 =	sld [smem:$0x3FAF]  }
0x2f: {  	lr =	sadd.s32 s0, s3;
	s0 =	sld [smem:$0x3FA6]  }
0x30: {  	s3 =	sld [smem:$0x3FA9]  }
0x31: {  	[smem:$0x3FB2] =	sst s10  }
0x32: {  	s10 =	sld [smem:$0x3FB0];
	_ =	sdelay $0x3  }
0x33: {  	p0 =	seq.s32 s10, $0x1;
	s10 =	sld [smem:$0x3FB2];
	_ =	sdelay $0x3  }
0x34: {  	[smem:$0x3FB2] =	sst s10  }
0x35: {  	s10 =	sld [smem:$0x3FB1];
	_ =	sdelay $0x3  }
0x36: {  	p1 =	seq.s32 s10, $0x1;
	s10 =	sld [smem:$0x3FB2];
	_ =	sdelay $0x3  }
0x37: {  	[smem:$0x3FB2] =	sst s10  }
0x38: {  	s10 =	sld [smem:$0x3FB3]  }
0x39: {  	_ = 	snop;
	(pc) =	sbr.ind lr, $3  }
0x3a: {  	_ = 	snop  }
0x3b: {  	_ = 	snop  }
0x3c: {  	p2 =	seq.s32 s10, $0x1;
	s10 =	sld [smem:$0x3FB2]  }
0x3d: {  	_ =	shalt  }
0x3e: {  	_ =	shalt  }
0x3f: {  	_ =	shalt  }
0x40: {  	_ =	shalt  }
0x41: {  	_ =	shalt  }
0x42: {  	_ =	shalt  }
0x43: {  	_ =	shalt  }
0x44: {  	_ =	shalt  }
0x45: {  	_ =	shalt  }
0x46: {  	_ =	shalt  }
0x47: {  	_ =	shalt  }
0x48: {  	_ =	shalt  }
0x49: {  	_ =	shalt  }
0x4a: {  	_ =	shalt  }
0x4b: {  	_ =	shalt  }
0x4c: {  	_ =	shalt  }
0x4d: {  	_ =	shalt  }
0x4e: {  	_ =	shalt  }
0x4f: {  	_ =	shalt  }
0x50: {  	_ =	shalt  }
0x51: {  	_ =	shalt  }
0x52: {  	_ =	shalt  }
0x53: {  	_ =	shalt  }
0x54: {  	_ =	shalt  }
0x55: {  	_ =	shalt  }
0x56: {  	_ =	shalt  }
0x57: {  	_ =	shalt  }
0x58: {  	_ =	shalt  }
0x59: {  	_ =	shalt  }
0x5a: {  	_ =	shalt  }
0x5b: {  	_ =	shalt  }
0x5c: {  	_ =	shalt  }
0x5d: {  	_ =	shalt  }
0x5e: {  	_ =	shalt  }
0x5f: {  	_ =	shalt  }
0x60: {  	_ =	shalt  }
0x61: {  	_ =	shalt  }
0x62: {  	_ =	shalt  }
0x63: {  	_ =	shalt  }
0x64: {  	_ =	shalt  }
0x65: {  	_ =	shalt  }
0x66: {  	_ =	shalt  }
0x67: {  	_ =	shalt  }
0x68: {  	_ =	shalt  }
0x69: {  	_ =	shalt  }
0x6a: {  	_ =	shalt  }
0x6b: {  	_ =	shalt  }
0x6c: {  	_ =	shalt  }
0x6d: {  	_ =	shalt  }
0x6e: {  	_ =	shalt  }
0x6f: {  	_ =	shalt  }
0x70: {  	_ =	shalt  }
0x71: {  	_ =	shalt  }
0x72: {  	_ =	shalt  }
0x73: {  	_ =	shalt  }
0x74: {  	_ =	shalt  }
0x75: {  	_ =	shalt  }
0x76: {  	_ =	shalt  }
0x77: {  	_ =	shalt  }
0x78: {  	_ =	shalt  }
0x79: {  	_ =	shalt  }
0x7a: {  	_ =	shalt  }
0x7b: {  	_ =	shalt  }
0x7c: {  	_ =	shalt  }
0x7d: {  	_ =	shalt  }
0x7e: {  	_ =	shalt  }
0x7f: {  	_ =	shalt  }
0x80: {  	_ =	shalt  }
0x81: {  	_ =	shalt  }
0x82: {  	_ =	shalt  }
0x83: {  	_ =	shalt  }
0x84: {  	_ =	shalt  }
0x85: {  	_ =	shalt  }
0x86: {  	_ =	shalt  }
0x87: {  	_ =	shalt  }
.Lfunc_end0:
.L_simem_size_0:
called_computation_lowered:
.L_overlay_start_0:
0x88: {  	s2 =	sld [smem:$0x3FD9]  }
0x89: {  	s3 =	sld [smem:$0x3FFE];
	_ =	sdelay $0x1  }
0x8a: {  	s1 =	srdreg.scid  }
0x8b: {  	s0 =	sand.u32 $0x1, s1  }
0x8c: {  	s17 =	sshll.u32 s0, $0xA;
	s2 =	sadd.s32 s3, s2  }
0x8d: {  	s2 =	sadd.s32 s2, s17  }
0x8e: {  	[smem:$0x3FBE] =	sst s2  }
0x8f: {  	_ = 	snop  }
0x90: {  	s2 =	sld [smem:$0x3FD0];
	(tm) =	ssettm $0x1  }
0x91: {  	s18 =	sld [smem:$0x3FFB];
	_ =	sdelay $0x3  }
0x92: {  	_ =	strace s18  }
0x93: {  	s3 =	sld [smem:$0x3FFC];
	_ =	sdelay $0x3  }
0x94: {  	_ =	strace s3  }
0x95: {  	s3 =	sld [smem:$0x3FFD];
	_ =	sdelay $0x3  }
0x96: {  	_ =	strace s3  }
0x97: {  	_ =	strace $0x8FFFFFFF  }
0x98: {  	s19 =	sld [smem:$0x3FDB];
	_ =	sdelay $0x1  }
0x99: {  	s4 =	simm.s32 $_scs_section_size  }
0x9a: {  	s5 =	simm.s32 $_size__tile_overlayer_lowered;
	s6 =	simm.s32 $_tile_overlayer_lowered  }
0x9b: {  	s22 =	simm.s32 $0x1BFF;
	s21 =	sshll.u32 s6, $0x1;
	s3 =	sadd.s32 s4, s19  }
0x9c: {  	s7 =	simm.s32 $0x0;
	s20 =	sshll.u32 s5, $0x1;
	s5 =	sadd.s32 s21, s3  }
0x9d: {  	[timem:s7], [sflag:s22] =	dma.local [hbm:s5], s20  }
0x9e: {  	_ =	swait.ge [sflag:s22], s20  }
0x9f: {  	s4 =	ssub.s32 $0x0, s20;
	[sflag:s22] =	ssyncset.done $0x0  }
0xa0: {  	[sflag:s22] =	ssyncadd.s32 s4;
	_ =	sdelay $0x1  }
0xa1: {  	s23 =	simm.s32 $0x1B8B  }
0xa2: {  	_ =	swait.ge [sflag:s23], $0x1  }
0xa3: {  	[sflag:s23] =	ssyncset.done $0x0  }
0xa4: {  	s25 =	simm.s32 $0x1B8E;
	s24 =	sld [smem:$0x3FFE];
	[sflag:s23] =	ssyncadd.s32 $0xFFFFFFFF  }
0xa5: {  	s26 =	simm.s32 $execute0_lowered;
	[smem:$0x3FD2] =	sst s25  }
0xa6: {  	s5 =	sshll.u32 s26, $0x1;
	_ =	strace $0x80000046;
	[dreg:$0x1] =	wrdreg $0xFFFFFFFF  }
0xa7: {  	s28 =	simm.s32 $_size_execute0_lowered;
	s3 =	sadd.s32 s3, s5;
	[dreg:$0x0] =	wrdreg $0x0  }
0xa8: {  	s5 =	sshll.u32 s28, $0x1;
	[dreg:$0x2] =	wrdreg s3  }
0xa9: {  	[dreg:$0x3] =	wrdreg s5  }
0xaa: {  	[dreg:$0x4] =	wrdreg $0xC0  }
0xab: {  	_ =	task [dreg:s7], $0x5FFFF  }
0xac: {  	[dreg:$0x1] =	wrdreg $0xFFFFFFFF  }
0xad: {  	[dreg:$0x0] =	wrdreg $0x60  }
0xae: {  	[dreg:$0x2] =	wrdreg s24  }
0xaf: {  	[dreg:$0x3] =	wrdreg s2  }
0xb0: {  	[dreg:$0x4] =	wrdreg $0xA1800  }
0xb1: {  	[dreg:$0x5] =	wrdreg $0x9  }
0xb2: {  	_ =	task.clear_ibuf [dreg:s7], $0x6FFFF;
	_ =	strace $0x90000046  }
0xb3: {  	s29 =	simm.s32 $0x9;
	_ =	strace $0x80000048  }
0xb4: {  	_ =	swait.ge [sflag:s29], $0x1  }
0xb5: {  	[sflag:s29] =	ssyncadd.s32 $0xFFFFFFFF  }
0xb6: {  	_ =	strace $0x90000048  }
0xb7: {  	_ =	sfence  }
0xb8: {  	s30 =	sld [smem:$0x0];
	_ =	sdelay $0x2  }
0xb9: {  	s31 =	sshll.u32 s1, $0xD;
	s1 =	sshrl.u32 s1, $0x2  }
0xba: {  	s3 =	sand.u32 $0x4000, s31;
	s1 =	sadd.s32 s1, s30  }
0xbb: {  	s0 =	sor.u32 s3, s0;
	s1 =	sshll.u32 s1, $0x11  }
0xbc: {  	s0 =	sor.u32 s1, s0  }
0xbd: {  	s0 =	sadd.s32 $0x8F2B, s0  }
0xbe: {  	[sflag:s0] =	ssyncadd.remote.s32 $0x1  }
0xbf: {  	_ =	sfence.sel $0xFFFF  }
0xc0: {  	[dreg:$0x0] =	wrdreg $0xFFFFFFFF;
	(pc) =	sbr.abs _section_cstart, $3  }
0xc1: {  	[dreg:$0x1] =	wrdreg $0xFFFFFFFF  }
0xc2: {  	_ =	task.clear_ibuf [dreg:s7], $0x2FFFF;
	_ =	strace $0x9FFFFFFF  }
0xc3: {  	(tm) =	ssettm $0x7FFFFFFF  }
tec
execute0_lowered:
.L_overlay_start_1:
0x0: {  	(tag) =	ssettag $0x1  }
0x1: {  	s0 =	rddreg [dreg:$0x0];
	s18 =	stileid.u32  }
0x2: {  	s1 =	simm.s32 $0x0;
	s2 =	srdreg.scid;
	s8 =	smul.u32 $0x280, s18  }
0x3: {  	[smem:$0x7FF] =	sst s1;
	s4 =	sand.u32 $0x1, s2;
	s6 =	smul.u32 $0x2800, s18  }
0x4: {  	s10 =	sshll.u32 s18, $0x1;
	s9 =	sadd.s32 $0x3E000, s0;
	s24 =	smul.u32 $0x14000, s18  }
0x5: {  	s29 =	sadd.s32 $0x16000, s0;
	s30 =	sadd.s32 $0x1A10, s0;
	s31 =	sadd.s32 $0x1A20, s0  }
0x6: {  	s2 =	sor.u32 s4, s10;
	s3 =	ssub.s32 $0x2, s4;
	s7 =	smul.u32 $0x140000, s4  }
0x7: {  	s5 =	sshrl.u32 s3, $0x1;
	s10 =	sor.u32 $0x40, s8;
	s12 =	sadd.s32 s9, s6  }
0x8: {  	s13 =	sadd.s32 $0x80, s8;
	s15 =	sadd.s32 $0xC0, s8;
	s17 =	sadd.s32 $0x100, s8  }
0x9: {  	s21 =	sadd.s32 $0x1C0, s8;
	s28 =	smul.u32 $0x2880, s2;
	s3 =	ssub.s32 s3, s5  }
0xa: {  	s11 =	sshll.u32 s10, $0x4;
	[dreg:$0x4] =	wrdreg s12;
	s14 =	sshll.u32 s13, $0x4  }
0xb: {  	s5 =	sshll.u32 s13, $0x7;
	s16 =	sshll.u32 s15, $0x4;
	s12 =	sadd.s32 $0x140, s8  }
0xc: {  	s13 =	sadd.s32 $0x180, s8;
	s22 =	sshll.u32 s21, $0x4;
	s4 =	sadd.s32 s9, s11  }
0xd: {  	s6 =	sadd.s32 s9, s14;
	s11 =	sshll.u32 s17, $0x4;
	s19 =	sshll.u32 s12, $0x4  }
0xe: {  	s14 =	sshll.u32 s13, $0x4;
	s12 =	sshll.u32 s12, $0x7;
	[dreg:$0x5] =	wrdreg s4  }
0xf: {  	s13 =	sshll.u32 s13, $0x7;
	s4 =	sshll.u32 s10, $0x7;
	[dreg:$0x6] =	wrdreg s6  }
0x10: {  	s6 =	sadd.s32 s9, s16;
	s11 =	sadd.s32 s9, s11;
	s20 =	sadd.s32 s9, s14  }
0x11: {  	s14 =	sadd.s32 s9, s22;
	s10 =	sshll.u32 s17, $0x7;
	[dreg:$0x7] =	wrdreg s6  }
0x12: {  	s17 =	sadd.s32 s7, s5;
	s6 =	sshll.u32 s15, $0x7;
	[dreg:$0x8] =	wrdreg s11  }
0x13: {  	s11 =	sadd.s32 s9, s19;
	[dreg:$0xa] =	wrdreg s20;
	s15 =	sadd.s32 $0x200, s8  }
0x14: {  	s8 =	sadd.s32 $0x240, s8;
	[dreg:$0xb] =	wrdreg s14;
	s26 =	sadd.s32 s7, s4  }
0x15: {  	s17 =	sshrl.u32 s17, $0x3;
	[dreg:$0x9] =	wrdreg s11;
	s23 =	sshll.u32 s15, $0x4  }
0x16: {  	s16 =	sshll.u32 s8, $0x4;
	s11 =	sshll.u32 s21, $0x7;
	s21 =	sadd.s32 s7, s12  }
0x17: {  	s14 =	sadd.s32 s9, s23;
	s23 =	sshrl.u32 s21, $0x3;
	s21 =	rddreg [dreg:$0x1]  }
0x18: {  	s20 =	sadd.s32 s7, s10;
	s9 =	sadd.s32 s9, s16;
	[dreg:$0xc] =	wrdreg s14  }
0x19: {  	s19 =	sadd.s32 s7, s6;
	s16 =	sadd.s32 $0x66000, s0;
	[dreg:$0xd] =	wrdreg s9  }
0x1a: {  	s14 =	sshll.u32 s15, $0x7;
	s9 =	sadd.s32 s7, s24;
	s15 =	sshll.u32 s8, $0x7  }
0x1b: {  	s24 =	sadd.s32 s7, s13;
	s25 =	sshrl.u32 s9, $0x3;
	s9 =	sshrl.u32 s26, $0x3  }
0x1c: {  	s26 =	sadd.s32 s7, s14;
	s8 =	sadd.s32 s16, s25;
	s9 =	sadd.s32 s16, s9  }
0x1d: {  	s25 =	sadd.s32 s7, s11;
	s7 =	sadd.s32 s7, s15;
	[dreg:$0xe] =	wrdreg s8  }
0x1e: {  	[dreg:$0xf] =	wrdreg s9;
	s8 =	sadd.s32 s16, s17;
	s9 =	sshrl.u32 s20, $0x3  }
0x1f: {  	s17 =	sshrl.u32 s26, $0x3;
	s7 =	sshrl.u32 s7, $0x3;
	s20 =	smul.u32 $0x50000, s18  }
0x20: {  	s26 =	smax.u32 s3, $0x1;
	[dreg:$0x10] =	wrdreg s8;
	s22 =	sadd.s32 s16, s9  }
0x21: {  	s8 =	sshrl.u32 s19, $0x3;
	s7 =	sadd.s32 s16, s7;
	[dreg:$0x12] =	wrdreg s22  }
0x22: {  	s9 =	sshrl.u32 s25, $0x3;
	s8 =	sadd.s32 s16, s8;
	[dreg:$0x17] =	wrdreg s7  }
0x23: {  	s18 =	simm.s32 $0x100;
	s9 =	sadd.s32 s16, s9;
	[dreg:$0x11] =	wrdreg s8  }
0x24: {  	s22 =	smul.u32 $0xA30, s2;
	s8 =	sadd.s32 s16, s23;
	[dreg:$0x15] =	wrdreg s9  }
0x25: {  	s25 =	sshrl.u32 s20, $0x2;
	[dreg:$0x13] =	wrdreg s8;
	s8 =	sshrl.u32 s24, $0x3  }
0x26: {  	s24 =	rddreg [dreg:$0x2];
	s19 =	sadd.s32 s22, s0;
	s8 =	sadd.s32 s16, s8  }
0x27: {  	s23 =	sadd.s32 $0x1A00, s19;
	s2 =	sadd.s32 s25, s24;
	s3 =	sadd.s32 s4, s24  }
0x28: {  	s4 =	sadd.s32 s5, s24;
	[dreg:$0x14] =	wrdreg s8;
	s8 =	sadd.s32 s16, s17  }
0x29: {  	s20 =	sadd.s32 s6, s24;
	s5 =	sadd.s32 s13, s24;
	[dreg:$0x16] =	wrdreg s8  }
0x2a: {  	s6 =	sadd.s32 s11, s24;
	_ =	strace $0x80000047;
	[dreg:$0x18] =	wrdreg s23  }
0x2b: {  	s7 =	sadd.s32 s14, s24;
	s11 =	sor.u32 $0x40, s28;
	[dreg:$0x19] =	wrdreg s26  }
0x2c: {  	s13 =	simm.s32 $0x3;
	s14 =	simm.s32 $0x80;
	[dreg:$0x1b] =	wrdreg s5  }
0x2d: {  	s19 =	simm.s32 $0x40;
	s25 =	simm.s32 $0x0;
	[dreg:$0x1c] =	wrdreg s2  }
0x2e: {  	s16 =	simm.s32 $0x4180;
	s17 =	simm.s32 $0x1;
	[dreg:$0x1d] =	wrdreg s6  }
0x2f: {  	s8 =	sadd.s32 s15, s24;
	s15 =	simm.s32 $0x180;
	[dreg:$0x1e] =	wrdreg s7  }
0x30: {  	s26 =	sadd.s32 s10, s24;
	s10 =	sadd.s32 s12, s24;
	[dreg:$0x1f] =	wrdreg s8  }
0x31: {  	s12 =	simm.s32 $0x8180;
	s23 =	simm.s32 $0x2;
	[dreg:$0x1a] =	wrdreg s10  }
.LBB2_1:
0x32: {  	s0 =	rddreg [dreg:$0x4]  }
0x33: {  	[tilespmem:s12], [sflag:$0x3] =	stream.linear.gather [hbm4b:s0+s1], $0x2000, $0x38;
	[tilespmem:$0x16980] =	vst v63  }
0x34: {  	_ =	swait.ge [sflag:s13], $0x2000  }
0x35: {  	[sflag:s13] =	ssyncset.done $0x0  }
0x36: {  	[sflag:s13] =	ssyncadd.s32 $0xFFFFE000  }
0x37: {  	[spmem:s2] =	stream.linear.scatter [tilespmem:s12], [sflag:$0x3], $0x2000, $0x38;
	[tilespmem:$0x16980] =	vst v63  }
0x38: {  	_ =	swait.ge [sflag:s13], $0x2000  }
0x39: {  	[sflag:s13] =	ssyncset.done $0x0  }
0x3a: {  	s2 =	rddreg [dreg:$0x5];
	[sflag:s13] =	ssyncadd.s32 $0xFFFFE000  }
0x3b: {  	[tilespmem:s12], [sflag:$0x3] =	stream.linear.gather [hbm4b:s2+s1], $0x2000, $0x38;
	[tilespmem:$0x16980] =	vst v63  }
0x3c: {  	_ =	swait.ge [sflag:s13], $0x2000  }
0x3d: {  	[sflag:s13] =	ssyncset.done $0x0  }
0x3e: {  	[sflag:s13] =	ssyncadd.s32 $0xFFFFE000  }
0x3f: {  	[spmem:s3] =	stream.linear.scatter [tilespmem:s12], [sflag:$0x3], $0x2000, $0x38;
	[tilespmem:$0x16980] =	vst v63  }
0x40: {  	_ =	swait.ge [sflag:s13], $0x2000  }
0x41: {  	s2 =	smov.u32 s6;
	[sflag:s13] =	ssyncset.done $0x0  }
0x42: {  	s6 =	smov.u32 s3;
	s3 =	rddreg [dreg:$0x6];
	[sflag:s13] =	ssyncadd.s32 $0xFFFFE000  }
0x43: {  	[tilespmem:s12], [sflag:$0x3] =	stream.linear.gather [hbm4b:s3+s1], $0x2000, $0x38;
	[tilespmem:$0x16980] =	vst v63  }
0x44: {  	_ =	swait.ge [sflag:s13], $0x2000  }
0x45: {  	[sflag:s13] =	ssyncset.done $0x0  }
0x46: {  	[sflag:s13] =	ssyncadd.s32 $0xFFFFE000  }
0x47: {  	[spmem:s4] =	stream.linear.scatter [tilespmem:s12], [sflag:$0x3], $0x2000, $0x38;
	[tilespmem:$0x16980] =	vst v63  }
0x48: {  	_ =	swait.ge [sflag:s13], $0x2000  }
0x49: {  	s3 =	smov.u32 s7;
	[sflag:s13] =	ssyncset.done $0x0  }
0x4a: {  	s7 =	smov.u32 s4;
	s4 =	rddreg [dreg:$0x7];
	[sflag:s13] =	ssyncadd.s32 $0xFFFFE000  }
0x4b: {  	[tilespmem:s12], [sflag:$0x3] =	stream.linear.gather [hbm4b:s4+s1], $0x2000, $0x38;
	[tilespmem:$0x16980] =	vst v63  }
0x4c: {  	_ =	swait.ge [sflag:s13], $0x2000  }
0x4d: {  	[sflag:s13] =	ssyncset.done $0x0  }
0x4e: {  	[sflag:s13] =	ssyncadd.s32 $0xFFFFE000  }
0x4f: {  	[spmem:s20] =	stream.linear.scatter [tilespmem:s12], [sflag:$0x3], $0x2000, $0x38;
	[tilespmem:$0x16980] =	vst v63  }
0x50: {  	_ =	swait.ge [sflag:s13], $0x2000  }
0x51: {  	[sflag:s13] =	ssyncset.done $0x0  }
0x52: {  	s9 =	rddreg [dreg:$0x8];
	[sflag:s13] =	ssyncadd.s32 $0xFFFFE000  }
0x53: {  	[tilespmem:s12], [sflag:$0x3] =	stream.linear.gather [hbm4b:s9+s1], $0x2000, $0x38;
	[tilespmem:$0x16980] =	vst v63  }
0x54: {  	_ =	swait.ge [sflag:s13], $0x2000  }
0x55: {  	[sflag:s13] =	ssyncset.done $0x0  }
0x56: {  	[sflag:s13] =	ssyncadd.s32 $0xFFFFE000  }
0x57: {  	[spmem:s26] =	stream.linear.scatter [tilespmem:s12], [sflag:$0x3], $0x2000, $0x38;
	[tilespmem:$0x16980] =	vst v63  }
0x58: {  	_ =	swait.ge [sflag:s13], $0x2000  }
0x59: {  	s4 =	smov.u32 s8;
	[sflag:s13] =	ssyncset.done $0x0  }
0x5a: {  	s8 =	smov.u32 s20;
	s20 =	rddreg [dreg:$0x9];
	[sflag:s13] =	ssyncadd.s32 $0xFFFFE000  }
0x5b: {  	[tilespmem:s12], [sflag:$0x3] =	stream.linear.gather [hbm4b:s20+s1], $0x2000, $0x38;
	[tilespmem:$0x16980] =	vst v63  }
0x5c: {  	_ =	swait.ge [sflag:s13], $0x2000  }
0x5d: {  	[sflag:s13] =	ssyncset.done $0x0  }
0x5e: {  	[sflag:s13] =	ssyncadd.s32 $0xFFFFE000  }
0x5f: {  	[spmem:s10] =	stream.linear.scatter [tilespmem:s12], [sflag:$0x3], $0x2000, $0x38;
	[tilespmem:$0x16980] =	vst v63  }
0x60: {  	_ =	swait.ge [sflag:s13], $0x2000  }
0x61: {  	[sflag:s13] =	ssyncset.done $0x0  }
0x62: {  	s9 =	smov.u32 s26;
	s26 =	rddreg [dreg:$0xa];
	[sflag:s13] =	ssyncadd.s32 $0xFFFFE000  }
0x63: {  	[tilespmem:s12], [sflag:$0x3] =	stream.linear.gather [hbm4b:s26+s1], $0x2000, $0x38;
	[tilespmem:$0x16980] =	vst v63  }
0x64: {  	_ =	swait.ge [sflag:s13], $0x2000  }
0x65: {  	[sflag:s13] =	ssyncset.done $0x0  }
0x66: {  	[sflag:s13] =	ssyncadd.s32 $0xFFFFE000  }
0x67: {  	[spmem:s5] =	stream.linear.scatter [tilespmem:s12], [sflag:$0x3], $0x2000, $0x38;
	[tilespmem:$0x16980] =	vst v63  }
0x68: {  	_ =	swait.ge [sflag:s13], $0x2000  }
0x69: {  	[sflag:s13] =	ssyncset.done $0x0  }
0x6a: {  	s5 =	rddreg [dreg:$0xb];
	[sflag:s13] =	ssyncadd.s32 $0xFFFFE000  }
0x6b: {  	[tilespmem:s12], [sflag:$0x3] =	stream.linear.gather [hbm4b:s5+s1], $0x2000, $0x38;
	[tilespmem:$0x16980] =	vst v63  }
0x6c: {  	_ =	swait.ge [sflag:s13], $0x2000  }
0x6d: {  	[sflag:s13] =	ssyncset.done $0x0  }
0x6e: {  	[sflag:s13] =	ssyncadd.s32 $0xFFFFE000  }
0x6f: {  	[spmem:s2] =	stream.linear.scatter [tilespmem:s12], [sflag:$0x3], $0x2000, $0x38;
	[tilespmem:$0x16980] =	vst v63  }
0x70: {  	_ =	swait.ge [sflag:s13], $0x2000  }
0x71: {  	[sflag:s13] =	ssyncset.done $0x0  }
0x72: {  	s10 =	rddreg [dreg:$0xc];
	[sflag:s13] =	ssyncadd.s32 $0xFFFFE000  }
0x73: {  	[tilespmem:s12], [sflag:$0x3] =	stream.linear.gather [hbm4b:s10+s1], $0x2000, $0x38;
	[tilespmem:$0x16980] =	vst v63  }
0x74: {  	_ =	swait.ge [sflag:s13], $0x2000  }
0x75: {  	[sflag:s13] =	ssyncset.done $0x0  }
0x76: {  	[sflag:s13] =	ssyncadd.s32 $0xFFFFE000  }
0x77: {  	[spmem:s3] =	stream.linear.scatter [tilespmem:s12], [sflag:$0x3], $0x2000, $0x38;
	[tilespmem:$0x16980] =	vst v63  }
0x78: {  	_ =	swait.ge [sflag:s13], $0x2000  }
0x79: {  	[sflag:s13] =	ssyncset.done $0x0  }
0x7a: {  	s20 =	rddreg [dreg:$0xd];
	[sflag:s13] =	ssyncadd.s32 $0xFFFFE000  }
0x7b: {  	[tilespmem:s12], [sflag:$0x3] =	stream.linear.gather [hbm4b:s20+s1], $0x2000, $0x38;
	[tilespmem:$0x16980] =	vst v63  }
0x7c: {  	_ =	swait.ge [sflag:s13], $0x2000  }
0x7d: {  	[sflag:s13] =	ssyncset.done $0x0  }
0x7e: {  	[sflag:s13] =	ssyncadd.s32 $0xFFFFE000  }
0x7f: {  	[spmem:s4] =	stream.linear.scatter [tilespmem:s12], [sflag:$0x3], $0x2000, $0x38;
	[tilespmem:$0x16980] =	vst v63  }
0x80: {  	_ =	swait.ge [sflag:s13], $0x2000  }
0x81: {  	[sflag:s13] =	ssyncset.done $0x0  }
0x82: {  	[sflag:s13] =	ssyncadd.s32 $0xFFFFE000  }
0x83: {  	[bflag:$0x0] =	sbarrier.arrive $0xFFFF  }
0x84: {  	s26 =	rddreg [dreg:$0x18]  }
0x85: {  	[tilespmem:s1], [sflag:$0x3] =	stream.linear.gather [hbm4b:s26+s1], $0x80, $0x38;
	[tilespmem:$0x16980] =	vst v63  }
0x86: {  	_ =	swait.ge [sflag:s13], $0x80  }
0x87: {  	[sflag:s13] =	ssyncset.done $0x0  }
0x88: {  	s26 =	simm.s32 $0x0;
	[sflag:s13] =	ssyncadd.s32 $0xFFFFFF80  }
0x89: {  	[tilespmem:s15], [sflag:$0x1] =	stream.indirect.gather [hbm4b:s29+s14], $0x80, s1, s14, $0xb8;
	[tilespmem:$0x16980] =	vst v63  }
.LBB2_2:
0x8a: {  	s0 =	sshll.u32 s26, $0x5  }
0x8b: {  	s0 =	sadd.s32 s22, s0  }
0x8c: {  	s2 =	sadd.s32 s0, s30  }
0x8d: {  	[tilespmem:s14], [sflag:$0x3] =	stream.linear.gather [hbm4b:s2+s1], $0x80, $0x38;
	[tilespmem:$0x16980] =	vst v63  }
0x8e: {  	_ =	swait.ge [sflag:s13], $0x80  }
0x8f: {  	[sflag:s13] =	ssyncset.done $0x0  }
0x90: {  	s20 =	sshll.u32 s26, $0x7;
	[sflag:s13] =	ssyncadd.s32 $0xFFFFFF80  }
0x91: {  	[tilespmem:s16], [sflag:$0x2] =	stream.indirect.gather [hbm4b:s29+s14], $0x80, s14, s14, $0xb8;
	[tilespmem:$0x16980] =	vst v63  }
0x92: {  	s10 =	sadd.s32 s28, s20;
	_ =	swait.ge [sflag:s17], $0x4000  }
0x93: {  	s2 =	sshrl.u32 s10, $0x3;
	[sflag:s17] =	ssyncset.done $0x0  }
0x94: {  	s2 =	sadd.s32 s21, s2;
	[sflag:s17] =	ssyncadd.s32 $0xFFFFC000  }
0x95: {  	[tilespmem:s18], [sflag:$0x3] =	stream.linear.gather [hbm4b:s2+s1], $0x40, $0x38;
	[tilespmem:$0x16980] =	vst v63  }
0x96: {  	_ =	swait.ge [sflag:s13], $0x40  }
0x97: {  	[sflag:s13] =	ssyncset.done $0x0  }
0x98: {  	s3 =	simm.s32 $0x180;
	[sflag:s13] =	ssyncadd.s32 $0xFFFFFFC0  }
0x99: {  	v0 =	vld [tilespmem:s3+$0x40]  }
0x9a: {  	v1 =	vld [tilespmem:s3+$0x2050];
	_ =	sdelay $0x4  }
0x9b: {  	v0 =	vadd.f32 v1, v0;
	_ =	sdelay $0x1  }
0x9c: {  	v1 =	vmul.f32 $2.000000030e-01, v0;
	_ =	sdelay $0x1  }
0x9d: {  	v0 =	vmax.f32 v0, v1  }
0x9e: {  	v0 =	vmul.f32 $1.442695020e+00, v0;
	_ =	sdelay $0x1  }
0x9f: {  	(erf) = vpow2.f32 v0;
	_ =	sdelay $0x8  }
0xa0: {  	s2 =	simm.s32 $0x8200;
	v0 =	vpop (erf)  }
0xa1: {  	[tilespmem:s2+$0xFFFFFFC0] =	vst v0  }
0xa2: {  	v61 =	vld [tilespmem:s3+$0x0];
	_ =	sdelay $0x4  }
0xa3: {  	v1 =	vmul.f32 v0, v61;
	_ =	sdelay $0x1  }
0xa4: {  	[tilespmem:s2+$0xFFFFFF80] =	vst v1  }
0xa5: {  	v1 =	vld [tilespmem:s3+$0x10];
	_ =	sdelay $0x4  }
0xa6: {  	v1 =	vmul.f32 v0, v1;
	_ =	sdelay $0x1  }
0xa7: {  	[tilespmem:s2+$0xFFFFFF90] =	vst v1  }
0xa8: {  	v1 =	vld [tilespmem:s3+$0x20];
	_ =	sdelay $0x4  }
0xa9: {  	v1 =	vmul.f32 v1, v0;
	_ =	sdelay $0x1  }
0xaa: {  	[tilespmem:s2+$0xFFFFFFA0] =	vst v1  }
0xab: {  	v1 =	vld [tilespmem:s3+$0x30];
	_ =	sdelay $0x4  }
0xac: {  	v0 =	vmul.f32 v1, v0;
	_ =	sdelay $0x1  }
0xad: {  	[tilespmem:s2+$0xFFFFFFB0] =	vst v0  }
0xae: {  	v0 =	vld [tilespmem:s3+$0xC0]  }
0xaf: {  	v62 =	vld [tilespmem:s3+$0x20D0];
	_ =	sdelay $0x4  }
0xb0: {  	v0 =	vadd.f32 v62, v0;
	_ =	sdelay $0x1  }
0xb1: {  	v1 =	vmul.f32 $2.000000030e-01, v0;
	_ =	sdelay $0x1  }
0xb2: {  	v0 =	vmax.f32 v0, v1  }
0xb3: {  	v0 =	vmul.f32 $1.442695020e+00, v0;
	_ =	sdelay $0x1  }
0xb4: {  	(erf) = vpow2.f32 v0;
	_ =	sdelay $0x8  }
0xb5: {  	v0 =	vpop (erf)  }
0xb6: {  	[tilespmem:s2+$0x40] =	vst v0  }
0xb7: {  	v63 =	vld [tilespmem:s3+$0x80];
	_ =	sdelay $0x4  }
0xb8: {  	v1 =	vmul.f32 v0, v63;
	_ =	sdelay $0x1  }
0xb9: {  	[tilespmem:s2+$0x0] =	vst v1  }
0xba: {  	v1 =	vld [tilespmem:s3+$0x90];
	_ =	sdelay $0x4  }
0xbb: {  	v1 =	vmul.f32 v0, v1;
	_ =	sdelay $0x1  }
0xbc: {  	[tilespmem:s2+$0x10] =	vst v1  }
0xbd: {  	v1 =	vld [tilespmem:s3+$0xA0];
	_ =	sdelay $0x4  }
0xbe: {  	v1 =	vmul.f32 v1, v0;
	_ =	sdelay $0x1  }
0xbf: {  	[tilespmem:s2+$0x20] =	vst v1  }
0xc0: {  	v1 =	vld [tilespmem:s3+$0xB0];
	_ =	sdelay $0x4  }
0xc1: {  	v0 =	vmul.f32 v1, v0;
	_ =	sdelay $0x1  }
0xc2: {  	s4 =	simm.s32 $0x280;
	s3 =	simm.s32 $0x0;
	[tilespmem:s2+$0x30] =	vst v0  }
.LBB2_3:
0xc3: {  	v0 =	vld [tilespmem:s4+$0x40]  }
0xc4: {  	v1 =	vld [tilespmem:s4+$0x2050]  }
0xc5: {  	s3 =	sadd.s32 $0x2, s3  }
0xc6: {  	p0 =	slt.u32 s3, $0x3E;
	_ =	sdelay $0x2  }
0xc7: {  	v0 =	vadd.f32 v1, v0;
	_ =	sdelay $0x1  }
0xc8: {  	v1 =	vmul.f32 $2.000000030e-01, v0;
	_ =	sdelay $0x1  }
0xc9: {  	v0 =	vmax.f32 v0, v1  }
0xca: {  	v0 =	vmul.f32 $1.442695020e+00, v0;
	_ =	sdelay $0x1  }
0xcb: {  	(erf) = vpow2.f32 v0;
	_ =	sdelay $0x8  }
0xcc: {  	s2 =	sadd.s32 $0x100, s2;
	v0 =	vpop (erf)  }
0xcd: {  	[tilespmem:s2+$0xFFFFFFC0] =	vst v0  }
0xce: {  	v1 =	vld [tilespmem:s4+$0x0];
	_ =	sdelay $0x4  }
0xcf: {  	v1 =	vmul.f32 v0, v1;
	_ =	sdelay $0x1  }
0xd0: {  	[tilespmem:s2+$0xFFFFFF80] =	vst v1  }
0xd1: {  	v1 =	vld [tilespmem:s4+$0x10];
	_ =	sdelay $0x4  }
0xd2: {  	v1 =	vmul.f32 v0, v1;
	_ =	sdelay $0x1  }
0xd3: {  	[tilespmem:s2+$0xFFFFFF90] =	vst v1  }
0xd4: {  	v1 =	vld [tilespmem:s4+$0x20];
	_ =	sdelay $0x4  }
0xd5: {  	v1 =	vmul.f32 v1, v0;
	_ =	sdelay $0x1  }
0xd6: {  	[tilespmem:s2+$0xFFFFFFA0] =	vst v1  }
0xd7: {  	v1 =	vld [tilespmem:s4+$0x30];
	_ =	sdelay $0x4  }
0xd8: {  	v0 =	vmul.f32 v1, v0;
	_ =	sdelay $0x1  }
0xd9: {  	[tilespmem:s2+$0xFFFFFFB0] =	vst v0  }
0xda: {  	v0 =	vld [tilespmem:s4+$0xC0]  }
0xdb: {  	v1 =	vld [tilespmem:s4+$0x20D0];
	_ =	sdelay $0x4  }
0xdc: {  	v0 =	vadd.f32 v1, v0;
	_ =	sdelay $0x1  }
0xdd: {  	v1 =	vmul.f32 $2.000000030e-01, v0;
	_ =	sdelay $0x1  }
0xde: {  	v0 =	vmax.f32 v0, v1  }
0xdf: {  	v0 =	vmul.f32 $1.442695020e+00, v0;
	_ =	sdelay $0x1  }
0xe0: {  	(erf) = vpow2.f32 v0;
	_ =	sdelay $0x8  }
0xe1: {  	v0 =	vpop (erf)  }
0xe2: {  	[tilespmem:s2+$0x40] =	vst v0  }
0xe3: {  	v1 =	vld [tilespmem:s4+$0x80];
	_ =	sdelay $0x4  }
0xe4: {  	v1 =	vmul.f32 v0, v1;
	_ =	sdelay $0x1  }
0xe5: {  	[tilespmem:s2+$0x0] =	vst v1  }
0xe6: {  	v1 =	vld [tilespmem:s4+$0x90];
	_ =	sdelay $0x4  }
0xe7: {  	v1 =	vmul.f32 v0, v1;
	_ =	sdelay $0x1  }
0xe8: {  	[tilespmem:s2+$0x10] =	vst v1  }
0xe9: {  	v1 =	vld [tilespmem:s4+$0xA0];
	_ =	sdelay $0x4  }
0xea: {  	v1 =	vmul.f32 v1, v0;
	_ =	sdelay $0x1  }
0xeb: {  	[tilespmem:s2+$0x20] =	vst v1  }
0xec: {  	v1 =	vld [tilespmem:s4+$0xB0];
	_ =	sdelay $0x2  }
.Ltmp0:
0xed: {  	(pc) =	sbr.rel @p0 .LBB2_3-.Ltmp0, $3  }
0xee: {  	_ = 	snop  }
0xef: {  	v0 =	vmul.f32 v1, v0;
	_ =	sdelay $0x1  }
0xf0: {  	s4 =	sadd.s32 $0x100, s4;
	[tilespmem:s2+$0x30] =	vst v0  }
0xf1: {  	[spmem:s24] =	stream.indirect.scatter.add.f32 [tilespmem:s12], [sflag:$0x3], $0x50, s18, s19, $0xb8;
	[tilespmem:$0x16980] =	vst v63  }
0xf2: {  	_ =	swait.ge [sflag:s13], $0x1400  }
0xf3: {  	[sflag:s13] =	ssyncset.done $0x0  }
0xf4: {  	s0 =	sadd.s32 s0, s31;
	[sflag:s13] =	ssyncadd.s32 $0xFFFFEC00  }
0xf5: {  	[tilespmem:s1], [sflag:$0x3] =	stream.linear.gather [hbm4b:s0+s1], $0x80, $0x38;
	[tilespmem:$0x16980] =	vst v63  }
0xf6: {  	_ =	swait.ge [sflag:s13], $0x80  }
0xf7: {  	[sflag:s13] =	ssyncset.done $0x0  }
0xf8: {  	[sflag:s13] =	ssyncadd.s32 $0xFFFFFF80  }
0xf9: {  	[tilespmem:s15], [sflag:$0x1] =	stream.indirect.gather [hbm4b:s29+s14], $0x80, s1, s14, $0xb8;
	[tilespmem:$0x16980] =	vst v63  }
0xfa: {  	s20 =	sadd.s32 s20, s11;
	_ =	swait.ge [sflag:s23], $0x4000  }
0xfb: {  	s0 =	sshrl.u32 s20, $0x3;
	[sflag:s23] =	ssyncset.done $0x0  }
0xfc: {  	s0 =	sadd.s32 s21, s0;
	[sflag:s23] =	ssyncadd.s32 $0xFFFFC000  }
0xfd: {  	[tilespmem:s18], [sflag:$0x3] =	stream.linear.gather [hbm4b:s0+s1], $0x40, $0x38;
	[tilespmem:$0x16980] =	vst v63  }
0xfe: {  	_ =	swait.ge [sflag:s13], $0x40  }
0xff: {  	[sflag:s13] =	ssyncset.done $0x0  }
0x100: {  	s2 =	simm.s32 $0x4180;
	[sflag:s13] =	ssyncadd.s32 $0xFFFFFFC0  }
0x101: {  	v0 =	vld [tilespmem:s2+$0x40]  }
0x102: {  	v1 =	vld [tilespmem:s2+$0x2050];
	_ =	sdelay $0x4  }
0x103: {  	v0 =	vadd.f32 v1, v0;
	_ =	sdelay $0x1  }
0x104: {  	v1 =	vmul.f32 $2.000000030e-01, v0;
	_ =	sdelay $0x1  }
0x105: {  	v0 =	vmax.f32 v0, v1  }
0x106: {  	v0 =	vmul.f32 $1.442695020e+00, v0;
	_ =	sdelay $0x1  }
0x107: {  	(erf) = vpow2.f32 v0;
	_ =	sdelay $0x8  }
0x108: {  	s0 =	simm.s32 $0x8200;
	v0 =	vpop (erf)  }
0x109: {  	[tilespmem:s0+$0xFFFFFFC0] =	vst v0  }
0x10a: {  	v61 =	vld [tilespmem:s2+$0x0];
	_ =	sdelay $0x4  }
0x10b: {  	v1 =	vmul.f32 v0, v61;
	_ =	sdelay $0x1  }
0x10c: {  	[tilespmem:s0+$0xFFFFFF80] =	vst v1  }
0x10d: {  	v1 =	vld [tilespmem:s2+$0x10];
	_ =	sdelay $0x4  }
0x10e: {  	v1 =	vmul.f32 v0, v1;
	_ =	sdelay $0x1  }
0x10f: {  	[tilespmem:s0+$0xFFFFFF90] =	vst v1  }
0x110: {  	v1 =	vld [tilespmem:s2+$0x20];
	_ =	sdelay $0x4  }
0x111: {  	v1 =	vmul.f32 v1, v0;
	_ =	sdelay $0x1  }
0x112: {  	[tilespmem:s0+$0xFFFFFFA0] =	vst v1  }
0x113: {  	v1 =	vld [tilespmem:s2+$0x30];
	_ =	sdelay $0x4  }
0x114: {  	v0 =	vmul.f32 v1, v0;
	_ =	sdelay $0x1  }
0x115: {  	[tilespmem:s0+$0xFFFFFFB0] =	vst v0  }
0x116: {  	v0 =	vld [tilespmem:s2+$0xC0]  }
0x117: {  	v62 =	vld [tilespmem:s2+$0x20D0];
	_ =	sdelay $0x4  }
0x118: {  	v0 =	vadd.f32 v62, v0;
	_ =	sdelay $0x1  }
0x119: {  	v1 =	vmul.f32 $2.000000030e-01, v0;
	_ =	sdelay $0x1  }
0x11a: {  	v0 =	vmax.f32 v0, v1  }
0x11b: {  	v0 =	vmul.f32 $1.442695020e+00, v0;
	_ =	sdelay $0x1  }
0x11c: {  	(erf) = vpow2.f32 v0;
	_ =	sdelay $0x8  }
0x11d: {  	v0 =	vpop (erf)  }
0x11e: {  	[tilespmem:s0+$0x40] =	vst v0  }
0x11f: {  	v63 =	vld [tilespmem:s2+$0x80];
	_ =	sdelay $0x4  }
0x120: {  	v1 =	vmul.f32 v0, v63;
	_ =	sdelay $0x1  }
0x121: {  	[tilespmem:s0+$0x0] =	vst v1  }
0x122: {  	v1 =	vld [tilespmem:s2+$0x90];
	_ =	sdelay $0x4  }
0x123: {  	v1 =	vmul.f32 v0, v1;
	_ =	sdelay $0x1  }
0x124: {  	[tilespmem:s0+$0x10] =	vst v1  }
0x125: {  	v1 =	vld [tilespmem:s2+$0xA0];
	_ =	sdelay $0x4  }
0x126: {  	v1 =	vmul.f32 v1, v0;
	_ =	sdelay $0x1  }
0x127: {  	[tilespmem:s0+$0x20] =	vst v1  }
0x128: {  	v1 =	vld [tilespmem:s2+$0xB0];
	_ =	sdelay $0x4  }
0x129: {  	v0 =	vmul.f32 v1, v0;
	_ =	sdelay $0x1  }
0x12a: {  	s3 =	simm.s32 $0x4280;
	s2 =	simm.s32 $0x0;
	[tilespmem:s0+$0x30] =	vst v0  }
.LBB2_5:
0x12b: {  	v0 =	vld [tilespmem:s3+$0x40]  }
0x12c: {  	v1 =	vld [tilespmem:s3+$0x2050]  }
0x12d: {  	s2 =	sadd.s32 $0x2, s2  }
0x12e: {  	p0 =	slt.u32 s2, $0x3E;
	_ =	sdelay $0x2  }
0x12f: {  	v0 =	vadd.f32 v1, v0;
	_ =	sdelay $0x1  }
0x130: {  	v1 =	vmul.f32 $2.000000030e-01, v0;
	_ =	sdelay $0x1  }
0x131: {  	v0 =	vmax.f32 v0, v1  }
0x132: {  	v0 =	vmul.f32 $1.442695020e+00, v0;
	_ =	sdelay $0x1  }
0x133: {  	(erf) = vpow2.f32 v0;
	_ =	sdelay $0x8  }
0x134: {  	s0 =	sadd.s32 $0x100, s0;
	v0 =	vpop (erf)  }
0x135: {  	[tilespmem:s0+$0xFFFFFFC0] =	vst v0  }
0x136: {  	v1 =	vld [tilespmem:s3+$0x0];
	_ =	sdelay $0x4  }
0x137: {  	v1 =	vmul.f32 v0, v1;
	_ =	sdelay $0x1  }
0x138: {  	[tilespmem:s0+$0xFFFFFF80] =	vst v1  }
0x139: {  	v1 =	vld [tilespmem:s3+$0x10];
	_ =	sdelay $0x4  }
0x13a: {  	v1 =	vmul.f32 v0, v1;
	_ =	sdelay $0x1  }
0x13b: {  	[tilespmem:s0+$0xFFFFFF90] =	vst v1  }
0x13c: {  	v1 =	vld [tilespmem:s3+$0x20];
	_ =	sdelay $0x4  }
0x13d: {  	v1 =	vmul.f32 v1, v0;
	_ =	sdelay $0x1  }
0x13e: {  	[tilespmem:s0+$0xFFFFFFA0] =	vst v1  }
0x13f: {  	v1 =	vld [tilespmem:s3+$0x30];
	_ =	sdelay $0x4  }
0x140: {  	v0 =	vmul.f32 v1, v0;
	_ =	sdelay $0x1  }
0x141: {  	[tilespmem:s0+$0xFFFFFFB0] =	vst v0  }
0x142: {  	v0 =	vld [tilespmem:s3+$0xC0]  }
0x143: {  	v1 =	vld [tilespmem:s3+$0x20D0];
	_ =	sdelay $0x4  }
0x144: {  	v0 =	vadd.f32 v1, v0;
	_ =	sdelay $0x1  }
0x145: {  	v1 =	vmul.f32 $2.000000030e-01, v0;
	_ =	sdelay $0x1  }
0x146: {  	v0 =	vmax.f32 v0, v1  }
0x147: {  	v0 =	vmul.f32 $1.442695020e+00, v0;
	_ =	sdelay $0x1  }
0x148: {  	(erf) = vpow2.f32 v0;
	_ =	sdelay $0x8  }
0x149: {  	v0 =	vpop (erf)  }
0x14a: {  	[tilespmem:s0+$0x40] =	vst v0  }
0x14b: {  	v1 =	vld [tilespmem:s3+$0x80];
	_ =	sdelay $0x4  }
0x14c: {  	v1 =	vmul.f32 v0, v1;
	_ =	sdelay $0x1  }
0x14d: {  	[tilespmem:s0+$0x0] =	vst v1  }
0x14e: {  	v1 =	vld [tilespmem:s3+$0x90];
	_ =	sdelay $0x4  }
0x14f: {  	v1 =	vmul.f32 v0, v1;
	_ =	sdelay $0x1  }
0x150: {  	[tilespmem:s0+$0x10] =	vst v1  }
0x151: {  	v1 =	vld [tilespmem:s3+$0xA0];
	_ =	sdelay $0x4  }
0x152: {  	v1 =	vmul.f32 v1, v0;
	_ =	sdelay $0x1  }
0x153: {  	[tilespmem:s0+$0x20] =	vst v1  }
0x154: {  	v1 =	vld [tilespmem:s3+$0xB0];
	_ =	sdelay $0x2  }
.Ltmp1:
0x155: {  	(pc) =	sbr.rel @p0 .LBB2_5-.Ltmp1, $3  }
0x156: {  	_ = 	snop  }
0x157: {  	v0 =	vmul.f32 v1, v0;
	_ =	sdelay $0x1  }
0x158: {  	s3 =	sadd.s32 $0x100, s3;
	[tilespmem:s0+$0x30] =	vst v0  }
0x159: {  	s26 =	sadd.s32 $0x1, s26  }
0x15a: {  	p0 =	sne.s32 s26, $0x51  }
.Ltmp2:
0x15b: {  	_ = 	snop;
	(pc) =	sbr.rel @p0 .LBB2_2-.Ltmp2, $4  }
0x15c: {  	[spmem:s24] =	stream.indirect.scatter.add.f32 [tilespmem:s12], [sflag:$0x3], $0x50, s18, s19, $0xb8;
	[tilespmem:$0x16980] =	vst v63  }
0x15d: {  	_ =	swait.ge [sflag:s13], $0x1400  }
0x15e: {  	[sflag:s13] =	ssyncset.done $0x0  }
0x15f: {  	[sflag:s13] =	ssyncadd.s32 $0xFFFFEC00  }
0x160: {  	_ =	swait.ge [sflag:s17], $0x4000  }
0x161: {  	[sflag:s17] =	ssyncset.done $0x0  }
0x162: {  	[sflag:s17] =	ssyncadd.s32 $0xFFFFC000  }
0x163: {  	[bflag:$0x0] =	sbarrier.arrive $0xFFFF  }
0x164: {  	s2 =	rddreg [dreg:$0x1c]  }
0x165: {  	[tilespmem:s12], [sflag:$0x3] =	stream.linear.gather [spmem:s2], $0x2000, $0x38;
	[tilespmem:$0x16980] =	vst v63  }
0x166: {  	_ =	swait.ge [sflag:s13], $0x2000  }
0x167: {  	[sflag:s13] =	ssyncset.done $0x0  }
0x168: {  	s0 =	rddreg [dreg:$0xe];
	[sflag:s13] =	ssyncadd.s32 $0xFFFFE000  }
0x169: {  	[hbm4b:s0+s1] =	stream.linear.scatter [tilespmem:s12], [sflag:$0x3], $0x2000, $0x38;
	[tilespmem:$0x16980] =	vst v63  }
0x16a: {  	_ =	swait.ge [sflag:s13], $0x2000  }
0x16b: {  	[sflag:s13] =	ssyncset.done $0x0  }
0x16c: {  	[sflag:s13] =	ssyncadd.s32 $0xFFFFE000  }
0x16d: {  	[tilespmem:s12], [sflag:$0x3] =	stream.linear.gather [spmem:s6], $0x2000, $0x38;
	[tilespmem:$0x16980] =	vst v63  }
0x16e: {  	_ =	swait.ge [sflag:s13], $0x2000  }
0x16f: {  	[sflag:s13] =	ssyncset.done $0x0  }
0x170: {  	s3 =	smov.u32 s6;
	s6 =	rddreg [dreg:$0xf];
	[sflag:s13] =	ssyncadd.s32 $0xFFFFE000  }
0x171: {  	[hbm4b:s6+s1] =	stream.linear.scatter [tilespmem:s12], [sflag:$0x3], $0x2000, $0x38;
	[tilespmem:$0x16980] =	vst v63  }
0x172: {  	_ =	swait.ge [sflag:s13], $0x2000  }
0x173: {  	[sflag:s13] =	ssyncset.done $0x0  }
0x174: {  	[sflag:s13] =	ssyncadd.s32 $0xFFFFE000  }
0x175: {  	[tilespmem:s12], [sflag:$0x3] =	stream.linear.gather [spmem:s7], $0x2000, $0x38;
	[tilespmem:$0x16980] =	vst v63  }
0x176: {  	_ =	swait.ge [sflag:s13], $0x2000  }
0x177: {  	[sflag:s13] =	ssyncset.done $0x0  }
0x178: {  	s4 =	smov.u32 s7;
	s7 =	rddreg [dreg:$0x10];
	[sflag:s13] =	ssyncadd.s32 $0xFFFFE000  }
0x179: {  	[hbm4b:s7+s1] =	stream.linear.scatter [tilespmem:s12], [sflag:$0x3], $0x2000, $0x38;
	[tilespmem:$0x16980] =	vst v63  }
0x17a: {  	_ =	swait.ge [sflag:s13], $0x2000  }
0x17b: {  	[sflag:s13] =	ssyncset.done $0x0  }
0x17c: {  	[sflag:s13] =	ssyncadd.s32 $0xFFFFE000  }
0x17d: {  	[tilespmem:s12], [sflag:$0x3] =	stream.linear.gather [spmem:s8], $0x2000, $0x38;
	[tilespmem:$0x16980] =	vst v63  }
0x17e: {  	_ =	swait.ge [sflag:s13], $0x2000  }
0x17f: {  	[sflag:s13] =	ssyncset.done $0x0  }
0x180: {  	s20 =	smov.u32 s8;
	s8 =	rddreg [dreg:$0x11];
	[sflag:s13] =	ssyncadd.s32 $0xFFFFE000  }
0x181: {  	[hbm4b:s8+s1] =	stream.linear.scatter [tilespmem:s12], [sflag:$0x3], $0x2000, $0x38;
	[tilespmem:$0x16980] =	vst v63  }
0x182: {  	_ =	swait.ge [sflag:s13], $0x2000  }
0x183: {  	[sflag:s13] =	ssyncset.done $0x0  }
0x184: {  	[sflag:s13] =	ssyncadd.s32 $0xFFFFE000  }
0x185: {  	[tilespmem:s12], [sflag:$0x3] =	stream.linear.gather [spmem:s9], $0x2000, $0x38;
	[tilespmem:$0x16980] =	vst v63  }
0x186: {  	_ =	swait.ge [sflag:s13], $0x2000  }
0x187: {  	[sflag:s13] =	ssyncset.done $0x0  }
0x188: {  	s10 =	rddreg [dreg:$0x12];
	[sflag:s13] =	ssyncadd.s32 $0xFFFFE000  }
0x189: {  	[hbm4b:s10+s1] =	stream.linear.scatter [tilespmem:s12], [sflag:$0x3], $0x2000, $0x38;
	[tilespmem:$0x16980] =	vst v63  }
0x18a: {  	_ =	swait.ge [sflag:s13], $0x2000  }
0x18b: {  	[sflag:s13] =	ssyncset.done $0x0  }
0x18c: {  	s10 =	rddreg [dreg:$0x1a];
	[sflag:s13] =	ssyncadd.s32 $0xFFFFE000  }
0x18d: {  	[tilespmem:s12], [sflag:$0x3] =	stream.linear.gather [spmem:s10], $0x2000, $0x38;
	[tilespmem:$0x16980] =	vst v63  }
0x18e: {  	_ =	swait.ge [sflag:s13], $0x2000  }
0x18f: {  	[sflag:s13] =	ssyncset.done $0x0  }
0x190: {  	s5 =	rddreg [dreg:$0x13];
	[sflag:s13] =	ssyncadd.s32 $0xFFFFE000  }
0x191: {  	[hbm4b:s5+s1] =	stream.linear.scatter [tilespmem:s12], [sflag:$0x3], $0x2000, $0x38;
	[tilespmem:$0x16980] =	vst v63  }
0x192: {  	_ =	swait.ge [sflag:s13], $0x2000  }
0x193: {  	[sflag:s13] =	ssyncset.done $0x0  }
0x194: {  	s5 =	rddreg [dreg:$0x1b];
	[sflag:s13] =	ssyncadd.s32 $0xFFFFE000  }
0x195: {  	[tilespmem:s12], [sflag:$0x3] =	stream.linear.gather [spmem:s5], $0x2000, $0x38;
	[tilespmem:$0x16980] =	vst v63  }
0x196: {  	_ =	swait.ge [sflag:s13], $0x2000  }
0x197: {  	[sflag:s13] =	ssyncset.done $0x0  }
0x198: {  	s6 =	rddreg [dreg:$0x14];
	[sflag:s13] =	ssyncadd.s32 $0xFFFFE000  }
0x199: {  	[hbm4b:s6+s1] =	stream.linear.scatter [tilespmem:s12], [sflag:$0x3], $0x2000, $0x38;
	[tilespmem:$0x16980] =	vst v63  }
0x19a: {  	_ =	swait.ge [sflag:s13], $0x2000  }
0x19b: {  	[sflag:s13] =	ssyncset.done $0x0  }
0x19c: {  	s6 =	rddreg [dreg:$0x1d];
	[sflag:s13] =	ssyncadd.s32 $0xFFFFE000  }
0x19d: {  	[tilespmem:s12], [sflag:$0x3] =	stream.linear.gather [spmem:s6], $0x2000, $0x38;
	[tilespmem:$0x16980] =	vst v63  }
0x19e: {  	_ =	swait.ge [sflag:s13], $0x2000  }
0x19f: {  	[sflag:s13] =	ssyncset.done $0x0  }
0x1a0: {  	s7 =	rddreg [dreg:$0x15];
	[sflag:s13] =	ssyncadd.s32 $0xFFFFE000  }
0x1a1: {  	[hbm4b:s7+s1] =	stream.linear.scatter [tilespmem:s12], [sflag:$0x3], $0x2000, $0x38;
	[tilespmem:$0x16980] =	vst v63  }
0x1a2: {  	_ =	swait.ge [sflag:s13], $0x2000  }
0x1a3: {  	[sflag:s13] =	ssyncset.done $0x0  }
0x1a4: {  	s7 =	rddreg [dreg:$0x1e];
	[sflag:s13] =	ssyncadd.s32 $0xFFFFE000  }
0x1a5: {  	[tilespmem:s12], [sflag:$0x3] =	stream.linear.gather [spmem:s7], $0x2000, $0x38;
	[tilespmem:$0x16980] =	vst v63  }
0x1a6: {  	_ =	swait.ge [sflag:s13], $0x2000  }
0x1a7: {  	[sflag:s13] =	ssyncset.done $0x0  }
0x1a8: {  	s8 =	rddreg [dreg:$0x16];
	[sflag:s13] =	ssyncadd.s32 $0xFFFFE000  }
0x1a9: {  	[hbm4b:s8+s1] =	stream.linear.scatter [tilespmem:s12], [sflag:$0x3], $0x2000, $0x38;
	[tilespmem:$0x16980] =	vst v63  }
0x1aa: {  	_ =	swait.ge [sflag:s13], $0x2000  }
0x1ab: {  	[sflag:s13] =	ssyncset.done $0x0  }
0x1ac: {  	s8 =	rddreg [dreg:$0x1f];
	[sflag:s13] =	ssyncadd.s32 $0xFFFFE000  }
0x1ad: {  	[tilespmem:s12], [sflag:$0x3] =	stream.linear.gather [spmem:s8], $0x2000, $0x38;
	[tilespmem:$0x16980] =	vst v63  }
0x1ae: {  	_ =	swait.ge [sflag:s13], $0x2000  }
0x1af: {  	[sflag:s13] =	ssyncset.done $0x0  }
0x1b0: {  	s26 =	smov.u32 s9;
	s9 =	rddreg [dreg:$0x17];
	[sflag:s13] =	ssyncadd.s32 $0xFFFFE000  }
0x1b1: {  	[hbm4b:s9+s1] =	stream.linear.scatter [tilespmem:s12], [sflag:$0x3], $0x2000, $0x38;
	[tilespmem:$0x16980] =	vst v63  }
0x1b2: {  	_ =	swait.ge [sflag:s13], $0x2000  }
0x1b3: {  	s25 =	sadd.s32 $0x1, s25;
	s9 =	rddreg [dreg:$0x19]  }
0x1b4: {  	p0 =	sne.s32 s25, s9  }
.Ltmp3:
0x1b5: {  	_ = 	snop;
	(pc) =	sbr.rel @p0 .LBB2_1-.Ltmp3, $3  }
0x1b6: {  	_ =	sdelay $0x1  }
0x1b7: {  	[sflag:s13] =	ssyncset.done $0x0  }
0x1b8: {  	[sflag:s13] =	ssyncadd.s32 $0xFFFFE000  }
0x1b9: {  	_ =	sfence.sel $0x180000  }
0x1ba: {  	[bflag:$0x0] =	sbarrier.arrive $0xFFFF  }
0x1bb: {  	_ =	strace $0x90000047  }
0x1bc: {  	s0 =	stileid.u32;
	[bflag:$0x2] =	sbarrier.arrive $0xFFFF  }
0x1bd: {  	p0 =	sne.s32 s0, $0x0;
	s0 =	rddreg [dreg:$0x3]  }
0x1be: {  	s0 =	sadd.s32 @!p0 $0x100000, s0  }
0x1bf: {  	[sflag:s0] =	ssyncadd.tile.s32 @!p0 $0x1;
	_ =	shalt  }
.Lfunc_end2:
_tile_overlayer_lowered:
.L_overlay_start_2:
0x1c0: {  	(tag) =	ssettag $0x2  }
0x1c1: {  	s0 =	rddreg [dreg:$0x0];
	s2 =	stileid.u32  }
0x1c2: {  	s1 =	rddreg [dreg:$0x1];
	p0 =	sne.s32 s2, $0x0  }
0x1c3: {  	s3 =	rddreg [dreg:$0x2];
	[bflag:$0x3] =	sbarrier.arrive $0xFFFF;
	s2 =	simm.s32 @!p0 $0x1C03  }
0x1c4: {  	[timem:s3], [sflag:s2] =	dma.local @!p0 [hbm:s0], s1  }
0x1c5: {  	s0 =	simm.s32 @!p0 $0x3  }
0x1c6: {  	_ =	swait.ge @!p0 [sflag:s0], s1  }
0x1c7: {  	s1 =	ssub.s32 @!p0 $0x0, s1;
	[sflag:s0] =	ssyncset.done @!p0 $0x0  }
0x1c8: {  	[sflag:s0] =	ssyncadd.s32 @!p0 s1  }
0x1c9: {  	[bflag:$0x3] =	sbarrier.arrive $0xFFFF  }
0x1ca: {  	_ =	shalt  }

</sc_bundles>
